<compile_context>
chip_gen: v7x
topology: tpu7x:2x2x1
jax: 0.10.2.dev20260603
libtpu: 0.0.44.dev20260713+nightly
codegen_flags: <defaults>
</compile_context>

<pallas_src>
import jax
import jax.numpy as jnp
from jax import lax
from jax.experimental import pallas as pl
from jax.experimental.pallas import tpu as pltpu
from jax.experimental.pallas import tpu_sc as plsc

N = 100000
K = 16
NC = 2
NS = 16
NW = NC * NS
P = 3136
B = 448
NB = P // B
G = B // 16
CH = (B * K) // 128


def _rsqrt(x):
    i = lax.bitcast_convert_type(x, jnp.int32)
    i = jnp.int32(0x5F3759DF) - lax.shift_right_logical(i, 1)
    y = lax.bitcast_convert_type(i, jnp.float32)
    for _ in range(3):
        y = y * (1.5 - 0.5 * x * y * y)
    return y


def _sc_body(xyz4, xyz4f, knnv, scf, rtf, nmf,
             o_size, o_d, o_norm,
             knn_s, rows_s, xyz_s, sc_s, rt_s, nm_s, os_s, od_s, on_s, sem):
    wid = lax.axis_index("s") * NC + lax.axis_index("c")
    iota = lax.iota(jnp.int32, 16)
    cc0 = jnp.zeros((16,), jnp.int32)
    cc1 = jnp.full((16,), 1, jnp.int32)
    cc2 = jnp.full((16,), 2, jnp.int32)

    def block(b, _):
        base = jnp.minimum(wid * P + b * B, N - B)
        pltpu.sync_copy(knnv.at[pl.ds(base * K, B * K)], knn_s)
        pltpu.sync_copy(xyz4f.at[pl.ds(base * 4, B * 4)], xyz_s)
        pltpu.sync_copy(scf.at[pl.ds(base * 3, B * 3)], sc_s)
        pltpu.sync_copy(rtf.at[pl.ds(base * 4, B * 4)], rt_s)
        pltpu.sync_copy(nmf.at[pl.ds(base * 3, B * 3)], nm_s)
        copies = [
            pltpu.async_copy(xyz4.at[knn_s.at[pl.ds(j * 128, 128)]],
                             rows_s.at[pl.ds(j * 128, 128), :], sem)
            for j in range(CH)
        ]
        for c in copies:
            c.wait()

        def group(g, _):
            r3 = (g * 48 + iota * 3)
            r4 = (g * 64 + iota * 4)
            sx = jnp.abs(plsc.load_gather(sc_s, [r3]))
            sy = jnp.abs(plsc.load_gather(sc_s, [r3 + 1]))
            sz = jnp.abs(plsc.load_gather(sc_s, [r3 + 2]))
            qw = plsc.load_gather(rt_s, [r4])
            qx = plsc.load_gather(rt_s, [r4 + 1])
            qy = plsc.load_gather(rt_s, [r4 + 2])
            qz = plsc.load_gather(rt_s, [r4 + 3])
            nx = plsc.load_gather(nm_s, [r3])
            ny = plsc.load_gather(nm_s, [r3 + 1])
            nz = plsc.load_gather(nm_s, [r3 + 2])
            px = plsc.load_gather(xyz_s, [r4])
            py = plsc.load_gather(xyz_s, [r4 + 1])
            pz = plsc.load_gather(xyz_s, [r4 + 2])

            s2 = qw * qw + qx * qx + qy * qy + qz * qz
            sq = s2 * _rsqrt(jnp.maximum(s2, 1e-30))
            inv = 1.0 / (sq + 1e-8)
            w = qw * inv
            x = qx * inv
            y = qy * inv
            z = qz * inv
            xx, yy, zz = x * x, y * y, z * z
            xy, xz, yz = x * y, x * z, y * z
            wx, wy, wz = w * x, w * y, w * z
            c0x, c0y, c0z = 1 - 2 * (yy + zz), 2 * (xy + wz), 2 * (xz - wy)
            c1x, c1y, c1z = 2 * (xy - wz), 1 - 2 * (xx + zz), 2 * (yz + wx)
            c2x, c2y, c2z = 2 * (xz + wy), 2 * (yz - wx), 1 - 2 * (xx + yy)
            is0 = (sx <= sy) & (sx <= sz)
            is1 = jnp.logical_not(is0) & (sy <= sz)
            ngx = jnp.where(is0, c0x, jnp.where(is1, c1x, c2x))
            ngy = jnp.where(is0, c0y, jnp.where(is1, c1y, c2y))
            ngz = jnp.where(is0, c0z, jnp.where(is1, c1z, c2z))

            loss_size = jnp.minimum(sx, jnp.minimum(sy, sz))

            nn = nx * nx + ny * ny + nz * nz
            snn = nn * _rsqrt(jnp.maximum(nn, 1e-30))
            invn = 1.0 / (snn + 1e-8)
            cos = (ngx * nx + ngy * ny + ngz * nz) * invn
            loss_normal = 1.0 - jnp.abs(cos)

            cd = -(px * ngx + py * ngy + pz * ngz)
            rbase = g * 256 + iota * 16
            ds = []
            acc = None
            for k in range(K):
                nbx = plsc.load_gather(rows_s, [rbase + k, cc0])
                nby = plsc.load_gather(rows_s, [rbase + k, cc1])
                nbz = plsc.load_gather(rows_s, [rbase + k, cc2])
                dk = nbx * ngx + nby * ngy + nbz * ngz + cd
                ds.append(dk)
                acc = dk if acc is None else acc + dk
            mean = acc * (1.0 / K)
            aacc = None
            for dk in ds:
                t = jnp.abs(dk - mean)
                aacc = t if aacc is None else aacc + t
            loss_d = aacc * (1.0 / K)

            os_s[pl.ds(g * 16, 16)] = loss_size
            od_s[pl.ds(g * 16, 16)] = loss_d
            on_s[pl.ds(g * 16, 16)] = loss_normal
            return 0

        lax.fori_loop(0, G, group, 0)
        pltpu.sync_copy(os_s, o_size.at[pl.ds(base, B)])
        pltpu.sync_copy(od_s, o_d.at[pl.ds(base, B)])
        pltpu.sync_copy(on_s, o_norm.at[pl.ds(base, B)])
        return 0

    lax.fori_loop(0, NB, block, 0)


@jax.jit
def _run(xyz4, xyz4f, knnv, scf, rtf, nmf):
    f32 = jnp.float32
    out = jax.ShapeDtypeStruct((N,), f32)
    kfn = pl.kernel(
        _sc_body,
        out_type=(out, out, out),
        mesh=plsc.VectorSubcoreMesh(core_axis_name="c", subcore_axis_name="s"),
        compiler_params=pltpu.CompilerParams(needs_layout_passes=False,
                                             use_tc_tiling_on_sc=False),
        scratch_types=[
            pltpu.VMEM((B * K,), jnp.int32),
            pltpu.VMEM((B * K, 4), f32),
            pltpu.VMEM((B * 4,), f32),
            pltpu.VMEM((B * 3,), f32),
            pltpu.VMEM((B * 4,), f32),
            pltpu.VMEM((B * 3,), f32),
            pltpu.VMEM((B,), f32),
            pltpu.VMEM((B,), f32),
            pltpu.VMEM((B,), f32),
            pltpu.SemaphoreType.DMA,
        ],
    )
    return kfn(xyz4, xyz4f, knnv, scf, rtf, nmf)


def kernel(xyz, xyz_id, scales, rotation, knn_index, normal):
    xyz4 = jnp.pad(xyz, ((0, 0), (0, 1)))
    knnv = knn_index.astype(jnp.int32).reshape(N * K)
    return _run(xyz4, xyz4.reshape(N * 4), knnv, scales.reshape(N * 3),
                rotation.reshape(N * 4), normal.reshape(N * 3))

# --- scband reference (transcript-rebuilt; emitter-appended) ---
"""Pipeline reference for scband-flattened-align-90185723281676 (READ-ONLY COPY).

The authoritative reference and input builder live on the scoring server;
editing this copy changes nothing except your own understanding.
"""

import jax, jax.numpy as jnp
import numpy as np


def _quat_to_rotmat(q):
    q = q / (jnp.linalg.norm(q, axis=-1, keepdims=True) + 1e-8)
    w, x, y, z = q[..., 0], q[..., 1], q[..., 2], q[..., 3]
    r0 = jnp.stack([1 - 2 * (y * y + z * z), 2 * (x * y - w * z), 2 * (x * z + w * y)], axis=-1)
    r1 = jnp.stack([2 * (x * y + w * z), 1 - 2 * (x * x + z * z), 2 * (y * z - w * x)], axis=-1)
    r2 = jnp.stack([2 * (x * z - w * y), 2 * (y * z + w * x), 1 - 2 * (x * x + y * y)], axis=-1)
    return jnp.stack([r0, r1, r2], axis=-2)  # [N,3,3], rows of R


def setup_inputs(seed: int = 0) -> dict:
    key = jax.random.key(seed)
    k1, k2, k3, k4, k5 = jax.random.split(key, 5)
    N, K = 100000, 16
    xyz = jax.random.normal(k1, (N, 3), dtype=jnp.float32)
    xyz_id = jnp.arange(N, dtype=jnp.int64) if jax.config.jax_enable_x64 else jnp.arange(N, dtype=jnp.int32)
    scales = jax.random.uniform(k2, (N, 3), dtype=jnp.float32)
    rotation = jax.random.normal(k3, (N, 4), dtype=jnp.float32)
    knn_index = jax.random.randint(k4, (N, K), 0, N)
    normal = jax.random.normal(k5, (N, 3), dtype=jnp.float32)
    return {"xyz": xyz, "xyz_id": xyz_id, "scales": scales, "rotation": rotation, "knn_index": knn_index, "normal": normal}


def reference(xyz, xyz_id, scales, rotation, knn_index, normal):
    # Gaussian normal = rotation-matrix column along the smallest scale axis
    R = _quat_to_rotmat(rotation)                       # [N,3,3]
    min_idx = jnp.argmin(jnp.abs(scales), axis=-1)      # [N]
    oh = jax.nn.one_hot(min_idx, 3, dtype=xyz.dtype)    # [N,3]
    normal_g = jnp.einsum('nij,nj->ni', R, oh)          # [N,3] column select

    # loss_size: penalize the smallest scale (encourage flattened gaussians)
    loss_size = jnp.sum(jnp.abs(scales) * oh, axis=-1)  # [N]

    # loss_d: knn neighbors' distance spread to the gaussian plane
    neighbors = jnp.take(xyz, knn_index, axis=0)        # [N,K,3] gather
    diff = neighbors - xyz[:, None, :]                  # [N,K,3]
    d = jnp.einsum('nkd,nd->nk', diff, normal_g)        # [N,K] signed plane dist
    mean_d = jnp.mean(d, axis=1)                        # [N] (binning mean, saved by CUDA kernel)
    loss_d = jnp.mean(jnp.abs(d - mean_d[:, None]), axis=1)  # [N]

    # loss_normal: align gaussian normal with supplied geometric normal
    n_ref = normal / (jnp.linalg.norm(normal, axis=-1, keepdims=True) + 1e-8)
    cos = jnp.einsum('nd,nd->n', normal_g, n_ref)
    loss_normal = 1.0 - jnp.abs(cos)                    # [N]

    return loss_size, loss_d, loss_normal

if __name__ == "__main__":
    import jax
    _d = setup_inputs()
    print(jax.jit(kernel)(*tuple(_d.values())))

</pallas_src>

<mosaic_0001>
#map = affine_map<(d0, d1) -> (0, 0)>
#map1 = affine_map<(d0, d1) -> (0)>
module attributes {stable_mosaic.version = 14 : i64} {
  func.func @_sc_body(%arg0: i32, %arg1: i32, %arg2: memref<100000x4xf32, #tpu.memory_space<hbm>>, %arg3: memref<400000xf32, #tpu.memory_space<hbm>>, %arg4: memref<1600000xi32, #tpu.memory_space<hbm>>, %arg5: memref<300000xf32, #tpu.memory_space<hbm>>, %arg6: memref<400000xf32, #tpu.memory_space<hbm>>, %arg7: memref<300000xf32, #tpu.memory_space<hbm>>, %arg8: memref<100000xf32, #tpu.memory_space<hbm>>, %arg9: memref<100000xf32, #tpu.memory_space<hbm>>, %arg10: memref<100000xf32, #tpu.memory_space<hbm>>, %arg11: memref<7168xi32, #tpu.memory_space<vmem>>, %arg12: memref<7168x4xf32, #tpu.memory_space<vmem>>, %arg13: memref<1792xf32, #tpu.memory_space<vmem>>, %arg14: memref<1344xf32, #tpu.memory_space<vmem>>, %arg15: memref<1792xf32, #tpu.memory_space<vmem>>, %arg16: memref<1344xf32, #tpu.memory_space<vmem>>, %arg17: memref<448xf32, #tpu.memory_space<vmem>>, %arg18: memref<448xf32, #tpu.memory_space<vmem>>, %arg19: memref<448xf32, #tpu.memory_space<vmem>>, %arg20: memref<!tpu.dma_semaphore, #tpu.memory_space<semaphore_mem>>) attributes {dimension_semantics = [#tpu.dimension_semantics<core_parallel>, #tpu.dimension_semantics<subcore_parallel>], iteration_bounds = array<i64: 2, 16>, scalar_prefetch = 0 : i64, scratch_operands = 10 : i64, tpu.core_type = #tpu.core_type<sc_vector_subcore>, window_params = [{transform_indices = #map}, {transform_indices = #map1}, {transform_indices = #map1}, {transform_indices = #map1}, {transform_indices = #map1}, {transform_indices = #map1}, {transform_indices = #map1}, {transform_indices = #map1}, {transform_indices = #map1}]} {
    %mul3A = arith.constant 2 : i32
    %mul3A_0 = arith.muli %arg1, %mul3A : i32
    %add3A = arith.addi %mul3A_0, %arg0 : i32
    %iota3A = tpu.iota {dimensions = array<i32: 0>} : vector<16xi32>
    %broadcast_in_dim3A = arith.constant 0 : i32
    %broadcast_in_dim3A_1 = vector.broadcast %broadcast_in_dim3A : i32 to vector<16xi32>
    %broadcast_in_dim3A_2 = arith.constant 1 : i32
    %broadcast_in_dim3A_3 = vector.broadcast %broadcast_in_dim3A_2 : i32 to vector<16xi32>
    %broadcast_in_dim3A_4 = arith.constant 2 : i32
    %broadcast_in_dim3A_5 = vector.broadcast %broadcast_in_dim3A_4 : i32 to vector<16xi32>
    %scan3A = arith.constant 0 : i32
    %scan3A_6 = arith.constant 0 : i32
    %scan3A_7 = arith.constant 7 : i32
    %scan3A_8 = arith.addi %scan3A_6, %scan3A_7 : i32
    %scan3A_9 = arith.constant 1 : i32
    %scan3A_10 = scf.for %scan3A_12 = %scan3A_6 to %scan3A_8 step %scan3A_9 iter_args(%scan3A_13 = %scan3A) -> (i32)  : i32 {
      %mul3A_14 = arith.constant 3136 : i32
      %mul3A_15 = arith.muli %add3A, %mul3A_14 : i32
      %mul3A_16 = arith.constant 448 : i32
      %mul3A_17 = arith.muli %scan3A_12, %mul3A_16 : i32
      %add3A_18 = arith.addi %mul3A_15, %mul3A_17 : i32
      %min3A = arith.constant 99552 : i32
      %min3A_19 = arith.minsi %add3A_18, %min3A : i32
      %mul3A_20 = arith.constant 16 : i32
      %mul3A_21 = arith.muli %min3A_19, %mul3A_20 : i32
      "tpu.region"() ({
        %run_scoped3A = tpu.sem_alloc : memref<!tpu.dma_semaphore, #tpu.memory_space<semaphore_mem>>
        %dma_start3A_932 = tpu.memref_slice %arg4[%mul3A_21] : memref<1600000xi32, #tpu.memory_space<hbm>> -> memref<7168xi32, #tpu.memory_space<hbm>>
        %dma_start3A_933 = tpu.memref_slice %arg4[%mul3A_21] : memref<1600000xi32, #tpu.memory_space<hbm>> -> memref<7168xi32, #tpu.memory_space<hbm>>
        tpu.enqueue_dma source(%dma_start3A_933 : memref<7168xi32, #tpu.memory_space<hbm>>) target(%arg11 : memref<7168xi32, #tpu.memory_space<vmem>>) target_semaphore(%run_scoped3A : memref<!tpu.dma_semaphore, #tpu.memory_space<semaphore_mem>>)
        %dma_wait3A_934 = tpu.memref_slice %arg4[%mul3A_21] : memref<1600000xi32, #tpu.memory_space<hbm>> -> memref<7168xi32, #tpu.memory_space<hbm>>
        %dma_wait3A_935 = tpu.memref_slice %arg4[%mul3A_21] : memref<1600000xi32, #tpu.memory_space<hbm>> -> memref<7168xi32, #tpu.memory_space<hbm>>
        tpu.wait_dma2 semaphore(%run_scoped3A : memref<!tpu.dma_semaphore, #tpu.memory_space<semaphore_mem>>) src(%dma_wait3A_935 : memref<7168xi32, #tpu.memory_space<hbm>>) dst(%arg11 : memref<7168xi32, #tpu.memory_space<vmem>>)
        tpu.yield
      }) : () -> ()
      %mul3A_22 = arith.constant 4 : i32
      %mul3A_23 = arith.muli %min3A_19, %mul3A_22 : i32
      "tpu.region"() ({
        %run_scoped3A = tpu.sem_alloc : memref<!tpu.dma_semaphore, #tpu.memory_space<semaphore_mem>>
        %dma_start3A_932 = tpu.memref_slice %arg3[%mul3A_23] : memref<400000xf32, #tpu.memory_space<hbm>> -> memref<1792xf32, #tpu.memory_space<hbm>>
        %dma_start3A_933 = tpu.memref_slice %arg3[%mul3A_23] : memref<400000xf32, #tpu.memory_space<hbm>> -> memref<1792xf32, #tpu.memory_space<hbm>>
        tpu.enqueue_dma source(%dma_start3A_933 : memref<1792xf32, #tpu.memory_space<hbm>>) target(%arg13 : memref<1792xf32, #tpu.memory_space<vmem>>) target_semaphore(%run_scoped3A : memref<!tpu.dma_semaphore, #tpu.memory_space<semaphore_mem>>)
        %dma_wait3A_934 = tpu.memref_slice %arg3[%mul3A_23] : memref<400000xf32, #tpu.memory_space<hbm>> -> memref<1792xf32, #tpu.memory_space<hbm>>
        %dma_wait3A_935 = tpu.memref_slice %arg3[%mul3A_23] : memref<400000xf32, #tpu.memory_space<hbm>> -> memref<1792xf32, #tpu.memory_space<hbm>>
        tpu.wait_dma2 semaphore(%run_scoped3A : memref<!tpu.dma_semaphore, #tpu.memory_space<semaphore_mem>>) src(%dma_wait3A_935 : memref<1792xf32, #tpu.memory_space<hbm>>) dst(%arg13 : memref<1792xf32, #tpu.memory_space<vmem>>)
        tpu.yield
      }) : () -> ()
      %mul3A_24 = arith.constant 3 : i32
      %mul3A_25 = arith.muli %min3A_19, %mul3A_24 : i32
      "tpu.region"() ({
        %run_scoped3A = tpu.sem_alloc : memref<!tpu.dma_semaphore, #tpu.memory_space<semaphore_mem>>
        %dma_start3A_932 = tpu.memref_slice %arg5[%mul3A_25] : memref<300000xf32, #tpu.memory_space<hbm>> -> memref<1344xf32, #tpu.memory_space<hbm>>
        %dma_start3A_933 = tpu.memref_slice %arg5[%mul3A_25] : memref<300000xf32, #tpu.memory_space<hbm>> -> memref<1344xf32, #tpu.memory_space<hbm>>
        tpu.enqueue_dma source(%dma_start3A_933 : memref<1344xf32, #tpu.memory_space<hbm>>) target(%arg14 : memref<1344xf32, #tpu.memory_space<vmem>>) target_semaphore(%run_scoped3A : memref<!tpu.dma_semaphore, #tpu.memory_space<semaphore_mem>>)
        %dma_wait3A_934 = tpu.memref_slice %arg5[%mul3A_25] : memref<300000xf32, #tpu.memory_space<hbm>> -> memref<1344xf32, #tpu.memory_space<hbm>>
        %dma_wait3A_935 = tpu.memref_slice %arg5[%mul3A_25] : memref<300000xf32, #tpu.memory_space<hbm>> -> memref<1344xf32, #tpu.memory_space<hbm>>
        tpu.wait_dma2 semaphore(%run_scoped3A : memref<!tpu.dma_semaphore, #tpu.memory_space<semaphore_mem>>) src(%dma_wait3A_935 : memref<1344xf32, #tpu.memory_space<hbm>>) dst(%arg14 : memref<1344xf32, #tpu.memory_space<vmem>>)
        tpu.yield
      }) : () -> ()
      %mul3A_26 = arith.constant 4 : i32
      %mul3A_27 = arith.muli %min3A_19, %mul3A_26 : i32
      "tpu.region"() ({
        %run_scoped3A = tpu.sem_alloc : memref<!tpu.dma_semaphore, #tpu.memory_space<semaphore_mem>>
        %dma_start3A_932 = tpu.memref_slice %arg6[%mul3A_27] : memref<400000xf32, #tpu.memory_space<hbm>> -> memref<1792xf32, #tpu.memory_space<hbm>>
        %dma_start3A_933 = tpu.memref_slice %arg6[%mul3A_27] : memref<400000xf32, #tpu.memory_space<hbm>> -> memref<1792xf32, #tpu.memory_space<hbm>>
        tpu.enqueue_dma source(%dma_start3A_933 : memref<1792xf32, #tpu.memory_space<hbm>>) target(%arg15 : memref<1792xf32, #tpu.memory_space<vmem>>) target_semaphore(%run_scoped3A : memref<!tpu.dma_semaphore, #tpu.memory_space<semaphore_mem>>)
        %dma_wait3A_934 = tpu.memref_slice %arg6[%mul3A_27] : memref<400000xf32, #tpu.memory_space<hbm>> -> memref<1792xf32, #tpu.memory_space<hbm>>
        %dma_wait3A_935 = tpu.memref_slice %arg6[%mul3A_27] : memref<400000xf32, #tpu.memory_space<hbm>> -> memref<1792xf32, #tpu.memory_space<hbm>>
        tpu.wait_dma2 semaphore(%run_scoped3A : memref<!tpu.dma_semaphore, #tpu.memory_space<semaphore_mem>>) src(%dma_wait3A_935 : memref<1792xf32, #tpu.memory_space<hbm>>) dst(%arg15 : memref<1792xf32, #tpu.memory_space<vmem>>)
        tpu.yield
      }) : () -> ()
      %mul3A_28 = arith.constant 3 : i32
      %mul3A_29 = arith.muli %min3A_19, %mul3A_28 : i32
      "tpu.region"() ({
        %run_scoped3A = tpu.sem_alloc : memref<!tpu.dma_semaphore, #tpu.memory_space<semaphore_mem>>
        %dma_start3A_932 = tpu.memref_slice %arg7[%mul3A_29] : memref<300000xf32, #tpu.memory_space<hbm>> -> memref<1344xf32, #tpu.memory_space<hbm>>
        %dma_start3A_933 = tpu.memref_slice %arg7[%mul3A_29] : memref<300000xf32, #tpu.memory_space<hbm>> -> memref<1344xf32, #tpu.memory_space<hbm>>
        tpu.enqueue_dma source(%dma_start3A_933 : memref<1344xf32, #tpu.memory_space<hbm>>) target(%arg16 : memref<1344xf32, #tpu.memory_space<vmem>>) target_semaphore(%run_scoped3A : memref<!tpu.dma_semaphore, #tpu.memory_space<semaphore_mem>>)
        %dma_wait3A_934 = tpu.memref_slice %arg7[%mul3A_29] : memref<300000xf32, #tpu.memory_space<hbm>> -> memref<1344xf32, #tpu.memory_space<hbm>>
        %dma_wait3A_935 = tpu.memref_slice %arg7[%mul3A_29] : memref<300000xf32, #tpu.memory_space<hbm>> -> memref<1344xf32, #tpu.memory_space<hbm>>
        tpu.wait_dma2 semaphore(%run_scoped3A : memref<!tpu.dma_semaphore, #tpu.memory_space<semaphore_mem>>) src(%dma_wait3A_935 : memref<1344xf32, #tpu.memory_space<hbm>>) dst(%arg16 : memref<1344xf32, #tpu.memory_space<vmem>>)
        tpu.yield
      }) : () -> ()
      %dma_start3A = arith.constant 0 : i32
      %dma_start3A_30 = arith.constant 0 : i32
      %dma_start3A_31 = tpu.memref_slice %arg12[%dma_start3A, %dma_start3A_30] : memref<7168x4xf32, #tpu.memory_space<vmem>> -> memref<128x4xf32, #tpu.memory_space<vmem>>
      %dma_start3A_32 = arith.constant 0 : i32
      %dma_start3A_33 = tpu.memref_slice %arg11[%dma_start3A_32] : memref<7168xi32, #tpu.memory_space<vmem>> -> memref<128xi32, #tpu.memory_space<vmem>>
      %dma_start3A_34 = arith.constant 0 : i32
      %dma_start3A_35 = arith.constant 0 : i32
      %dma_start3A_36 = tpu.memref_slice %arg2[%dma_start3A_34, %dma_start3A_35] : memref<100000x4xf32, #tpu.memory_space<hbm>> -> memref<100000x4xf32, #tpu.memory_space<hbm>>
      tpu.enqueue_indirect_dma source(%dma_start3A_36 : memref<100000x4xf32, #tpu.memory_space<hbm>>) target(%dma_start3A_31 : memref<128x4xf32, #tpu.memory_space<vmem>>) offsets(%dma_start3A_33 : memref<128xi32, #tpu.memory_space<vmem>>) semaphore(%arg20 : memref<!tpu.dma_semaphore, #tpu.memory_space<semaphore_mem>>)
      %dma_start3A_37 = arith.constant 128 : i32
      %dma_start3A_38 = arith.constant 0 : i32
      %dma_start3A_39 = tpu.memref_slice %arg12[%dma_start3A_37, %dma_start3A_38] : memref<7168x4xf32, #tpu.memory_space<vmem>> -> memref<128x4xf32, #tpu.memory_space<vmem>>
      %dma_start3A_40 = arith.constant 128 : i32
      %dma_start3A_41 = tpu.memref_slice %arg11[%dma_start3A_40] : memref<7168xi32, #tpu.memory_space<vmem>> -> memref<128xi32, #tpu.memory_space<vmem>>
      %dma_start3A_42 = arith.constant 0 : i32
      %dma_start3A_43 = arith.constant 0 : i32
      %dma_start3A_44 = tpu.memref_slice %arg2[%dma_start3A_42, %dma_start3A_43] : memref<100000x4xf32, #tpu.memory_space<hbm>> -> memref<100000x4xf32, #tpu.memory_space<hbm>>
      tpu.enqueue_indirect_dma source(%dma_start3A_44 : memref<100000x4xf32, #tpu.memory_space<hbm>>) target(%dma_start3A_39 : memref<128x4xf32, #tpu.memory_space<vmem>>) offsets(%dma_start3A_41 : memref<128xi32, #tpu.memory_space<vmem>>) semaphore(%arg20 : memref<!tpu.dma_semaphore, #tpu.memory_space<semaphore_mem>>)
      %dma_start3A_45 = arith.constant 256 : i32
      %dma_start3A_46 = arith.constant 0 : i32
      %dma_start3A_47 = tpu.memref_slice %arg12[%dma_start3A_45, %dma_start3A_46] : memref<7168x4xf32, #tpu.memory_space<vmem>> -> memref<128x4xf32, #tpu.memory_space<vmem>>
      %dma_start3A_48 = arith.constant 256 : i32
      %dma_start3A_49 = tpu.memref_slice %arg11[%dma_start3A_48] : memref<7168xi32, #tpu.memory_space<vmem>> -> memref<128xi32, #tpu.memory_space<vmem>>
      %dma_start3A_50 = arith.constant 0 : i32
      %dma_start3A_51 = arith.constant 0 : i32
      %dma_start3A_52 = tpu.memref_slice %arg2[%dma_start3A_50, %dma_start3A_51] : memref<100000x4xf32, #tpu.memory_space<hbm>> -> memref<100000x4xf32, #tpu.memory_space<hbm>>
      tpu.enqueue_indirect_dma source(%dma_start3A_52 : memref<100000x4xf32, #tpu.memory_space<hbm>>) target(%dma_start3A_47 : memref<128x4xf32, #tpu.memory_space<vmem>>) offsets(%dma_start3A_49 : memref<128xi32, #tpu.memory_space<vmem>>) semaphore(%arg20 : memref<!tpu.dma_semaphore, #tpu.memory_space<semaphore_mem>>)
      %dma_start3A_53 = arith.constant 384 : i32
      %dma_start3A_54 = arith.constant 0 : i32
      %dma_start3A_55 = tpu.memref_slice %arg12[%dma_start3A_53, %dma_start3A_54] : memref<7168x4xf32, #tpu.memory_space<vmem>> -> memref<128x4xf32, #tpu.memory_space<vmem>>
      %dma_start3A_56 = arith.constant 384 : i32
      %dma_start3A_57 = tpu.memref_slice %arg11[%dma_start3A_56] : memref<7168xi32, #tpu.memory_space<vmem>> -> memref<128xi32, #tpu.memory_space<vmem>>
      %dma_start3A_58 = arith.constant 0 : i32
      %dma_start3A_59 = arith.constant 0 : i32
      %dma_start3A_60 = tpu.memref_slice %arg2[%dma_start3A_58, %dma_start3A_59] : memref<100000x4xf32, #tpu.memory_space<hbm>> -> memref<100000x4xf32, #tpu.memory_space<hbm>>
      tpu.enqueue_indirect_dma source(%dma_start3A_60 : memref<100000x4xf32, #tpu.memory_space<hbm>>) target(%dma_start3A_55 : memref<128x4xf32, #tpu.memory_space<vmem>>) offsets(%dma_start3A_57 : memref<128xi32, #tpu.memory_space<vmem>>) semaphore(%arg20 : memref<!tpu.dma_semaphore, #tpu.memory_space<semaphore_mem>>)
      %dma_start3A_61 = arith.constant 512 : i32
      %dma_start3A_62 = arith.constant 0 : i32
      %dma_start3A_63 = tpu.memref_slice %arg12[%dma_start3A_61, %dma_start3A_62] : memref<7168x4xf32, #tpu.memory_space<vmem>> -> memref<128x4xf32, #tpu.memory_space<vmem>>
      %dma_start3A_64 = arith.constant 512 : i32
      %dma_start3A_65 = tpu.memref_slice %arg11[%dma_start3A_64] : memref<7168xi32, #tpu.memory_space<vmem>> -> memref<128xi32, #tpu.memory_space<vmem>>
      %dma_start3A_66 = arith.constant 0 : i32
      %dma_start3A_67 = arith.constant 0 : i32
      %dma_start3A_68 = tpu.memref_slice %arg2[%dma_start3A_66, %dma_start3A_67] : memref<100000x4xf32, #tpu.memory_space<hbm>> -> memref<100000x4xf32, #tpu.memory_space<hbm>>
      tpu.enqueue_indirect_dma source(%dma_start3A_68 : memref<100000x4xf32, #tpu.memory_space<hbm>>) target(%dma_start3A_63 : memref<128x4xf32, #tpu.memory_space<vmem>>) offsets(%dma_start3A_65 : memref<128xi32, #tpu.memory_space<vmem>>) semaphore(%arg20 : memref<!tpu.dma_semaphore, #tpu.memory_space<semaphore_mem>>)
      %dma_start3A_69 = arith.constant 640 : i32
      %dma_start3A_70 = arith.constant 0 : i32
      %dma_start3A_71 = tpu.memref_slice %arg12[%dma_start3A_69, %dma_start3A_70] : memref<7168x4xf32, #tpu.memory_space<vmem>> -> memref<128x4xf32, #tpu.memory_space<vmem>>
      %dma_start3A_72 = arith.constant 640 : i32
      %dma_start3A_73 = tpu.memref_slice %arg11[%dma_start3A_72] : memref<7168xi32, #tpu.memory_space<vmem>> -> memref<128xi32, #tpu.memory_space<vmem>>
      %dma_start3A_74 = arith.constant 0 : i32
      %dma_start3A_75 = arith.constant 0 : i32
      %dma_start3A_76 = tpu.memref_slice %arg2[%dma_start3A_74, %dma_start3A_75] : memref<100000x4xf32, #tpu.memory_space<hbm>> -> memref<100000x4xf32, #tpu.memory_space<hbm>>
      tpu.enqueue_indirect_dma source(%dma_start3A_76 : memref<100000x4xf32, #tpu.memory_space<hbm>>) target(%dma_start3A_71 : memref<128x4xf32, #tpu.memory_space<vmem>>) offsets(%dma_start3A_73 : memref<128xi32, #tpu.memory_space<vmem>>) semaphore(%arg20 : memref<!tpu.dma_semaphore, #tpu.memory_space<semaphore_mem>>)
      %dma_start3A_77 = arith.constant 768 : i32
      %dma_start3A_78 = arith.constant 0 : i32
      %dma_start3A_79 = tpu.memref_slice %arg12[%dma_start3A_77, %dma_start3A_78] : memref<7168x4xf32, #tpu.memory_space<vmem>> -> memref<128x4xf32, #tpu.memory_space<vmem>>
      %dma_start3A_80 = arith.constant 768 : i32
      %dma_start3A_81 = tpu.memref_slice %arg11[%dma_start3A_80] : memref<7168xi32, #tpu.memory_space<vmem>> -> memref<128xi32, #tpu.memory_space<vmem>>
      %dma_start3A_82 = arith.constant 0 : i32
      %dma_start3A_83 = arith.constant 0 : i32
      %dma_start3A_84 = tpu.memref_slice %arg2[%dma_start3A_82, %dma_start3A_83] : memref<100000x4xf32, #tpu.memory_space<hbm>> -> memref<100000x4xf32, #tpu.memory_space<hbm>>
      tpu.enqueue_indirect_dma source(%dma_start3A_84 : memref<100000x4xf32, #tpu.memory_space<hbm>>) target(%dma_start3A_79 : memref<128x4xf32, #tpu.memory_space<vmem>>) offsets(%dma_start3A_81 : memref<128xi32, #tpu.memory_space<vmem>>) semaphore(%arg20 : memref<!tpu.dma_semaphore, #tpu.memory_space<semaphore_mem>>)
      %dma_start3A_85 = arith.constant 896 : i32
      %dma_start3A_86 = arith.constant 0 : i32
      %dma_start3A_87 = tpu.memref_slice %arg12[%dma_start3A_85, %dma_start3A_86] : memref<7168x4xf32, #tpu.memory_space<vmem>> -> memref<128x4xf32, #tpu.memory_space<vmem>>
      %dma_start3A_88 = arith.constant 896 : i32
      %dma_start3A_89 = tpu.memref_slice %arg11[%dma_start3A_88] : memref<7168xi32, #tpu.memory_space<vmem>> -> memref<128xi32, #tpu.memory_space<vmem>>
      %dma_start3A_90 = arith.constant 0 : i32
      %dma_start3A_91 = arith.constant 0 : i32
      %dma_start3A_92 = tpu.memref_slice %arg2[%dma_start3A_90, %dma_start3A_91] : memref<100000x4xf32, #tpu.memory_space<hbm>> -> memref<100000x4xf32, #tpu.memory_space<hbm>>
      tpu.enqueue_indirect_dma source(%dma_start3A_92 : memref<100000x4xf32, #tpu.memory_space<hbm>>) target(%dma_start3A_87 : memref<128x4xf32, #tpu.memory_space<vmem>>) offsets(%dma_start3A_89 : memref<128xi32, #tpu.memory_space<vmem>>) semaphore(%arg20 : memref<!tpu.dma_semaphore, #tpu.memory_space<semaphore_mem>>)
      %dma_start3A_93 = arith.constant 1024 : i32
      %dma_start3A_94 = arith.constant 0 : i32
      %dma_start3A_95 = tpu.memref_slice %arg12[%dma_start3A_93, %dma_start3A_94] : memref<7168x4xf32, #tpu.memory_space<vmem>> -> memref<128x4xf32, #tpu.memory_space<vmem>>
      %dma_start3A_96 = arith.constant 1024 : i32
      %dma_start3A_97 = tpu.memref_slice %arg11[%dma_start3A_96] : memref<7168xi32, #tpu.memory_space<vmem>> -> memref<128xi32, #tpu.memory_space<vmem>>
      %dma_start3A_98 = arith.constant 0 : i32
      %dma_start3A_99 = arith.constant 0 : i32
      %dma_start3A_100 = tpu.memref_slice %arg2[%dma_start3A_98, %dma_start3A_99] : memref<100000x4xf32, #tpu.memory_space<hbm>> -> memref<100000x4xf32, #tpu.memory_space<hbm>>
      tpu.enqueue_indirect_dma source(%dma_start3A_100 : memref<100000x4xf32, #tpu.memory_space<hbm>>) target(%dma_start3A_95 : memref<128x4xf32, #tpu.memory_space<vmem>>) offsets(%dma_start3A_97 : memref<128xi32, #tpu.memory_space<vmem>>) semaphore(%arg20 : memref<!tpu.dma_semaphore, #tpu.memory_space<semaphore_mem>>)
      %dma_start3A_101 = arith.constant 1152 : i32
      %dma_start3A_102 = arith.constant 0 : i32
      %dma_start3A_103 = tpu.memref_slice %arg12[%dma_start3A_101, %dma_start3A_102] : memref<7168x4xf32, #tpu.memory_space<vmem>> -> memref<128x4xf32, #tpu.memory_space<vmem>>
      %dma_start3A_104 = arith.constant 1152 : i32
      %dma_start3A_105 = tpu.memref_slice %arg11[%dma_start3A_104] : memref<7168xi32, #tpu.memory_space<vmem>> -> memref<128xi32, #tpu.memory_space<vmem>>
      %dma_start3A_106 = arith.constant 0 : i32
      %dma_start3A_107 = arith.constant 0 : i32
      %dma_start3A_108 = tpu.memref_slice %arg2[%dma_start3A_106, %dma_start3A_107] : memref<100000x4xf32, #tpu.memory_space<hbm>> -> memref<100000x4xf32, #tpu.memory_space<hbm>>
      tpu.enqueue_indirect_dma source(%dma_start3A_108 : memref<100000x4xf32, #tpu.memory_space<hbm>>) target(%dma_start3A_103 : memref<128x4xf32, #tpu.memory_space<vmem>>) offsets(%dma_start3A_105 : memref<128xi32, #tpu.memory_space<vmem>>) semaphore(%arg20 : memref<!tpu.dma_semaphore, #tpu.memory_space<semaphore_mem>>)
      %dma_start3A_109 = arith.constant 1280 : i32
      %dma_start3A_110 = arith.constant 0 : i32
      %dma_start3A_111 = tpu.memref_slice %arg12[%dma_start3A_109, %dma_start3A_110] : memref<7168x4xf32, #tpu.memory_space<vmem>> -> memref<128x4xf32, #tpu.memory_space<vmem>>
      %dma_start3A_112 = arith.constant 1280 : i32
      %dma_start3A_113 = tpu.memref_slice %arg11[%dma_start3A_112] : memref<7168xi32, #tpu.memory_space<vmem>> -> memref<128xi32, #tpu.memory_space<vmem>>
      %dma_start3A_114 = arith.constant 0 : i32
      %dma_start3A_115 = arith.constant 0 : i32
      %dma_start3A_116 = tpu.memref_slice %arg2[%dma_start3A_114, %dma_start3A_115] : memref<100000x4xf32, #tpu.memory_space<hbm>> -> memref<100000x4xf32, #tpu.memory_space<hbm>>
      tpu.enqueue_indirect_dma source(%dma_start3A_116 : memref<100000x4xf32, #tpu.memory_space<hbm>>) target(%dma_start3A_111 : memref<128x4xf32, #tpu.memory_space<vmem>>) offsets(%dma_start3A_113 : memref<128xi32, #tpu.memory_space<vmem>>) semaphore(%arg20 : memref<!tpu.dma_semaphore, #tpu.memory_space<semaphore_mem>>)
      %dma_start3A_117 = arith.constant 1408 : i32
      %dma_start3A_118 = arith.constant 0 : i32
      %dma_start3A_119 = tpu.memref_slice %arg12[%dma_start3A_117, %dma_start3A_118] : memref<7168x4xf32, #tpu.memory_space<vmem>> -> memref<128x4xf32, #tpu.memory_space<vmem>>
      %dma_start3A_120 = arith.constant 1408 : i32
      %dma_start3A_121 = tpu.memref_slice %arg11[%dma_start3A_120] : memref<7168xi32, #tpu.memory_space<vmem>> -> memref<128xi32, #tpu.memory_space<vmem>>
      %dma_start3A_122 = arith.constant 0 : i32
      %dma_start3A_123 = arith.constant 0 : i32
      %dma_start3A_124 = tpu.memref_slice %arg2[%dma_start3A_122, %dma_start3A_123] : memref<100000x4xf32, #tpu.memory_space<hbm>> -> memref<100000x4xf32, #tpu.memory_space<hbm>>
      tpu.enqueue_indirect_dma source(%dma_start3A_124 : memref<100000x4xf32, #tpu.memory_space<hbm>>) target(%dma_start3A_119 : memref<128x4xf32, #tpu.memory_space<vmem>>) offsets(%dma_start3A_121 : memref<128xi32, #tpu.memory_space<vmem>>) semaphore(%arg20 : memref<!tpu.dma_semaphore, #tpu.memory_space<semaphore_mem>>)
      %dma_start3A_125 = arith.constant 1536 : i32
      %dma_start3A_126 = arith.constant 0 : i32
      %dma_start3A_127 = tpu.memref_slice %arg12[%dma_start3A_125, %dma_start3A_126] : memref<7168x4xf32, #tpu.memory_space<vmem>> -> memref<128x4xf32, #tpu.memory_space<vmem>>
      %dma_start3A_128 = arith.constant 1536 : i32
      %dma_start3A_129 = tpu.memref_slice %arg11[%dma_start3A_128] : memref<7168xi32, #tpu.memory_space<vmem>> -> memref<128xi32, #tpu.memory_space<vmem>>
      %dma_start3A_130 = arith.constant 0 : i32
      %dma_start3A_131 = arith.constant 0 : i32
      %dma_start3A_132 = tpu.memref_slice %arg2[%dma_start3A_130, %dma_start3A_131] : memref<100000x4xf32, #tpu.memory_space<hbm>> -> memref<100000x4xf32, #tpu.memory_space<hbm>>
      tpu.enqueue_indirect_dma source(%dma_start3A_132 : memref<100000x4xf32, #tpu.memory_space<hbm>>) target(%dma_start3A_127 : memref<128x4xf32, #tpu.memory_space<vmem>>) offsets(%dma_start3A_129 : memref<128xi32, #tpu.memory_space<vmem>>) semaphore(%arg20 : memref<!tpu.dma_semaphore, #tpu.memory_space<semaphore_mem>>)
      %dma_start3A_133 = arith.constant 1664 : i32
      %dma_start3A_134 = arith.constant 0 : i32
      %dma_start3A_135 = tpu.memref_slice %arg12[%dma_start3A_133, %dma_start3A_134] : memref<7168x4xf32, #tpu.memory_space<vmem>> -> memref<128x4xf32, #tpu.memory_space<vmem>>
      %dma_start3A_136 = arith.constant 1664 : i32
      %dma_start3A_137 = tpu.memref_slice %arg11[%dma_start3A_136] : memref<7168xi32, #tpu.memory_space<vmem>> -> memref<128xi32, #tpu.memory_space<vmem>>
      %dma_start3A_138 = arith.constant 0 : i32
      %dma_start3A_139 = arith.constant 0 : i32
      %dma_start3A_140 = tpu.memref_slice %arg2[%dma_start3A_138, %dma_start3A_139] : memref<100000x4xf32, #tpu.memory_space<hbm>> -> memref<100000x4xf32, #tpu.memory_space<hbm>>
      tpu.enqueue_indirect_dma source(%dma_start3A_140 : memref<100000x4xf32, #tpu.memory_space<hbm>>) target(%dma_start3A_135 : memref<128x4xf32, #tpu.memory_space<vmem>>) offsets(%dma_start3A_137 : memref<128xi32, #tpu.memory_space<vmem>>) semaphore(%arg20 : memref<!tpu.dma_semaphore, #tpu.memory_space<semaphore_mem>>)
      %dma_start3A_141 = arith.constant 1792 : i32
      %dma_start3A_142 = arith.constant 0 : i32
      %dma_start3A_143 = tpu.memref_slice %arg12[%dma_start3A_141, %dma_start3A_142] : memref<7168x4xf32, #tpu.memory_space<vmem>> -> memref<128x4xf32, #tpu.memory_space<vmem>>
      %dma_start3A_144 = arith.constant 1792 : i32
      %dma_start3A_145 = tpu.memref_slice %arg11[%dma_start3A_144] : memref<7168xi32, #tpu.memory_space<vmem>> -> memref<128xi32, #tpu.memory_space<vmem>>
      %dma_start3A_146 = arith.constant 0 : i32
      %dma_start3A_147 = arith.constant 0 : i32
      %dma_start3A_148 = tpu.memref_slice %arg2[%dma_start3A_146, %dma_start3A_147] : memref<100000x4xf32, #tpu.memory_space<hbm>> -> memref<100000x4xf32, #tpu.memory_space<hbm>>
      tpu.enqueue_indirect_dma source(%dma_start3A_148 : memref<100000x4xf32, #tpu.memory_space<hbm>>) target(%dma_start3A_143 : memref<128x4xf32, #tpu.memory_space<vmem>>) offsets(%dma_start3A_145 : memref<128xi32, #tpu.memory_space<vmem>>) semaphore(%arg20 : memref<!tpu.dma_semaphore, #tpu.memory_space<semaphore_mem>>)
      %dma_start3A_149 = arith.constant 1920 : i32
      %dma_start3A_150 = arith.constant 0 : i32
      %dma_start3A_151 = tpu.memref_slice %arg12[%dma_start3A_149, %dma_start3A_150] : memref<7168x4xf32, #tpu.memory_space<vmem>> -> memref<128x4xf32, #tpu.memory_space<vmem>>
      %dma_start3A_152 = arith.constant 1920 : i32
      %dma_start3A_153 = tpu.memref_slice %arg11[%dma_start3A_152] : memref<7168xi32, #tpu.memory_space<vmem>> -> memref<128xi32, #tpu.memory_space<vmem>>
      %dma_start3A_154 = arith.constant 0 : i32
      %dma_start3A_155 = arith.constant 0 : i32
      %dma_start3A_156 = tpu.memref_slice %arg2[%dma_start3A_154, %dma_start3A_155] : memref<100000x4xf32, #tpu.memory_space<hbm>> -> memref<100000x4xf32, #tpu.memory_space<hbm>>
      tpu.enqueue_indirect_dma source(%dma_start3A_156 : memref<100000x4xf32, #tpu.memory_space<hbm>>) target(%dma_start3A_151 : memref<128x4xf32, #tpu.memory_space<vmem>>) offsets(%dma_start3A_153 : memref<128xi32, #tpu.memory_space<vmem>>) semaphore(%arg20 : memref<!tpu.dma_semaphore, #tpu.memory_space<semaphore_mem>>)
      %dma_start3A_157 = arith.constant 2048 : i32
      %dma_start3A_158 = arith.constant 0 : i32
      %dma_start3A_159 = tpu.memref_slice %arg12[%dma_start3A_157, %dma_start3A_158] : memref<7168x4xf32, #tpu.memory_space<vmem>> -> memref<128x4xf32, #tpu.memory_space<vmem>>
      %dma_start3A_160 = arith.constant 2048 : i32
      %dma_start3A_161 = tpu.memref_slice %arg11[%dma_start3A_160] : memref<7168xi32, #tpu.memory_space<vmem>> -> memref<128xi32, #tpu.memory_space<vmem>>
      %dma_start3A_162 = arith.constant 0 : i32
      %dma_start3A_163 = arith.constant 0 : i32
      %dma_start3A_164 = tpu.memref_slice %arg2[%dma_start3A_162, %dma_start3A_163] : memref<100000x4xf32, #tpu.memory_space<hbm>> -> memref<100000x4xf32, #tpu.memory_space<hbm>>
      tpu.enqueue_indirect_dma source(%dma_start3A_164 : memref<100000x4xf32, #tpu.memory_space<hbm>>) target(%dma_start3A_159 : memref<128x4xf32, #tpu.memory_space<vmem>>) offsets(%dma_start3A_161 : memref<128xi32, #tpu.memory_space<vmem>>) semaphore(%arg20 : memref<!tpu.dma_semaphore, #tpu.memory_space<semaphore_mem>>)
      %dma_start3A_165 = arith.constant 2176 : i32
      %dma_start3A_166 = arith.constant 0 : i32
      %dma_start3A_167 = tpu.memref_slice %arg12[%dma_start3A_165, %dma_start3A_166] : memref<7168x4xf32, #tpu.memory_space<vmem>> -> memref<128x4xf32, #tpu.memory_space<vmem>>
      %dma_start3A_168 = arith.constant 2176 : i32
      %dma_start3A_169 = tpu.memref_slice %arg11[%dma_start3A_168] : memref<7168xi32, #tpu.memory_space<vmem>> -> memref<128xi32, #tpu.memory_space<vmem>>
      %dma_start3A_170 = arith.constant 0 : i32
      %dma_start3A_171 = arith.constant 0 : i32
      %dma_start3A_172 = tpu.memref_slice %arg2[%dma_start3A_170, %dma_start3A_171] : memref<100000x4xf32, #tpu.memory_space<hbm>> -> memref<100000x4xf32, #tpu.memory_space<hbm>>
      tpu.enqueue_indirect_dma source(%dma_start3A_172 : memref<100000x4xf32, #tpu.memory_space<hbm>>) target(%dma_start3A_167 : memref<128x4xf32, #tpu.memory_space<vmem>>) offsets(%dma_start3A_169 : memref<128xi32, #tpu.memory_space<vmem>>) semaphore(%arg20 : memref<!tpu.dma_semaphore, #tpu.memory_space<semaphore_mem>>)
      %dma_start3A_173 = arith.constant 2304 : i32
      %dma_start3A_174 = arith.constant 0 : i32
      %dma_start3A_175 = tpu.memref_slice %arg12[%dma_start3A_173, %dma_start3A_174] : memref<7168x4xf32, #tpu.memory_space<vmem>> -> memref<128x4xf32, #tpu.memory_space<vmem>>
      %dma_start3A_176 = arith.constant 2304 : i32
      %dma_start3A_177 = tpu.memref_slice %arg11[%dma_start3A_176] : memref<7168xi32, #tpu.memory_space<vmem>> -> memref<128xi32, #tpu.memory_space<vmem>>
      %dma_start3A_178 = arith.constant 0 : i32
      %dma_start3A_179 = arith.constant 0 : i32
      %dma_start3A_180 = tpu.memref_slice %arg2[%dma_start3A_178, %dma_start3A_179] : memref<100000x4xf32, #tpu.memory_space<hbm>> -> memref<100000x4xf32, #tpu.memory_space<hbm>>
      tpu.enqueue_indirect_dma source(%dma_start3A_180 : memref<100000x4xf32, #tpu.memory_space<hbm>>) target(%dma_start3A_175 : memref<128x4xf32, #tpu.memory_space<vmem>>) offsets(%dma_start3A_177 : memref<128xi32, #tpu.memory_space<vmem>>) semaphore(%arg20 : memref<!tpu.dma_semaphore, #tpu.memory_space<semaphore_mem>>)
      %dma_start3A_181 = arith.constant 2432 : i32
      %dma_start3A_182 = arith.constant 0 : i32
      %dma_start3A_183 = tpu.memref_slice %arg12[%dma_start3A_181, %dma_start3A_182] : memref<7168x4xf32, #tpu.memory_space<vmem>> -> memref<128x4xf32, #tpu.memory_space<vmem>>
      %dma_start3A_184 = arith.constant 2432 : i32
      %dma_start3A_185 = tpu.memref_slice %arg11[%dma_start3A_184] : memref<7168xi32, #tpu.memory_space<vmem>> -> memref<128xi32, #tpu.memory_space<vmem>>
      %dma_start3A_186 = arith.constant 0 : i32
      %dma_start3A_187 = arith.constant 0 : i32
      %dma_start3A_188 = tpu.memref_slice %arg2[%dma_start3A_186, %dma_start3A_187] : memref<100000x4xf32, #tpu.memory_space<hbm>> -> memref<100000x4xf32, #tpu.memory_space<hbm>>
      tpu.enqueue_indirect_dma source(%dma_start3A_188 : memref<100000x4xf32, #tpu.memory_space<hbm>>) target(%dma_start3A_183 : memref<128x4xf32, #tpu.memory_space<vmem>>) offsets(%dma_start3A_185 : memref<128xi32, #tpu.memory_space<vmem>>) semaphore(%arg20 : memref<!tpu.dma_semaphore, #tpu.memory_space<semaphore_mem>>)
      %dma_start3A_189 = arith.constant 2560 : i32
      %dma_start3A_190 = arith.constant 0 : i32
      %dma_start3A_191 = tpu.memref_slice %arg12[%dma_start3A_189, %dma_start3A_190] : memref<7168x4xf32, #tpu.memory_space<vmem>> -> memref<128x4xf32, #tpu.memory_space<vmem>>
      %dma_start3A_192 = arith.constant 2560 : i32
      %dma_start3A_193 = tpu.memref_slice %arg11[%dma_start3A_192] : memref<7168xi32, #tpu.memory_space<vmem>> -> memref<128xi32, #tpu.memory_space<vmem>>
      %dma_start3A_194 = arith.constant 0 : i32
      %dma_start3A_195 = arith.constant 0 : i32
      %dma_start3A_196 = tpu.memref_slice %arg2[%dma_start3A_194, %dma_start3A_195] : memref<100000x4xf32, #tpu.memory_space<hbm>> -> memref<100000x4xf32, #tpu.memory_space<hbm>>
      tpu.enqueue_indirect_dma source(%dma_start3A_196 : memref<100000x4xf32, #tpu.memory_space<hbm>>) target(%dma_start3A_191 : memref<128x4xf32, #tpu.memory_space<vmem>>) offsets(%dma_start3A_193 : memref<128xi32, #tpu.memory_space<vmem>>) semaphore(%arg20 : memref<!tpu.dma_semaphore, #tpu.memory_space<semaphore_mem>>)
      %dma_start3A_197 = arith.constant 2688 : i32
      %dma_start3A_198 = arith.constant 0 : i32
      %dma_start3A_199 = tpu.memref_slice %arg12[%dma_start3A_197, %dma_start3A_198] : memref<7168x4xf32, #tpu.memory_space<vmem>> -> memref<128x4xf32, #tpu.memory_space<vmem>>
      %dma_start3A_200 = arith.constant 2688 : i32
      %dma_start3A_201 = tpu.memref_slice %arg11[%dma_start3A_200] : memref<7168xi32, #tpu.memory_space<vmem>> -> memref<128xi32, #tpu.memory_space<vmem>>
      %dma_start3A_202 = arith.constant 0 : i32
      %dma_start3A_203 = arith.constant 0 : i32
      %dma_start3A_204 = tpu.memref_slice %arg2[%dma_start3A_202, %dma_start3A_203] : memref<100000x4xf32, #tpu.memory_space<hbm>> -> memref<100000x4xf32, #tpu.memory_space<hbm>>
      tpu.enqueue_indirect_dma source(%dma_start3A_204 : memref<100000x4xf32, #tpu.memory_space<hbm>>) target(%dma_start3A_199 : memref<128x4xf32, #tpu.memory_space<vmem>>) offsets(%dma_start3A_201 : memref<128xi32, #tpu.memory_space<vmem>>) semaphore(%arg20 : memref<!tpu.dma_semaphore, #tpu.memory_space<semaphore_mem>>)
      %dma_start3A_205 = arith.constant 2816 : i32
      %dma_start3A_206 = arith.constant 0 : i32
      %dma_start3A_207 = tpu.memref_slice %arg12[%dma_start3A_205, %dma_start3A_206] : memref<7168x4xf32, #tpu.memory_space<vmem>> -> memref<128x4xf32, #tpu.memory_space<vmem>>
      %dma_start3A_208 = arith.constant 2816 : i32
      %dma_start3A_209 = tpu.memref_slice %arg11[%dma_start3A_208] : memref<7168xi32, #tpu.memory_space<vmem>> -> memref<128xi32, #tpu.memory_space<vmem>>
      %dma_start3A_210 = arith.constant 0 : i32
      %dma_start3A_211 = arith.constant 0 : i32
      %dma_start3A_212 = tpu.memref_slice %arg2[%dma_start3A_210, %dma_start3A_211] : memref<100000x4xf32, #tpu.memory_space<hbm>> -> memref<100000x4xf32, #tpu.memory_space<hbm>>
      tpu.enqueue_indirect_dma source(%dma_start3A_212 : memref<100000x4xf32, #tpu.memory_space<hbm>>) target(%dma_start3A_207 : memref<128x4xf32, #tpu.memory_space<vmem>>) offsets(%dma_start3A_209 : memref<128xi32, #tpu.memory_space<vmem>>) semaphore(%arg20 : memref<!tpu.dma_semaphore, #tpu.memory_space<semaphore_mem>>)
      %dma_start3A_213 = arith.constant 2944 : i32
      %dma_start3A_214 = arith.constant 0 : i32
      %dma_start3A_215 = tpu.memref_slice %arg12[%dma_start3A_213, %dma_start3A_214] : memref<7168x4xf32, #tpu.memory_space<vmem>> -> memref<128x4xf32, #tpu.memory_space<vmem>>
      %dma_start3A_216 = arith.constant 2944 : i32
      %dma_start3A_217 = tpu.memref_slice %arg11[%dma_start3A_216] : memref<7168xi32, #tpu.memory_space<vmem>> -> memref<128xi32, #tpu.memory_space<vmem>>
      %dma_start3A_218 = arith.constant 0 : i32
      %dma_start3A_219 = arith.constant 0 : i32
      %dma_start3A_220 = tpu.memref_slice %arg2[%dma_start3A_218, %dma_start3A_219] : memref<100000x4xf32, #tpu.memory_space<hbm>> -> memref<100000x4xf32, #tpu.memory_space<hbm>>
      tpu.enqueue_indirect_dma source(%dma_start3A_220 : memref<100000x4xf32, #tpu.memory_space<hbm>>) target(%dma_start3A_215 : memref<128x4xf32, #tpu.memory_space<vmem>>) offsets(%dma_start3A_217 : memref<128xi32, #tpu.memory_space<vmem>>) semaphore(%arg20 : memref<!tpu.dma_semaphore, #tpu.memory_space<semaphore_mem>>)
      %dma_start3A_221 = arith.constant 3072 : i32
      %dma_start3A_222 = arith.constant 0 : i32
      %dma_start3A_223 = tpu.memref_slice %arg12[%dma_start3A_221, %dma_start3A_222] : memref<7168x4xf32, #tpu.memory_space<vmem>> -> memref<128x4xf32, #tpu.memory_space<vmem>>
      %dma_start3A_224 = arith.constant 3072 : i32
      %dma_start3A_225 = tpu.memref_slice %arg11[%dma_start3A_224] : memref<7168xi32, #tpu.memory_space<vmem>> -> memref<128xi32, #tpu.memory_space<vmem>>
      %dma_start3A_226 = arith.constant 0 : i32
      %dma_start3A_227 = arith.constant 0 : i32
      %dma_start3A_228 = tpu.memref_slice %arg2[%dma_start3A_226, %dma_start3A_227] : memref<100000x4xf32, #tpu.memory_space<hbm>> -> memref<100000x4xf32, #tpu.memory_space<hbm>>
      tpu.enqueue_indirect_dma source(%dma_start3A_228 : memref<100000x4xf32, #tpu.memory_space<hbm>>) target(%dma_start3A_223 : memref<128x4xf32, #tpu.memory_space<vmem>>) offsets(%dma_start3A_225 : memref<128xi32, #tpu.memory_space<vmem>>) semaphore(%arg20 : memref<!tpu.dma_semaphore, #tpu.memory_space<semaphore_mem>>)
      %dma_start3A_229 = arith.constant 3200 : i32
      %dma_start3A_230 = arith.constant 0 : i32
      %dma_start3A_231 = tpu.memref_slice %arg12[%dma_start3A_229, %dma_start3A_230] : memref<7168x4xf32, #tpu.memory_space<vmem>> -> memref<128x4xf32, #tpu.memory_space<vmem>>
      %dma_start3A_232 = arith.constant 3200 : i32
      %dma_start3A_233 = tpu.memref_slice %arg11[%dma_start3A_232] : memref<7168xi32, #tpu.memory_space<vmem>> -> memref<128xi32, #tpu.memory_space<vmem>>
      %dma_start3A_234 = arith.constant 0 : i32
      %dma_start3A_235 = arith.constant 0 : i32
      %dma_start3A_236 = tpu.memref_slice %arg2[%dma_start3A_234, %dma_start3A_235] : memref<100000x4xf32, #tpu.memory_space<hbm>> -> memref<100000x4xf32, #tpu.memory_space<hbm>>
      tpu.enqueue_indirect_dma source(%dma_start3A_236 : memref<100000x4xf32, #tpu.memory_space<hbm>>) target(%dma_start3A_231 : memref<128x4xf32, #tpu.memory_space<vmem>>) offsets(%dma_start3A_233 : memref<128xi32, #tpu.memory_space<vmem>>) semaphore(%arg20 : memref<!tpu.dma_semaphore, #tpu.memory_space<semaphore_mem>>)
      %dma_start3A_237 = arith.constant 3328 : i32
      %dma_start3A_238 = arith.constant 0 : i32
      %dma_start3A_239 = tpu.memref_slice %arg12[%dma_start3A_237, %dma_start3A_238] : memref<7168x4xf32, #tpu.memory_space<vmem>> -> memref<128x4xf32, #tpu.memory_space<vmem>>
      %dma_start3A_240 = arith.constant 3328 : i32
      %dma_start3A_241 = tpu.memref_slice %arg11[%dma_start3A_240] : memref<7168xi32, #tpu.memory_space<vmem>> -> memref<128xi32, #tpu.memory_space<vmem>>
      %dma_start3A_242 = arith.constant 0 : i32
      %dma_start3A_243 = arith.constant 0 : i32
      %dma_start3A_244 = tpu.memref_slice %arg2[%dma_start3A_242, %dma_start3A_243] : memref<100000x4xf32, #tpu.memory_space<hbm>> -> memref<100000x4xf32, #tpu.memory_space<hbm>>
      tpu.enqueue_indirect_dma source(%dma_start3A_244 : memref<100000x4xf32, #tpu.memory_space<hbm>>) target(%dma_start3A_239 : memref<128x4xf32, #tpu.memory_space<vmem>>) offsets(%dma_start3A_241 : memref<128xi32, #tpu.memory_space<vmem>>) semaphore(%arg20 : memref<!tpu.dma_semaphore, #tpu.memory_space<semaphore_mem>>)
      %dma_start3A_245 = arith.constant 3456 : i32
      %dma_start3A_246 = arith.constant 0 : i32
      %dma_start3A_247 = tpu.memref_slice %arg12[%dma_start3A_245, %dma_start3A_246] : memref<7168x4xf32, #tpu.memory_space<vmem>> -> memref<128x4xf32, #tpu.memory_space<vmem>>
      %dma_start3A_248 = arith.constant 3456 : i32
      %dma_start3A_249 = tpu.memref_slice %arg11[%dma_start3A_248] : memref<7168xi32, #tpu.memory_space<vmem>> -> memref<128xi32, #tpu.memory_space<vmem>>
      %dma_start3A_250 = arith.constant 0 : i32
      %dma_start3A_251 = arith.constant 0 : i32
      %dma_start3A_252 = tpu.memref_slice %arg2[%dma_start3A_250, %dma_start3A_251] : memref<100000x4xf32, #tpu.memory_space<hbm>> -> memref<100000x4xf32, #tpu.memory_space<hbm>>
      tpu.enqueue_indirect_dma source(%dma_start3A_252 : memref<100000x4xf32, #tpu.memory_space<hbm>>) target(%dma_start3A_247 : memref<128x4xf32, #tpu.memory_space<vmem>>) offsets(%dma_start3A_249 : memref<128xi32, #tpu.memory_space<vmem>>) semaphore(%arg20 : memref<!tpu.dma_semaphore, #tpu.memory_space<semaphore_mem>>)
      %dma_start3A_253 = arith.constant 3584 : i32
      %dma_start3A_254 = arith.constant 0 : i32
      %dma_start3A_255 = tpu.memref_slice %arg12[%dma_start3A_253, %dma_start3A_254] : memref<7168x4xf32, #tpu.memory_space<vmem>> -> memref<128x4xf32, #tpu.memory_space<vmem>>
      %dma_start3A_256 = arith.constant 3584 : i32
      %dma_start3A_257 = tpu.memref_slice %arg11[%dma_start3A_256] : memref<7168xi32, #tpu.memory_space<vmem>> -> memref<128xi32, #tpu.memory_space<vmem>>
      %dma_start3A_258 = arith.constant 0 : i32
      %dma_start3A_259 = arith.constant 0 : i32
      %dma_start3A_260 = tpu.memref_slice %arg2[%dma_start3A_258, %dma_start3A_259] : memref<100000x4xf32, #tpu.memory_space<hbm>> -> memref<100000x4xf32, #tpu.memory_space<hbm>>
      tpu.enqueue_indirect_dma source(%dma_start3A_260 : memref<100000x4xf32, #tpu.memory_space<hbm>>) target(%dma_start3A_255 : memref<128x4xf32, #tpu.memory_space<vmem>>) offsets(%dma_start3A_257 : memref<128xi32, #tpu.memory_space<vmem>>) semaphore(%arg20 : memref<!tpu.dma_semaphore, #tpu.memory_space<semaphore_mem>>)
      %dma_start3A_261 = arith.constant 3712 : i32
      %dma_start3A_262 = arith.constant 0 : i32
      %dma_start3A_263 = tpu.memref_slice %arg12[%dma_start3A_261, %dma_start3A_262] : memref<7168x4xf32, #tpu.memory_space<vmem>> -> memref<128x4xf32, #tpu.memory_space<vmem>>
      %dma_start3A_264 = arith.constant 3712 : i32
      %dma_start3A_265 = tpu.memref_slice %arg11[%dma_start3A_264] : memref<7168xi32, #tpu.memory_space<vmem>> -> memref<128xi32, #tpu.memory_space<vmem>>
      %dma_start3A_266 = arith.constant 0 : i32
      %dma_start3A_267 = arith.constant 0 : i32
      %dma_start3A_268 = tpu.memref_slice %arg2[%dma_start3A_266, %dma_start3A_267] : memref<100000x4xf32, #tpu.memory_space<hbm>> -> memref<100000x4xf32, #tpu.memory_space<hbm>>
      tpu.enqueue_indirect_dma source(%dma_start3A_268 : memref<100000x4xf32, #tpu.memory_space<hbm>>) target(%dma_start3A_263 : memref<128x4xf32, #tpu.memory_space<vmem>>) offsets(%dma_start3A_265 : memref<128xi32, #tpu.memory_space<vmem>>) semaphore(%arg20 : memref<!tpu.dma_semaphore, #tpu.memory_space<semaphore_mem>>)
      %dma_start3A_269 = arith.constant 3840 : i32
      %dma_start3A_270 = arith.constant 0 : i32
      %dma_start3A_271 = tpu.memref_slice %arg12[%dma_start3A_269, %dma_start3A_270] : memref<7168x4xf32, #tpu.memory_space<vmem>> -> memref<128x4xf32, #tpu.memory_space<vmem>>
      %dma_start3A_272 = arith.constant 3840 : i32
      %dma_start3A_273 = tpu.memref_slice %arg11[%dma_start3A_272] : memref<7168xi32, #tpu.memory_space<vmem>> -> memref<128xi32, #tpu.memory_space<vmem>>
      %dma_start3A_274 = arith.constant 0 : i32
      %dma_start3A_275 = arith.constant 0 : i32
      %dma_start3A_276 = tpu.memref_slice %arg2[%dma_start3A_274, %dma_start3A_275] : memref<100000x4xf32, #tpu.memory_space<hbm>> -> memref<100000x4xf32, #tpu.memory_space<hbm>>
      tpu.enqueue_indirect_dma source(%dma_start3A_276 : memref<100000x4xf32, #tpu.memory_space<hbm>>) target(%dma_start3A_271 : memref<128x4xf32, #tpu.memory_space<vmem>>) offsets(%dma_start3A_273 : memref<128xi32, #tpu.memory_space<vmem>>) semaphore(%arg20 : memref<!tpu.dma_semaphore, #tpu.memory_space<semaphore_mem>>)
      %dma_start3A_277 = arith.constant 3968 : i32
      %dma_start3A_278 = arith.constant 0 : i32
      %dma_start3A_279 = tpu.memref_slice %arg12[%dma_start3A_277, %dma_start3A_278] : memref<7168x4xf32, #tpu.memory_space<vmem>> -> memref<128x4xf32, #tpu.memory_space<vmem>>
      %dma_start3A_280 = arith.constant 3968 : i32
      %dma_start3A_281 = tpu.memref_slice %arg11[%dma_start3A_280] : memref<7168xi32, #tpu.memory_space<vmem>> -> memref<128xi32, #tpu.memory_space<vmem>>
      %dma_start3A_282 = arith.constant 0 : i32
      %dma_start3A_283 = arith.constant 0 : i32
      %dma_start3A_284 = tpu.memref_slice %arg2[%dma_start3A_282, %dma_start3A_283] : memref<100000x4xf32, #tpu.memory_space<hbm>> -> memref<100000x4xf32, #tpu.memory_space<hbm>>
      tpu.enqueue_indirect_dma source(%dma_start3A_284 : memref<100000x4xf32, #tpu.memory_space<hbm>>) target(%dma_start3A_279 : memref<128x4xf32, #tpu.memory_space<vmem>>) offsets(%dma_start3A_281 : memref<128xi32, #tpu.memory_space<vmem>>) semaphore(%arg20 : memref<!tpu.dma_semaphore, #tpu.memory_space<semaphore_mem>>)
      %dma_start3A_285 = arith.constant 4096 : i32
      %dma_start3A_286 = arith.constant 0 : i32
      %dma_start3A_287 = tpu.memref_slice %arg12[%dma_start3A_285, %dma_start3A_286] : memref<7168x4xf32, #tpu.memory_space<vmem>> -> memref<128x4xf32, #tpu.memory_space<vmem>>
      %dma_start3A_288 = arith.constant 4096 : i32
      %dma_start3A_289 = tpu.memref_slice %arg11[%dma_start3A_288] : memref<7168xi32, #tpu.memory_space<vmem>> -> memref<128xi32, #tpu.memory_space<vmem>>
      %dma_start3A_290 = arith.constant 0 : i32
      %dma_start3A_291 = arith.constant 0 : i32
      %dma_start3A_292 = tpu.memref_slice %arg2[%dma_start3A_290, %dma_start3A_291] : memref<100000x4xf32, #tpu.memory_space<hbm>> -> memref<100000x4xf32, #tpu.memory_space<hbm>>
      tpu.enqueue_indirect_dma source(%dma_start3A_292 : memref<100000x4xf32, #tpu.memory_space<hbm>>) target(%dma_start3A_287 : memref<128x4xf32, #tpu.memory_space<vmem>>) offsets(%dma_start3A_289 : memref<128xi32, #tpu.memory_space<vmem>>) semaphore(%arg20 : memref<!tpu.dma_semaphore, #tpu.memory_space<semaphore_mem>>)
      %dma_start3A_293 = arith.constant 4224 : i32
      %dma_start3A_294 = arith.constant 0 : i32
      %dma_start3A_295 = tpu.memref_slice %arg12[%dma_start3A_293, %dma_start3A_294] : memref<7168x4xf32, #tpu.memory_space<vmem>> -> memref<128x4xf32, #tpu.memory_space<vmem>>
      %dma_start3A_296 = arith.constant 4224 : i32
      %dma_start3A_297 = tpu.memref_slice %arg11[%dma_start3A_296] : memref<7168xi32, #tpu.memory_space<vmem>> -> memref<128xi32, #tpu.memory_space<vmem>>
      %dma_start3A_298 = arith.constant 0 : i32
      %dma_start3A_299 = arith.constant 0 : i32
      %dma_start3A_300 = tpu.memref_slice %arg2[%dma_start3A_298, %dma_start3A_299] : memref<100000x4xf32, #tpu.memory_space<hbm>> -> memref<100000x4xf32, #tpu.memory_space<hbm>>
      tpu.enqueue_indirect_dma source(%dma_start3A_300 : memref<100000x4xf32, #tpu.memory_space<hbm>>) target(%dma_start3A_295 : memref<128x4xf32, #tpu.memory_space<vmem>>) offsets(%dma_start3A_297 : memref<128xi32, #tpu.memory_space<vmem>>) semaphore(%arg20 : memref<!tpu.dma_semaphore, #tpu.memory_space<semaphore_mem>>)
      %dma_start3A_301 = arith.constant 4352 : i32
      %dma_start3A_302 = arith.constant 0 : i32
      %dma_start3A_303 = tpu.memref_slice %arg12[%dma_start3A_301, %dma_start3A_302] : memref<7168x4xf32, #tpu.memory_space<vmem>> -> memref<128x4xf32, #tpu.memory_space<vmem>>
      %dma_start3A_304 = arith.constant 4352 : i32
      %dma_start3A_305 = tpu.memref_slice %arg11[%dma_start3A_304] : memref<7168xi32, #tpu.memory_space<vmem>> -> memref<128xi32, #tpu.memory_space<vmem>>
      %dma_start3A_306 = arith.constant 0 : i32
      %dma_start3A_307 = arith.constant 0 : i32
      %dma_start3A_308 = tpu.memref_slice %arg2[%dma_start3A_306, %dma_start3A_307] : memref<100000x4xf32, #tpu.memory_space<hbm>> -> memref<100000x4xf32, #tpu.memory_space<hbm>>
      tpu.enqueue_indirect_dma source(%dma_start3A_308 : memref<100000x4xf32, #tpu.memory_space<hbm>>) target(%dma_start3A_303 : memref<128x4xf32, #tpu.memory_space<vmem>>) offsets(%dma_start3A_305 : memref<128xi32, #tpu.memory_space<vmem>>) semaphore(%arg20 : memref<!tpu.dma_semaphore, #tpu.memory_space<semaphore_mem>>)
      %dma_start3A_309 = arith.constant 4480 : i32
      %dma_start3A_310 = arith.constant 0 : i32
      %dma_start3A_311 = tpu.memref_slice %arg12[%dma_start3A_309, %dma_start3A_310] : memref<7168x4xf32, #tpu.memory_space<vmem>> -> memref<128x4xf32, #tpu.memory_space<vmem>>
      %dma_start3A_312 = arith.constant 4480 : i32
      %dma_start3A_313 = tpu.memref_slice %arg11[%dma_start3A_312] : memref<7168xi32, #tpu.memory_space<vmem>> -> memref<128xi32, #tpu.memory_space<vmem>>
      %dma_start3A_314 = arith.constant 0 : i32
      %dma_start3A_315 = arith.constant 0 : i32
      %dma_start3A_316 = tpu.memref_slice %arg2[%dma_start3A_314, %dma_start3A_315] : memref<100000x4xf32, #tpu.memory_space<hbm>> -> memref<100000x4xf32, #tpu.memory_space<hbm>>
      tpu.enqueue_indirect_dma source(%dma_start3A_316 : memref<100000x4xf32, #tpu.memory_space<hbm>>) target(%dma_start3A_311 : memref<128x4xf32, #tpu.memory_space<vmem>>) offsets(%dma_start3A_313 : memref<128xi32, #tpu.memory_space<vmem>>) semaphore(%arg20 : memref<!tpu.dma_semaphore, #tpu.memory_space<semaphore_mem>>)
      %dma_start3A_317 = arith.constant 4608 : i32
      %dma_start3A_318 = arith.constant 0 : i32
      %dma_start3A_319 = tpu.memref_slice %arg12[%dma_start3A_317, %dma_start3A_318] : memref<7168x4xf32, #tpu.memory_space<vmem>> -> memref<128x4xf32, #tpu.memory_space<vmem>>
      %dma_start3A_320 = arith.constant 4608 : i32
      %dma_start3A_321 = tpu.memref_slice %arg11[%dma_start3A_320] : memref<7168xi32, #tpu.memory_space<vmem>> -> memref<128xi32, #tpu.memory_space<vmem>>
      %dma_start3A_322 = arith.constant 0 : i32
      %dma_start3A_323 = arith.constant 0 : i32
      %dma_start3A_324 = tpu.memref_slice %arg2[%dma_start3A_322, %dma_start3A_323] : memref<100000x4xf32, #tpu.memory_space<hbm>> -> memref<100000x4xf32, #tpu.memory_space<hbm>>
      tpu.enqueue_indirect_dma source(%dma_start3A_324 : memref<100000x4xf32, #tpu.memory_space<hbm>>) target(%dma_start3A_319 : memref<128x4xf32, #tpu.memory_space<vmem>>) offsets(%dma_start3A_321 : memref<128xi32, #tpu.memory_space<vmem>>) semaphore(%arg20 : memref<!tpu.dma_semaphore, #tpu.memory_space<semaphore_mem>>)
      %dma_start3A_325 = arith.constant 4736 : i32
      %dma_start3A_326 = arith.constant 0 : i32
      %dma_start3A_327 = tpu.memref_slice %arg12[%dma_start3A_325, %dma_start3A_326] : memref<7168x4xf32, #tpu.memory_space<vmem>> -> memref<128x4xf32, #tpu.memory_space<vmem>>
      %dma_start3A_328 = arith.constant 4736 : i32
      %dma_start3A_329 = tpu.memref_slice %arg11[%dma_start3A_328] : memref<7168xi32, #tpu.memory_space<vmem>> -> memref<128xi32, #tpu.memory_space<vmem>>
      %dma_start3A_330 = arith.constant 0 : i32
      %dma_start3A_331 = arith.constant 0 : i32
      %dma_start3A_332 = tpu.memref_slice %arg2[%dma_start3A_330, %dma_start3A_331] : memref<100000x4xf32, #tpu.memory_space<hbm>> -> memref<100000x4xf32, #tpu.memory_space<hbm>>
      tpu.enqueue_indirect_dma source(%dma_start3A_332 : memref<100000x4xf32, #tpu.memory_space<hbm>>) target(%dma_start3A_327 : memref<128x4xf32, #tpu.memory_space<vmem>>) offsets(%dma_start3A_329 : memref<128xi32, #tpu.memory_space<vmem>>) semaphore(%arg20 : memref<!tpu.dma_semaphore, #tpu.memory_space<semaphore_mem>>)
      %dma_start3A_333 = arith.constant 4864 : i32
      %dma_start3A_334 = arith.constant 0 : i32
      %dma_start3A_335 = tpu.memref_slice %arg12[%dma_start3A_333, %dma_start3A_334] : memref<7168x4xf32, #tpu.memory_space<vmem>> -> memref<128x4xf32, #tpu.memory_space<vmem>>
      %dma_start3A_336 = arith.constant 4864 : i32
      %dma_start3A_337 = tpu.memref_slice %arg11[%dma_start3A_336] : memref<7168xi32, #tpu.memory_space<vmem>> -> memref<128xi32, #tpu.memory_space<vmem>>
      %dma_start3A_338 = arith.constant 0 : i32
      %dma_start3A_339 = arith.constant 0 : i32
      %dma_start3A_340 = tpu.memref_slice %arg2[%dma_start3A_338, %dma_start3A_339] : memref<100000x4xf32, #tpu.memory_space<hbm>> -> memref<100000x4xf32, #tpu.memory_space<hbm>>
      tpu.enqueue_indirect_dma source(%dma_start3A_340 : memref<100000x4xf32, #tpu.memory_space<hbm>>) target(%dma_start3A_335 : memref<128x4xf32, #tpu.memory_space<vmem>>) offsets(%dma_start3A_337 : memref<128xi32, #tpu.memory_space<vmem>>) semaphore(%arg20 : memref<!tpu.dma_semaphore, #tpu.memory_space<semaphore_mem>>)
      %dma_start3A_341 = arith.constant 4992 : i32
      %dma_start3A_342 = arith.constant 0 : i32
      %dma_start3A_343 = tpu.memref_slice %arg12[%dma_start3A_341, %dma_start3A_342] : memref<7168x4xf32, #tpu.memory_space<vmem>> -> memref<128x4xf32, #tpu.memory_space<vmem>>
      %dma_start3A_344 = arith.constant 4992 : i32
      %dma_start3A_345 = tpu.memref_slice %arg11[%dma_start3A_344] : memref<7168xi32, #tpu.memory_space<vmem>> -> memref<128xi32, #tpu.memory_space<vmem>>
      %dma_start3A_346 = arith.constant 0 : i32
      %dma_start3A_347 = arith.constant 0 : i32
      %dma_start3A_348 = tpu.memref_slice %arg2[%dma_start3A_346, %dma_start3A_347] : memref<100000x4xf32, #tpu.memory_space<hbm>> -> memref<100000x4xf32, #tpu.memory_space<hbm>>
      tpu.enqueue_indirect_dma source(%dma_start3A_348 : memref<100000x4xf32, #tpu.memory_space<hbm>>) target(%dma_start3A_343 : memref<128x4xf32, #tpu.memory_space<vmem>>) offsets(%dma_start3A_345 : memref<128xi32, #tpu.memory_space<vmem>>) semaphore(%arg20 : memref<!tpu.dma_semaphore, #tpu.memory_space<semaphore_mem>>)
      %dma_start3A_349 = arith.constant 5120 : i32
      %dma_start3A_350 = arith.constant 0 : i32
      %dma_start3A_351 = tpu.memref_slice %arg12[%dma_start3A_349, %dma_start3A_350] : memref<7168x4xf32, #tpu.memory_space<vmem>> -> memref<128x4xf32, #tpu.memory_space<vmem>>
      %dma_start3A_352 = arith.constant 5120 : i32
      %dma_start3A_353 = tpu.memref_slice %arg11[%dma_start3A_352] : memref<7168xi32, #tpu.memory_space<vmem>> -> memref<128xi32, #tpu.memory_space<vmem>>
      %dma_start3A_354 = arith.constant 0 : i32
      %dma_start3A_355 = arith.constant 0 : i32
      %dma_start3A_356 = tpu.memref_slice %arg2[%dma_start3A_354, %dma_start3A_355] : memref<100000x4xf32, #tpu.memory_space<hbm>> -> memref<100000x4xf32, #tpu.memory_space<hbm>>
      tpu.enqueue_indirect_dma source(%dma_start3A_356 : memref<100000x4xf32, #tpu.memory_space<hbm>>) target(%dma_start3A_351 : memref<128x4xf32, #tpu.memory_space<vmem>>) offsets(%dma_start3A_353 : memref<128xi32, #tpu.memory_space<vmem>>) semaphore(%arg20 : memref<!tpu.dma_semaphore, #tpu.memory_space<semaphore_mem>>)
      %dma_start3A_357 = arith.constant 5248 : i32
      %dma_start3A_358 = arith.constant 0 : i32
      %dma_start3A_359 = tpu.memref_slice %arg12[%dma_start3A_357, %dma_start3A_358] : memref<7168x4xf32, #tpu.memory_space<vmem>> -> memref<128x4xf32, #tpu.memory_space<vmem>>
      %dma_start3A_360 = arith.constant 5248 : i32
      %dma_start3A_361 = tpu.memref_slice %arg11[%dma_start3A_360] : memref<7168xi32, #tpu.memory_space<vmem>> -> memref<128xi32, #tpu.memory_space<vmem>>
      %dma_start3A_362 = arith.constant 0 : i32
      %dma_start3A_363 = arith.constant 0 : i32
      %dma_start3A_364 = tpu.memref_slice %arg2[%dma_start3A_362, %dma_start3A_363] : memref<100000x4xf32, #tpu.memory_space<hbm>> -> memref<100000x4xf32, #tpu.memory_space<hbm>>
      tpu.enqueue_indirect_dma source(%dma_start3A_364 : memref<100000x4xf32, #tpu.memory_space<hbm>>) target(%dma_start3A_359 : memref<128x4xf32, #tpu.memory_space<vmem>>) offsets(%dma_start3A_361 : memref<128xi32, #tpu.memory_space<vmem>>) semaphore(%arg20 : memref<!tpu.dma_semaphore, #tpu.memory_space<semaphore_mem>>)
      %dma_start3A_365 = arith.constant 5376 : i32
      %dma_start3A_366 = arith.constant 0 : i32
      %dma_start3A_367 = tpu.memref_slice %arg12[%dma_start3A_365, %dma_start3A_366] : memref<7168x4xf32, #tpu.memory_space<vmem>> -> memref<128x4xf32, #tpu.memory_space<vmem>>
      %dma_start3A_368 = arith.constant 5376 : i32
      %dma_start3A_369 = tpu.memref_slice %arg11[%dma_start3A_368] : memref<7168xi32, #tpu.memory_space<vmem>> -> memref<128xi32, #tpu.memory_space<vmem>>
      %dma_start3A_370 = arith.constant 0 : i32
      %dma_start3A_371 = arith.constant 0 : i32
      %dma_start3A_372 = tpu.memref_slice %arg2[%dma_start3A_370, %dma_start3A_371] : memref<100000x4xf32, #tpu.memory_space<hbm>> -> memref<100000x4xf32, #tpu.memory_space<hbm>>
      tpu.enqueue_indirect_dma source(%dma_start3A_372 : memref<100000x4xf32, #tpu.memory_space<hbm>>) target(%dma_start3A_367 : memref<128x4xf32, #tpu.memory_space<vmem>>) offsets(%dma_start3A_369 : memref<128xi32, #tpu.memory_space<vmem>>) semaphore(%arg20 : memref<!tpu.dma_semaphore, #tpu.memory_space<semaphore_mem>>)
      %dma_start3A_373 = arith.constant 5504 : i32
      %dma_start3A_374 = arith.constant 0 : i32
      %dma_start3A_375 = tpu.memref_slice %arg12[%dma_start3A_373, %dma_start3A_374] : memref<7168x4xf32, #tpu.memory_space<vmem>> -> memref<128x4xf32, #tpu.memory_space<vmem>>
      %dma_start3A_376 = arith.constant 5504 : i32
      %dma_start3A_377 = tpu.memref_slice %arg11[%dma_start3A_376] : memref<7168xi32, #tpu.memory_space<vmem>> -> memref<128xi32, #tpu.memory_space<vmem>>
      %dma_start3A_378 = arith.constant 0 : i32
      %dma_start3A_379 = arith.constant 0 : i32
      %dma_start3A_380 = tpu.memref_slice %arg2[%dma_start3A_378, %dma_start3A_379] : memref<100000x4xf32, #tpu.memory_space<hbm>> -> memref<100000x4xf32, #tpu.memory_space<hbm>>
      tpu.enqueue_indirect_dma source(%dma_start3A_380 : memref<100000x4xf32, #tpu.memory_space<hbm>>) target(%dma_start3A_375 : memref<128x4xf32, #tpu.memory_space<vmem>>) offsets(%dma_start3A_377 : memref<128xi32, #tpu.memory_space<vmem>>) semaphore(%arg20 : memref<!tpu.dma_semaphore, #tpu.memory_space<semaphore_mem>>)
      %dma_start3A_381 = arith.constant 5632 : i32
      %dma_start3A_382 = arith.constant 0 : i32
      %dma_start3A_383 = tpu.memref_slice %arg12[%dma_start3A_381, %dma_start3A_382] : memref<7168x4xf32, #tpu.memory_space<vmem>> -> memref<128x4xf32, #tpu.memory_space<vmem>>
      %dma_start3A_384 = arith.constant 5632 : i32
      %dma_start3A_385 = tpu.memref_slice %arg11[%dma_start3A_384] : memref<7168xi32, #tpu.memory_space<vmem>> -> memref<128xi32, #tpu.memory_space<vmem>>
      %dma_start3A_386 = arith.constant 0 : i32
      %dma_start3A_387 = arith.constant 0 : i32
      %dma_start3A_388 = tpu.memref_slice %arg2[%dma_start3A_386, %dma_start3A_387] : memref<100000x4xf32, #tpu.memory_space<hbm>> -> memref<100000x4xf32, #tpu.memory_space<hbm>>
      tpu.enqueue_indirect_dma source(%dma_start3A_388 : memref<100000x4xf32, #tpu.memory_space<hbm>>) target(%dma_start3A_383 : memref<128x4xf32, #tpu.memory_space<vmem>>) offsets(%dma_start3A_385 : memref<128xi32, #tpu.memory_space<vmem>>) semaphore(%arg20 : memref<!tpu.dma_semaphore, #tpu.memory_space<semaphore_mem>>)
      %dma_start3A_389 = arith.constant 5760 : i32
      %dma_start3A_390 = arith.constant 0 : i32
      %dma_start3A_391 = tpu.memref_slice %arg12[%dma_start3A_389, %dma_start3A_390] : memref<7168x4xf32, #tpu.memory_space<vmem>> -> memref<128x4xf32, #tpu.memory_space<vmem>>
      %dma_start3A_392 = arith.constant 5760 : i32
      %dma_start3A_393 = tpu.memref_slice %arg11[%dma_start3A_392] : memref<7168xi32, #tpu.memory_space<vmem>> -> memref<128xi32, #tpu.memory_space<vmem>>
      %dma_start3A_394 = arith.constant 0 : i32
      %dma_start3A_395 = arith.constant 0 : i32
      %dma_start3A_396 = tpu.memref_slice %arg2[%dma_start3A_394, %dma_start3A_395] : memref<100000x4xf32, #tpu.memory_space<hbm>> -> memref<100000x4xf32, #tpu.memory_space<hbm>>
      tpu.enqueue_indirect_dma source(%dma_start3A_396 : memref<100000x4xf32, #tpu.memory_space<hbm>>) target(%dma_start3A_391 : memref<128x4xf32, #tpu.memory_space<vmem>>) offsets(%dma_start3A_393 : memref<128xi32, #tpu.memory_space<vmem>>) semaphore(%arg20 : memref<!tpu.dma_semaphore, #tpu.memory_space<semaphore_mem>>)
      %dma_start3A_397 = arith.constant 5888 : i32
      %dma_start3A_398 = arith.constant 0 : i32
      %dma_start3A_399 = tpu.memref_slice %arg12[%dma_start3A_397, %dma_start3A_398] : memref<7168x4xf32, #tpu.memory_space<vmem>> -> memref<128x4xf32, #tpu.memory_space<vmem>>
      %dma_start3A_400 = arith.constant 5888 : i32
      %dma_start3A_401 = tpu.memref_slice %arg11[%dma_start3A_400] : memref<7168xi32, #tpu.memory_space<vmem>> -> memref<128xi32, #tpu.memory_space<vmem>>
      %dma_start3A_402 = arith.constant 0 : i32
      %dma_start3A_403 = arith.constant 0 : i32
      %dma_start3A_404 = tpu.memref_slice %arg2[%dma_start3A_402, %dma_start3A_403] : memref<100000x4xf32, #tpu.memory_space<hbm>> -> memref<100000x4xf32, #tpu.memory_space<hbm>>
      tpu.enqueue_indirect_dma source(%dma_start3A_404 : memref<100000x4xf32, #tpu.memory_space<hbm>>) target(%dma_start3A_399 : memref<128x4xf32, #tpu.memory_space<vmem>>) offsets(%dma_start3A_401 : memref<128xi32, #tpu.memory_space<vmem>>) semaphore(%arg20 : memref<!tpu.dma_semaphore, #tpu.memory_space<semaphore_mem>>)
      %dma_start3A_405 = arith.constant 6016 : i32
      %dma_start3A_406 = arith.constant 0 : i32
      %dma_start3A_407 = tpu.memref_slice %arg12[%dma_start3A_405, %dma_start3A_406] : memref<7168x4xf32, #tpu.memory_space<vmem>> -> memref<128x4xf32, #tpu.memory_space<vmem>>
      %dma_start3A_408 = arith.constant 6016 : i32
      %dma_start3A_409 = tpu.memref_slice %arg11[%dma_start3A_408] : memref<7168xi32, #tpu.memory_space<vmem>> -> memref<128xi32, #tpu.memory_space<vmem>>
      %dma_start3A_410 = arith.constant 0 : i32
      %dma_start3A_411 = arith.constant 0 : i32
      %dma_start3A_412 = tpu.memref_slice %arg2[%dma_start3A_410, %dma_start3A_411] : memref<100000x4xf32, #tpu.memory_space<hbm>> -> memref<100000x4xf32, #tpu.memory_space<hbm>>
      tpu.enqueue_indirect_dma source(%dma_start3A_412 : memref<100000x4xf32, #tpu.memory_space<hbm>>) target(%dma_start3A_407 : memref<128x4xf32, #tpu.memory_space<vmem>>) offsets(%dma_start3A_409 : memref<128xi32, #tpu.memory_space<vmem>>) semaphore(%arg20 : memref<!tpu.dma_semaphore, #tpu.memory_space<semaphore_mem>>)
      %dma_start3A_413 = arith.constant 6144 : i32
      %dma_start3A_414 = arith.constant 0 : i32
      %dma_start3A_415 = tpu.memref_slice %arg12[%dma_start3A_413, %dma_start3A_414] : memref<7168x4xf32, #tpu.memory_space<vmem>> -> memref<128x4xf32, #tpu.memory_space<vmem>>
      %dma_start3A_416 = arith.constant 6144 : i32
      %dma_start3A_417 = tpu.memref_slice %arg11[%dma_start3A_416] : memref<7168xi32, #tpu.memory_space<vmem>> -> memref<128xi32, #tpu.memory_space<vmem>>
      %dma_start3A_418 = arith.constant 0 : i32
      %dma_start3A_419 = arith.constant 0 : i32
      %dma_start3A_420 = tpu.memref_slice %arg2[%dma_start3A_418, %dma_start3A_419] : memref<100000x4xf32, #tpu.memory_space<hbm>> -> memref<100000x4xf32, #tpu.memory_space<hbm>>
      tpu.enqueue_indirect_dma source(%dma_start3A_420 : memref<100000x4xf32, #tpu.memory_space<hbm>>) target(%dma_start3A_415 : memref<128x4xf32, #tpu.memory_space<vmem>>) offsets(%dma_start3A_417 : memref<128xi32, #tpu.memory_space<vmem>>) semaphore(%arg20 : memref<!tpu.dma_semaphore, #tpu.memory_space<semaphore_mem>>)
      %dma_start3A_421 = arith.constant 6272 : i32
      %dma_start3A_422 = arith.constant 0 : i32
      %dma_start3A_423 = tpu.memref_slice %arg12[%dma_start3A_421, %dma_start3A_422] : memref<7168x4xf32, #tpu.memory_space<vmem>> -> memref<128x4xf32, #tpu.memory_space<vmem>>
      %dma_start3A_424 = arith.constant 6272 : i32
      %dma_start3A_425 = tpu.memref_slice %arg11[%dma_start3A_424] : memref<7168xi32, #tpu.memory_space<vmem>> -> memref<128xi32, #tpu.memory_space<vmem>>
      %dma_start3A_426 = arith.constant 0 : i32
      %dma_start3A_427 = arith.constant 0 : i32
      %dma_start3A_428 = tpu.memref_slice %arg2[%dma_start3A_426, %dma_start3A_427] : memref<100000x4xf32, #tpu.memory_space<hbm>> -> memref<100000x4xf32, #tpu.memory_space<hbm>>
      tpu.enqueue_indirect_dma source(%dma_start3A_428 : memref<100000x4xf32, #tpu.memory_space<hbm>>) target(%dma_start3A_423 : memref<128x4xf32, #tpu.memory_space<vmem>>) offsets(%dma_start3A_425 : memref<128xi32, #tpu.memory_space<vmem>>) semaphore(%arg20 : memref<!tpu.dma_semaphore, #tpu.memory_space<semaphore_mem>>)
      %dma_start3A_429 = arith.constant 6400 : i32
      %dma_start3A_430 = arith.constant 0 : i32
      %dma_start3A_431 = tpu.memref_slice %arg12[%dma_start3A_429, %dma_start3A_430] : memref<7168x4xf32, #tpu.memory_space<vmem>> -> memref<128x4xf32, #tpu.memory_space<vmem>>
      %dma_start3A_432 = arith.constant 6400 : i32
      %dma_start3A_433 = tpu.memref_slice %arg11[%dma_start3A_432] : memref<7168xi32, #tpu.memory_space<vmem>> -> memref<128xi32, #tpu.memory_space<vmem>>
      %dma_start3A_434 = arith.constant 0 : i32
      %dma_start3A_435 = arith.constant 0 : i32
      %dma_start3A_436 = tpu.memref_slice %arg2[%dma_start3A_434, %dma_start3A_435] : memref<100000x4xf32, #tpu.memory_space<hbm>> -> memref<100000x4xf32, #tpu.memory_space<hbm>>
      tpu.enqueue_indirect_dma source(%dma_start3A_436 : memref<100000x4xf32, #tpu.memory_space<hbm>>) target(%dma_start3A_431 : memref<128x4xf32, #tpu.memory_space<vmem>>) offsets(%dma_start3A_433 : memref<128xi32, #tpu.memory_space<vmem>>) semaphore(%arg20 : memref<!tpu.dma_semaphore, #tpu.memory_space<semaphore_mem>>)
      %dma_start3A_437 = arith.constant 6528 : i32
      %dma_start3A_438 = arith.constant 0 : i32
      %dma_start3A_439 = tpu.memref_slice %arg12[%dma_start3A_437, %dma_start3A_438] : memref<7168x4xf32, #tpu.memory_space<vmem>> -> memref<128x4xf32, #tpu.memory_space<vmem>>
      %dma_start3A_440 = arith.constant 6528 : i32
      %dma_start3A_441 = tpu.memref_slice %arg11[%dma_start3A_440] : memref<7168xi32, #tpu.memory_space<vmem>> -> memref<128xi32, #tpu.memory_space<vmem>>
      %dma_start3A_442 = arith.constant 0 : i32
      %dma_start3A_443 = arith.constant 0 : i32
      %dma_start3A_444 = tpu.memref_slice %arg2[%dma_start3A_442, %dma_start3A_443] : memref<100000x4xf32, #tpu.memory_space<hbm>> -> memref<100000x4xf32, #tpu.memory_space<hbm>>
      tpu.enqueue_indirect_dma source(%dma_start3A_444 : memref<100000x4xf32, #tpu.memory_space<hbm>>) target(%dma_start3A_439 : memref<128x4xf32, #tpu.memory_space<vmem>>) offsets(%dma_start3A_441 : memref<128xi32, #tpu.memory_space<vmem>>) semaphore(%arg20 : memref<!tpu.dma_semaphore, #tpu.memory_space<semaphore_mem>>)
      %dma_start3A_445 = arith.constant 6656 : i32
      %dma_start3A_446 = arith.constant 0 : i32
      %dma_start3A_447 = tpu.memref_slice %arg12[%dma_start3A_445, %dma_start3A_446] : memref<7168x4xf32, #tpu.memory_space<vmem>> -> memref<128x4xf32, #tpu.memory_space<vmem>>
      %dma_start3A_448 = arith.constant 6656 : i32
      %dma_start3A_449 = tpu.memref_slice %arg11[%dma_start3A_448] : memref<7168xi32, #tpu.memory_space<vmem>> -> memref<128xi32, #tpu.memory_space<vmem>>
      %dma_start3A_450 = arith.constant 0 : i32
      %dma_start3A_451 = arith.constant 0 : i32
      %dma_start3A_452 = tpu.memref_slice %arg2[%dma_start3A_450, %dma_start3A_451] : memref<100000x4xf32, #tpu.memory_space<hbm>> -> memref<100000x4xf32, #tpu.memory_space<hbm>>
      tpu.enqueue_indirect_dma source(%dma_start3A_452 : memref<100000x4xf32, #tpu.memory_space<hbm>>) target(%dma_start3A_447 : memref<128x4xf32, #tpu.memory_space<vmem>>) offsets(%dma_start3A_449 : memref<128xi32, #tpu.memory_space<vmem>>) semaphore(%arg20 : memref<!tpu.dma_semaphore, #tpu.memory_space<semaphore_mem>>)
      %dma_start3A_453 = arith.constant 6784 : i32
      %dma_start3A_454 = arith.constant 0 : i32
      %dma_start3A_455 = tpu.memref_slice %arg12[%dma_start3A_453, %dma_start3A_454] : memref<7168x4xf32, #tpu.memory_space<vmem>> -> memref<128x4xf32, #tpu.memory_space<vmem>>
      %dma_start3A_456 = arith.constant 6784 : i32
      %dma_start3A_457 = tpu.memref_slice %arg11[%dma_start3A_456] : memref<7168xi32, #tpu.memory_space<vmem>> -> memref<128xi32, #tpu.memory_space<vmem>>
      %dma_start3A_458 = arith.constant 0 : i32
      %dma_start3A_459 = arith.constant 0 : i32
      %dma_start3A_460 = tpu.memref_slice %arg2[%dma_start3A_458, %dma_start3A_459] : memref<100000x4xf32, #tpu.memory_space<hbm>> -> memref<100000x4xf32, #tpu.memory_space<hbm>>
      tpu.enqueue_indirect_dma source(%dma_start3A_460 : memref<100000x4xf32, #tpu.memory_space<hbm>>) target(%dma_start3A_455 : memref<128x4xf32, #tpu.memory_space<vmem>>) offsets(%dma_start3A_457 : memref<128xi32, #tpu.memory_space<vmem>>) semaphore(%arg20 : memref<!tpu.dma_semaphore, #tpu.memory_space<semaphore_mem>>)
      %dma_start3A_461 = arith.constant 6912 : i32
      %dma_start3A_462 = arith.constant 0 : i32
      %dma_start3A_463 = tpu.memref_slice %arg12[%dma_start3A_461, %dma_start3A_462] : memref<7168x4xf32, #tpu.memory_space<vmem>> -> memref<128x4xf32, #tpu.memory_space<vmem>>
      %dma_start3A_464 = arith.constant 6912 : i32
      %dma_start3A_465 = tpu.memref_slice %arg11[%dma_start3A_464] : memref<7168xi32, #tpu.memory_space<vmem>> -> memref<128xi32, #tpu.memory_space<vmem>>
      %dma_start3A_466 = arith.constant 0 : i32
      %dma_start3A_467 = arith.constant 0 : i32
      %dma_start3A_468 = tpu.memref_slice %arg2[%dma_start3A_466, %dma_start3A_467] : memref<100000x4xf32, #tpu.memory_space<hbm>> -> memref<100000x4xf32, #tpu.memory_space<hbm>>
      tpu.enqueue_indirect_dma source(%dma_start3A_468 : memref<100000x4xf32, #tpu.memory_space<hbm>>) target(%dma_start3A_463 : memref<128x4xf32, #tpu.memory_space<vmem>>) offsets(%dma_start3A_465 : memref<128xi32, #tpu.memory_space<vmem>>) semaphore(%arg20 : memref<!tpu.dma_semaphore, #tpu.memory_space<semaphore_mem>>)
      %dma_start3A_469 = arith.constant 7040 : i32
      %dma_start3A_470 = arith.constant 0 : i32
      %dma_start3A_471 = tpu.memref_slice %arg12[%dma_start3A_469, %dma_start3A_470] : memref<7168x4xf32, #tpu.memory_space<vmem>> -> memref<128x4xf32, #tpu.memory_space<vmem>>
      %dma_start3A_472 = arith.constant 7040 : i32
      %dma_start3A_473 = tpu.memref_slice %arg11[%dma_start3A_472] : memref<7168xi32, #tpu.memory_space<vmem>> -> memref<128xi32, #tpu.memory_space<vmem>>
      %dma_start3A_474 = arith.constant 0 : i32
      %dma_start3A_475 = arith.constant 0 : i32
      %dma_start3A_476 = tpu.memref_slice %arg2[%dma_start3A_474, %dma_start3A_475] : memref<100000x4xf32, #tpu.memory_space<hbm>> -> memref<100000x4xf32, #tpu.memory_space<hbm>>
      tpu.enqueue_indirect_dma source(%dma_start3A_476 : memref<100000x4xf32, #tpu.memory_space<hbm>>) target(%dma_start3A_471 : memref<128x4xf32, #tpu.memory_space<vmem>>) offsets(%dma_start3A_473 : memref<128xi32, #tpu.memory_space<vmem>>) semaphore(%arg20 : memref<!tpu.dma_semaphore, #tpu.memory_space<semaphore_mem>>)
      %dma_wait3A = arith.constant 0 : i32
      %dma_wait3A_477 = arith.constant 0 : i32
      %dma_wait3A_478 = tpu.memref_slice %arg12[%dma_wait3A, %dma_wait3A_477] : memref<7168x4xf32, #tpu.memory_space<vmem>> -> memref<128x4xf32, #tpu.memory_space<vmem>>
      %dma_wait3A_479 = arith.constant 0 : i32
      %dma_wait3A_480 = tpu.memref_slice %arg11[%dma_wait3A_479] : memref<7168xi32, #tpu.memory_space<vmem>> -> memref<128xi32, #tpu.memory_space<vmem>>
      %dma_wait3A_481 = arith.constant 0 : i32
      %dma_wait3A_482 = arith.constant 0 : i32
      %dma_wait3A_483 = tpu.memref_slice %arg2[%dma_wait3A_481, %dma_wait3A_482] : memref<100000x4xf32, #tpu.memory_space<hbm>> -> memref<100000x4xf32, #tpu.memory_space<hbm>>
      tpu.wait_indirect_dma semaphore(%arg20 : memref<!tpu.dma_semaphore, #tpu.memory_space<semaphore_mem>>) src(%dma_wait3A_483 : memref<100000x4xf32, #tpu.memory_space<hbm>>) dst(%dma_wait3A_478 : memref<128x4xf32, #tpu.memory_space<vmem>>)
      %dma_wait3A_484 = arith.constant 128 : i32
      %dma_wait3A_485 = arith.constant 0 : i32
      %dma_wait3A_486 = tpu.memref_slice %arg12[%dma_wait3A_484, %dma_wait3A_485] : memref<7168x4xf32, #tpu.memory_space<vmem>> -> memref<128x4xf32, #tpu.memory_space<vmem>>
      %dma_wait3A_487 = arith.constant 128 : i32
      %dma_wait3A_488 = tpu.memref_slice %arg11[%dma_wait3A_487] : memref<7168xi32, #tpu.memory_space<vmem>> -> memref<128xi32, #tpu.memory_space<vmem>>
      %dma_wait3A_489 = arith.constant 0 : i32
      %dma_wait3A_490 = arith.constant 0 : i32
      %dma_wait3A_491 = tpu.memref_slice %arg2[%dma_wait3A_489, %dma_wait3A_490] : memref<100000x4xf32, #tpu.memory_space<hbm>> -> memref<100000x4xf32, #tpu.memory_space<hbm>>
      tpu.wait_indirect_dma semaphore(%arg20 : memref<!tpu.dma_semaphore, #tpu.memory_space<semaphore_mem>>) src(%dma_wait3A_491 : memref<100000x4xf32, #tpu.memory_space<hbm>>) dst(%dma_wait3A_486 : memref<128x4xf32, #tpu.memory_space<vmem>>)
      %dma_wait3A_492 = arith.constant 256 : i32
      %dma_wait3A_493 = arith.constant 0 : i32
      %dma_wait3A_494 = tpu.memref_slice %arg12[%dma_wait3A_492, %dma_wait3A_493] : memref<7168x4xf32, #tpu.memory_space<vmem>> -> memref<128x4xf32, #tpu.memory_space<vmem>>
      %dma_wait3A_495 = arith.constant 256 : i32
      %dma_wait3A_496 = tpu.memref_slice %arg11[%dma_wait3A_495] : memref<7168xi32, #tpu.memory_space<vmem>> -> memref<128xi32, #tpu.memory_space<vmem>>
      %dma_wait3A_497 = arith.constant 0 : i32
      %dma_wait3A_498 = arith.constant 0 : i32
      %dma_wait3A_499 = tpu.memref_slice %arg2[%dma_wait3A_497, %dma_wait3A_498] : memref<100000x4xf32, #tpu.memory_space<hbm>> -> memref<100000x4xf32, #tpu.memory_space<hbm>>
      tpu.wait_indirect_dma semaphore(%arg20 : memref<!tpu.dma_semaphore, #tpu.memory_space<semaphore_mem>>) src(%dma_wait3A_499 : memref<100000x4xf32, #tpu.memory_space<hbm>>) dst(%dma_wait3A_494 : memref<128x4xf32, #tpu.memory_space<vmem>>)
      %dma_wait3A_500 = arith.constant 384 : i32
      %dma_wait3A_501 = arith.constant 0 : i32
      %dma_wait3A_502 = tpu.memref_slice %arg12[%dma_wait3A_500, %dma_wait3A_501] : memref<7168x4xf32, #tpu.memory_space<vmem>> -> memref<128x4xf32, #tpu.memory_space<vmem>>
      %dma_wait3A_503 = arith.constant 384 : i32
      %dma_wait3A_504 = tpu.memref_slice %arg11[%dma_wait3A_503] : memref<7168xi32, #tpu.memory_space<vmem>> -> memref<128xi32, #tpu.memory_space<vmem>>
      %dma_wait3A_505 = arith.constant 0 : i32
      %dma_wait3A_506 = arith.constant 0 : i32
      %dma_wait3A_507 = tpu.memref_slice %arg2[%dma_wait3A_505, %dma_wait3A_506] : memref<100000x4xf32, #tpu.memory_space<hbm>> -> memref<100000x4xf32, #tpu.memory_space<hbm>>
      tpu.wait_indirect_dma semaphore(%arg20 : memref<!tpu.dma_semaphore, #tpu.memory_space<semaphore_mem>>) src(%dma_wait3A_507 : memref<100000x4xf32, #tpu.memory_space<hbm>>) dst(%dma_wait3A_502 : memref<128x4xf32, #tpu.memory_space<vmem>>)
      %dma_wait3A_508 = arith.constant 512 : i32
      %dma_wait3A_509 = arith.constant 0 : i32
      %dma_wait3A_510 = tpu.memref_slice %arg12[%dma_wait3A_508, %dma_wait3A_509] : memref<7168x4xf32, #tpu.memory_space<vmem>> -> memref<128x4xf32, #tpu.memory_space<vmem>>
      %dma_wait3A_511 = arith.constant 512 : i32
      %dma_wait3A_512 = tpu.memref_slice %arg11[%dma_wait3A_511] : memref<7168xi32, #tpu.memory_space<vmem>> -> memref<128xi32, #tpu.memory_space<vmem>>
      %dma_wait3A_513 = arith.constant 0 : i32
      %dma_wait3A_514 = arith.constant 0 : i32
      %dma_wait3A_515 = tpu.memref_slice %arg2[%dma_wait3A_513, %dma_wait3A_514] : memref<100000x4xf32, #tpu.memory_space<hbm>> -> memref<100000x4xf32, #tpu.memory_space<hbm>>
      tpu.wait_indirect_dma semaphore(%arg20 : memref<!tpu.dma_semaphore, #tpu.memory_space<semaphore_mem>>) src(%dma_wait3A_515 : memref<100000x4xf32, #tpu.memory_space<hbm>>) dst(%dma_wait3A_510 : memref<128x4xf32, #tpu.memory_space<vmem>>)
      %dma_wait3A_516 = arith.constant 640 : i32
      %dma_wait3A_517 = arith.constant 0 : i32
      %dma_wait3A_518 = tpu.memref_slice %arg12[%dma_wait3A_516, %dma_wait3A_517] : memref<7168x4xf32, #tpu.memory_space<vmem>> -> memref<128x4xf32, #tpu.memory_space<vmem>>
      %dma_wait3A_519 = arith.constant 640 : i32
      %dma_wait3A_520 = tpu.memref_slice %arg11[%dma_wait3A_519] : memref<7168xi32, #tpu.memory_space<vmem>> -> memref<128xi32, #tpu.memory_space<vmem>>
      %dma_wait3A_521 = arith.constant 0 : i32
      %dma_wait3A_522 = arith.constant 0 : i32
      %dma_wait3A_523 = tpu.memref_slice %arg2[%dma_wait3A_521, %dma_wait3A_522] : memref<100000x4xf32, #tpu.memory_space<hbm>> -> memref<100000x4xf32, #tpu.memory_space<hbm>>
      tpu.wait_indirect_dma semaphore(%arg20 : memref<!tpu.dma_semaphore, #tpu.memory_space<semaphore_mem>>) src(%dma_wait3A_523 : memref<100000x4xf32, #tpu.memory_space<hbm>>) dst(%dma_wait3A_518 : memref<128x4xf32, #tpu.memory_space<vmem>>)
      %dma_wait3A_524 = arith.constant 768 : i32
      %dma_wait3A_525 = arith.constant 0 : i32
      %dma_wait3A_526 = tpu.memref_slice %arg12[%dma_wait3A_524, %dma_wait3A_525] : memref<7168x4xf32, #tpu.memory_space<vmem>> -> memref<128x4xf32, #tpu.memory_space<vmem>>
      %dma_wait3A_527 = arith.constant 768 : i32
      %dma_wait3A_528 = tpu.memref_slice %arg11[%dma_wait3A_527] : memref<7168xi32, #tpu.memory_space<vmem>> -> memref<128xi32, #tpu.memory_space<vmem>>
      %dma_wait3A_529 = arith.constant 0 : i32
      %dma_wait3A_530 = arith.constant 0 : i32
      %dma_wait3A_531 = tpu.memref_slice %arg2[%dma_wait3A_529, %dma_wait3A_530] : memref<100000x4xf32, #tpu.memory_space<hbm>> -> memref<100000x4xf32, #tpu.memory_space<hbm>>
      tpu.wait_indirect_dma semaphore(%arg20 : memref<!tpu.dma_semaphore, #tpu.memory_space<semaphore_mem>>) src(%dma_wait3A_531 : memref<100000x4xf32, #tpu.memory_space<hbm>>) dst(%dma_wait3A_526 : memref<128x4xf32, #tpu.memory_space<vmem>>)
      %dma_wait3A_532 = arith.constant 896 : i32
      %dma_wait3A_533 = arith.constant 0 : i32
      %dma_wait3A_534 = tpu.memref_slice %arg12[%dma_wait3A_532, %dma_wait3A_533] : memref<7168x4xf32, #tpu.memory_space<vmem>> -> memref<128x4xf32, #tpu.memory_space<vmem>>
      %dma_wait3A_535 = arith.constant 896 : i32
      %dma_wait3A_536 = tpu.memref_slice %arg11[%dma_wait3A_535] : memref<7168xi32, #tpu.memory_space<vmem>> -> memref<128xi32, #tpu.memory_space<vmem>>
      %dma_wait3A_537 = arith.constant 0 : i32
      %dma_wait3A_538 = arith.constant 0 : i32
      %dma_wait3A_539 = tpu.memref_slice %arg2[%dma_wait3A_537, %dma_wait3A_538] : memref<100000x4xf32, #tpu.memory_space<hbm>> -> memref<100000x4xf32, #tpu.memory_space<hbm>>
      tpu.wait_indirect_dma semaphore(%arg20 : memref<!tpu.dma_semaphore, #tpu.memory_space<semaphore_mem>>) src(%dma_wait3A_539 : memref<100000x4xf32, #tpu.memory_space<hbm>>) dst(%dma_wait3A_534 : memref<128x4xf32, #tpu.memory_space<vmem>>)
      %dma_wait3A_540 = arith.constant 1024 : i32
      %dma_wait3A_541 = arith.constant 0 : i32
      %dma_wait3A_542 = tpu.memref_slice %arg12[%dma_wait3A_540, %dma_wait3A_541] : memref<7168x4xf32, #tpu.memory_space<vmem>> -> memref<128x4xf32, #tpu.memory_space<vmem>>
      %dma_wait3A_543 = arith.constant 1024 : i32
      %dma_wait3A_544 = tpu.memref_slice %arg11[%dma_wait3A_543] : memref<7168xi32, #tpu.memory_space<vmem>> -> memref<128xi32, #tpu.memory_space<vmem>>
      %dma_wait3A_545 = arith.constant 0 : i32
      %dma_wait3A_546 = arith.constant 0 : i32
      %dma_wait3A_547 = tpu.memref_slice %arg2[%dma_wait3A_545, %dma_wait3A_546] : memref<100000x4xf32, #tpu.memory_space<hbm>> -> memref<100000x4xf32, #tpu.memory_space<hbm>>
      tpu.wait_indirect_dma semaphore(%arg20 : memref<!tpu.dma_semaphore, #tpu.memory_space<semaphore_mem>>) src(%dma_wait3A_547 : memref<100000x4xf32, #tpu.memory_space<hbm>>) dst(%dma_wait3A_542 : memref<128x4xf32, #tpu.memory_space<vmem>>)
      %dma_wait3A_548 = arith.constant 1152 : i32
      %dma_wait3A_549 = arith.constant 0 : i32
      %dma_wait3A_550 = tpu.memref_slice %arg12[%dma_wait3A_548, %dma_wait3A_549] : memref<7168x4xf32, #tpu.memory_space<vmem>> -> memref<128x4xf32, #tpu.memory_space<vmem>>
      %dma_wait3A_551 = arith.constant 1152 : i32
      %dma_wait3A_552 = tpu.memref_slice %arg11[%dma_wait3A_551] : memref<7168xi32, #tpu.memory_space<vmem>> -> memref<128xi32, #tpu.memory_space<vmem>>
      %dma_wait3A_553 = arith.constant 0 : i32
      %dma_wait3A_554 = arith.constant 0 : i32
      %dma_wait3A_555 = tpu.memref_slice %arg2[%dma_wait3A_553, %dma_wait3A_554] : memref<100000x4xf32, #tpu.memory_space<hbm>> -> memref<100000x4xf32, #tpu.memory_space<hbm>>
      tpu.wait_indirect_dma semaphore(%arg20 : memref<!tpu.dma_semaphore, #tpu.memory_space<semaphore_mem>>) src(%dma_wait3A_555 : memref<100000x4xf32, #tpu.memory_space<hbm>>) dst(%dma_wait3A_550 : memref<128x4xf32, #tpu.memory_space<vmem>>)
      %dma_wait3A_556 = arith.constant 1280 : i32
      %dma_wait3A_557 = arith.constant 0 : i32
      %dma_wait3A_558 = tpu.memref_slice %arg12[%dma_wait3A_556, %dma_wait3A_557] : memref<7168x4xf32, #tpu.memory_space<vmem>> -> memref<128x4xf32, #tpu.memory_space<vmem>>
      %dma_wait3A_559 = arith.constant 1280 : i32
      %dma_wait3A_560 = tpu.memref_slice %arg11[%dma_wait3A_559] : memref<7168xi32, #tpu.memory_space<vmem>> -> memref<128xi32, #tpu.memory_space<vmem>>
      %dma_wait3A_561 = arith.constant 0 : i32
      %dma_wait3A_562 = arith.constant 0 : i32
      %dma_wait3A_563 = tpu.memref_slice %arg2[%dma_wait3A_561, %dma_wait3A_562] : memref<100000x4xf32, #tpu.memory_space<hbm>> -> memref<100000x4xf32, #tpu.memory_space<hbm>>
      tpu.wait_indirect_dma semaphore(%arg20 : memref<!tpu.dma_semaphore, #tpu.memory_space<semaphore_mem>>) src(%dma_wait3A_563 : memref<100000x4xf32, #tpu.memory_space<hbm>>) dst(%dma_wait3A_558 : memref<128x4xf32, #tpu.memory_space<vmem>>)
      %dma_wait3A_564 = arith.constant 1408 : i32
      %dma_wait3A_565 = arith.constant 0 : i32
      %dma_wait3A_566 = tpu.memref_slice %arg12[%dma_wait3A_564, %dma_wait3A_565] : memref<7168x4xf32, #tpu.memory_space<vmem>> -> memref<128x4xf32, #tpu.memory_space<vmem>>
      %dma_wait3A_567 = arith.constant 1408 : i32
      %dma_wait3A_568 = tpu.memref_slice %arg11[%dma_wait3A_567] : memref<7168xi32, #tpu.memory_space<vmem>> -> memref<128xi32, #tpu.memory_space<vmem>>
      %dma_wait3A_569 = arith.constant 0 : i32
      %dma_wait3A_570 = arith.constant 0 : i32
      %dma_wait3A_571 = tpu.memref_slice %arg2[%dma_wait3A_569, %dma_wait3A_570] : memref<100000x4xf32, #tpu.memory_space<hbm>> -> memref<100000x4xf32, #tpu.memory_space<hbm>>
      tpu.wait_indirect_dma semaphore(%arg20 : memref<!tpu.dma_semaphore, #tpu.memory_space<semaphore_mem>>) src(%dma_wait3A_571 : memref<100000x4xf32, #tpu.memory_space<hbm>>) dst(%dma_wait3A_566 : memref<128x4xf32, #tpu.memory_space<vmem>>)
      %dma_wait3A_572 = arith.constant 1536 : i32
      %dma_wait3A_573 = arith.constant 0 : i32
      %dma_wait3A_574 = tpu.memref_slice %arg12[%dma_wait3A_572, %dma_wait3A_573] : memref<7168x4xf32, #tpu.memory_space<vmem>> -> memref<128x4xf32, #tpu.memory_space<vmem>>
      %dma_wait3A_575 = arith.constant 1536 : i32
      %dma_wait3A_576 = tpu.memref_slice %arg11[%dma_wait3A_575] : memref<7168xi32, #tpu.memory_space<vmem>> -> memref<128xi32, #tpu.memory_space<vmem>>
      %dma_wait3A_577 = arith.constant 0 : i32
      %dma_wait3A_578 = arith.constant 0 : i32
      %dma_wait3A_579 = tpu.memref_slice %arg2[%dma_wait3A_577, %dma_wait3A_578] : memref<100000x4xf32, #tpu.memory_space<hbm>> -> memref<100000x4xf32, #tpu.memory_space<hbm>>
      tpu.wait_indirect_dma semaphore(%arg20 : memref<!tpu.dma_semaphore, #tpu.memory_space<semaphore_mem>>) src(%dma_wait3A_579 : memref<100000x4xf32, #tpu.memory_space<hbm>>) dst(%dma_wait3A_574 : memref<128x4xf32, #tpu.memory_space<vmem>>)
      %dma_wait3A_580 = arith.constant 1664 : i32
      %dma_wait3A_581 = arith.constant 0 : i32
      %dma_wait3A_582 = tpu.memref_slice %arg12[%dma_wait3A_580, %dma_wait3A_581] : memref<7168x4xf32, #tpu.memory_space<vmem>> -> memref<128x4xf32, #tpu.memory_space<vmem>>
      %dma_wait3A_583 = arith.constant 1664 : i32
      %dma_wait3A_584 = tpu.memref_slice %arg11[%dma_wait3A_583] : memref<7168xi32, #tpu.memory_space<vmem>> -> memref<128xi32, #tpu.memory_space<vmem>>
      %dma_wait3A_585 = arith.constant 0 : i32
      %dma_wait3A_586 = arith.constant 0 : i32
      %dma_wait3A_587 = tpu.memref_slice %arg2[%dma_wait3A_585, %dma_wait3A_586] : memref<100000x4xf32, #tpu.memory_space<hbm>> -> memref<100000x4xf32, #tpu.memory_space<hbm>>
      tpu.wait_indirect_dma semaphore(%arg20 : memref<!tpu.dma_semaphore, #tpu.memory_space<semaphore_mem>>) src(%dma_wait3A_587 : memref<100000x4xf32, #tpu.memory_space<hbm>>) dst(%dma_wait3A_582 : memref<128x4xf32, #tpu.memory_space<vmem>>)
      %dma_wait3A_588 = arith.constant 1792 : i32
      %dma_wait3A_589 = arith.constant 0 : i32
      %dma_wait3A_590 = tpu.memref_slice %arg12[%dma_wait3A_588, %dma_wait3A_589] : memref<7168x4xf32, #tpu.memory_space<vmem>> -> memref<128x4xf32, #tpu.memory_space<vmem>>
      %dma_wait3A_591 = arith.constant 1792 : i32
      %dma_wait3A_592 = tpu.memref_slice %arg11[%dma_wait3A_591] : memref<7168xi32, #tpu.memory_space<vmem>> -> memref<128xi32, #tpu.memory_space<vmem>>
      %dma_wait3A_593 = arith.constant 0 : i32
      %dma_wait3A_594 = arith.constant 0 : i32
      %dma_wait3A_595 = tpu.memref_slice %arg2[%dma_wait3A_593, %dma_wait3A_594] : memref<100000x4xf32, #tpu.memory_space<hbm>> -> memref<100000x4xf32, #tpu.memory_space<hbm>>
      tpu.wait_indirect_dma semaphore(%arg20 : memref<!tpu.dma_semaphore, #tpu.memory_space<semaphore_mem>>) src(%dma_wait3A_595 : memref<100000x4xf32, #tpu.memory_space<hbm>>) dst(%dma_wait3A_590 : memref<128x4xf32, #tpu.memory_space<vmem>>)
      %dma_wait3A_596 = arith.constant 1920 : i32
      %dma_wait3A_597 = arith.constant 0 : i32
      %dma_wait3A_598 = tpu.memref_slice %arg12[%dma_wait3A_596, %dma_wait3A_597] : memref<7168x4xf32, #tpu.memory_space<vmem>> -> memref<128x4xf32, #tpu.memory_space<vmem>>
      %dma_wait3A_599 = arith.constant 1920 : i32
      %dma_wait3A_600 = tpu.memref_slice %arg11[%dma_wait3A_599] : memref<7168xi32, #tpu.memory_space<vmem>> -> memref<128xi32, #tpu.memory_space<vmem>>
      %dma_wait3A_601 = arith.constant 0 : i32
      %dma_wait3A_602 = arith.constant 0 : i32
      %dma_wait3A_603 = tpu.memref_slice %arg2[%dma_wait3A_601, %dma_wait3A_602] : memref<100000x4xf32, #tpu.memory_space<hbm>> -> memref<100000x4xf32, #tpu.memory_space<hbm>>
      tpu.wait_indirect_dma semaphore(%arg20 : memref<!tpu.dma_semaphore, #tpu.memory_space<semaphore_mem>>) src(%dma_wait3A_603 : memref<100000x4xf32, #tpu.memory_space<hbm>>) dst(%dma_wait3A_598 : memref<128x4xf32, #tpu.memory_space<vmem>>)
      %dma_wait3A_604 = arith.constant 2048 : i32
      %dma_wait3A_605 = arith.constant 0 : i32
      %dma_wait3A_606 = tpu.memref_slice %arg12[%dma_wait3A_604, %dma_wait3A_605] : memref<7168x4xf32, #tpu.memory_space<vmem>> -> memref<128x4xf32, #tpu.memory_space<vmem>>
      %dma_wait3A_607 = arith.constant 2048 : i32
      %dma_wait3A_608 = tpu.memref_slice %arg11[%dma_wait3A_607] : memref<7168xi32, #tpu.memory_space<vmem>> -> memref<128xi32, #tpu.memory_space<vmem>>
      %dma_wait3A_609 = arith.constant 0 : i32
      %dma_wait3A_610 = arith.constant 0 : i32
      %dma_wait3A_611 = tpu.memref_slice %arg2[%dma_wait3A_609, %dma_wait3A_610] : memref<100000x4xf32, #tpu.memory_space<hbm>> -> memref<100000x4xf32, #tpu.memory_space<hbm>>
      tpu.wait_indirect_dma semaphore(%arg20 : memref<!tpu.dma_semaphore, #tpu.memory_space<semaphore_mem>>) src(%dma_wait3A_611 : memref<100000x4xf32, #tpu.memory_space<hbm>>) dst(%dma_wait3A_606 : memref<128x4xf32, #tpu.memory_space<vmem>>)
      %dma_wait3A_612 = arith.constant 2176 : i32
      %dma_wait3A_613 = arith.constant 0 : i32
      %dma_wait3A_614 = tpu.memref_slice %arg12[%dma_wait3A_612, %dma_wait3A_613] : memref<7168x4xf32, #tpu.memory_space<vmem>> -> memref<128x4xf32, #tpu.memory_space<vmem>>
      %dma_wait3A_615 = arith.constant 2176 : i32
      %dma_wait3A_616 = tpu.memref_slice %arg11[%dma_wait3A_615] : memref<7168xi32, #tpu.memory_space<vmem>> -> memref<128xi32, #tpu.memory_space<vmem>>
      %dma_wait3A_617 = arith.constant 0 : i32
      %dma_wait3A_618 = arith.constant 0 : i32
      %dma_wait3A_619 = tpu.memref_slice %arg2[%dma_wait3A_617, %dma_wait3A_618] : memref<100000x4xf32, #tpu.memory_space<hbm>> -> memref<100000x4xf32, #tpu.memory_space<hbm>>
      tpu.wait_indirect_dma semaphore(%arg20 : memref<!tpu.dma_semaphore, #tpu.memory_space<semaphore_mem>>) src(%dma_wait3A_619 : memref<100000x4xf32, #tpu.memory_space<hbm>>) dst(%dma_wait3A_614 : memref<128x4xf32, #tpu.memory_space<vmem>>)
      %dma_wait3A_620 = arith.constant 2304 : i32
      %dma_wait3A_621 = arith.constant 0 : i32
      %dma_wait3A_622 = tpu.memref_slice %arg12[%dma_wait3A_620, %dma_wait3A_621] : memref<7168x4xf32, #tpu.memory_space<vmem>> -> memref<128x4xf32, #tpu.memory_space<vmem>>
      %dma_wait3A_623 = arith.constant 2304 : i32
      %dma_wait3A_624 = tpu.memref_slice %arg11[%dma_wait3A_623] : memref<7168xi32, #tpu.memory_space<vmem>> -> memref<128xi32, #tpu.memory_space<vmem>>
      %dma_wait3A_625 = arith.constant 0 : i32
      %dma_wait3A_626 = arith.constant 0 : i32
      %dma_wait3A_627 = tpu.memref_slice %arg2[%dma_wait3A_625, %dma_wait3A_626] : memref<100000x4xf32, #tpu.memory_space<hbm>> -> memref<100000x4xf32, #tpu.memory_space<hbm>>
      tpu.wait_indirect_dma semaphore(%arg20 : memref<!tpu.dma_semaphore, #tpu.memory_space<semaphore_mem>>) src(%dma_wait3A_627 : memref<100000x4xf32, #tpu.memory_space<hbm>>) dst(%dma_wait3A_622 : memref<128x4xf32, #tpu.memory_space<vmem>>)
      %dma_wait3A_628 = arith.constant 2432 : i32
      %dma_wait3A_629 = arith.constant 0 : i32
      %dma_wait3A_630 = tpu.memref_slice %arg12[%dma_wait3A_628, %dma_wait3A_629] : memref<7168x4xf32, #tpu.memory_space<vmem>> -> memref<128x4xf32, #tpu.memory_space<vmem>>
      %dma_wait3A_631 = arith.constant 2432 : i32
      %dma_wait3A_632 = tpu.memref_slice %arg11[%dma_wait3A_631] : memref<7168xi32, #tpu.memory_space<vmem>> -> memref<128xi32, #tpu.memory_space<vmem>>
      %dma_wait3A_633 = arith.constant 0 : i32
      %dma_wait3A_634 = arith.constant 0 : i32
      %dma_wait3A_635 = tpu.memref_slice %arg2[%dma_wait3A_633, %dma_wait3A_634] : memref<100000x4xf32, #tpu.memory_space<hbm>> -> memref<100000x4xf32, #tpu.memory_space<hbm>>
      tpu.wait_indirect_dma semaphore(%arg20 : memref<!tpu.dma_semaphore, #tpu.memory_space<semaphore_mem>>) src(%dma_wait3A_635 : memref<100000x4xf32, #tpu.memory_space<hbm>>) dst(%dma_wait3A_630 : memref<128x4xf32, #tpu.memory_space<vmem>>)
      %dma_wait3A_636 = arith.constant 2560 : i32
      %dma_wait3A_637 = arith.constant 0 : i32
      %dma_wait3A_638 = tpu.memref_slice %arg12[%dma_wait3A_636, %dma_wait3A_637] : memref<7168x4xf32, #tpu.memory_space<vmem>> -> memref<128x4xf32, #tpu.memory_space<vmem>>
      %dma_wait3A_639 = arith.constant 2560 : i32
      %dma_wait3A_640 = tpu.memref_slice %arg11[%dma_wait3A_639] : memref<7168xi32, #tpu.memory_space<vmem>> -> memref<128xi32, #tpu.memory_space<vmem>>
      %dma_wait3A_641 = arith.constant 0 : i32
      %dma_wait3A_642 = arith.constant 0 : i32
      %dma_wait3A_643 = tpu.memref_slice %arg2[%dma_wait3A_641, %dma_wait3A_642] : memref<100000x4xf32, #tpu.memory_space<hbm>> -> memref<100000x4xf32, #tpu.memory_space<hbm>>
      tpu.wait_indirect_dma semaphore(%arg20 : memref<!tpu.dma_semaphore, #tpu.memory_space<semaphore_mem>>) src(%dma_wait3A_643 : memref<100000x4xf32, #tpu.memory_space<hbm>>) dst(%dma_wait3A_638 : memref<128x4xf32, #tpu.memory_space<vmem>>)
      %dma_wait3A_644 = arith.constant 2688 : i32
      %dma_wait3A_645 = arith.constant 0 : i32
      %dma_wait3A_646 = tpu.memref_slice %arg12[%dma_wait3A_644, %dma_wait3A_645] : memref<7168x4xf32, #tpu.memory_space<vmem>> -> memref<128x4xf32, #tpu.memory_space<vmem>>
      %dma_wait3A_647 = arith.constant 2688 : i32
      %dma_wait3A_648 = tpu.memref_slice %arg11[%dma_wait3A_647] : memref<7168xi32, #tpu.memory_space<vmem>> -> memref<128xi32, #tpu.memory_space<vmem>>
      %dma_wait3A_649 = arith.constant 0 : i32
      %dma_wait3A_650 = arith.constant 0 : i32
      %dma_wait3A_651 = tpu.memref_slice %arg2[%dma_wait3A_649, %dma_wait3A_650] : memref<100000x4xf32, #tpu.memory_space<hbm>> -> memref<100000x4xf32, #tpu.memory_space<hbm>>
      tpu.wait_indirect_dma semaphore(%arg20 : memref<!tpu.dma_semaphore, #tpu.memory_space<semaphore_mem>>) src(%dma_wait3A_651 : memref<100000x4xf32, #tpu.memory_space<hbm>>) dst(%dma_wait3A_646 : memref<128x4xf32, #tpu.memory_space<vmem>>)
      %dma_wait3A_652 = arith.constant 2816 : i32
      %dma_wait3A_653 = arith.constant 0 : i32
      %dma_wait3A_654 = tpu.memref_slice %arg12[%dma_wait3A_652, %dma_wait3A_653] : memref<7168x4xf32, #tpu.memory_space<vmem>> -> memref<128x4xf32, #tpu.memory_space<vmem>>
      %dma_wait3A_655 = arith.constant 2816 : i32
      %dma_wait3A_656 = tpu.memref_slice %arg11[%dma_wait3A_655] : memref<7168xi32, #tpu.memory_space<vmem>> -> memref<128xi32, #tpu.memory_space<vmem>>
      %dma_wait3A_657 = arith.constant 0 : i32
      %dma_wait3A_658 = arith.constant 0 : i32
      %dma_wait3A_659 = tpu.memref_slice %arg2[%dma_wait3A_657, %dma_wait3A_658] : memref<100000x4xf32, #tpu.memory_space<hbm>> -> memref<100000x4xf32, #tpu.memory_space<hbm>>
      tpu.wait_indirect_dma semaphore(%arg20 : memref<!tpu.dma_semaphore, #tpu.memory_space<semaphore_mem>>) src(%dma_wait3A_659 : memref<100000x4xf32, #tpu.memory_space<hbm>>) dst(%dma_wait3A_654 : memref<128x4xf32, #tpu.memory_space<vmem>>)
      %dma_wait3A_660 = arith.constant 2944 : i32
      %dma_wait3A_661 = arith.constant 0 : i32
      %dma_wait3A_662 = tpu.memref_slice %arg12[%dma_wait3A_660, %dma_wait3A_661] : memref<7168x4xf32, #tpu.memory_space<vmem>> -> memref<128x4xf32, #tpu.memory_space<vmem>>
      %dma_wait3A_663 = arith.constant 2944 : i32
      %dma_wait3A_664 = tpu.memref_slice %arg11[%dma_wait3A_663] : memref<7168xi32, #tpu.memory_space<vmem>> -> memref<128xi32, #tpu.memory_space<vmem>>
      %dma_wait3A_665 = arith.constant 0 : i32
      %dma_wait3A_666 = arith.constant 0 : i32
      %dma_wait3A_667 = tpu.memref_slice %arg2[%dma_wait3A_665, %dma_wait3A_666] : memref<100000x4xf32, #tpu.memory_space<hbm>> -> memref<100000x4xf32, #tpu.memory_space<hbm>>
      tpu.wait_indirect_dma semaphore(%arg20 : memref<!tpu.dma_semaphore, #tpu.memory_space<semaphore_mem>>) src(%dma_wait3A_667 : memref<100000x4xf32, #tpu.memory_space<hbm>>) dst(%dma_wait3A_662 : memref<128x4xf32, #tpu.memory_space<vmem>>)
      %dma_wait3A_668 = arith.constant 3072 : i32
      %dma_wait3A_669 = arith.constant 0 : i32
      %dma_wait3A_670 = tpu.memref_slice %arg12[%dma_wait3A_668, %dma_wait3A_669] : memref<7168x4xf32, #tpu.memory_space<vmem>> -> memref<128x4xf32, #tpu.memory_space<vmem>>
      %dma_wait3A_671 = arith.constant 3072 : i32
      %dma_wait3A_672 = tpu.memref_slice %arg11[%dma_wait3A_671] : memref<7168xi32, #tpu.memory_space<vmem>> -> memref<128xi32, #tpu.memory_space<vmem>>
      %dma_wait3A_673 = arith.constant 0 : i32
      %dma_wait3A_674 = arith.constant 0 : i32
      %dma_wait3A_675 = tpu.memref_slice %arg2[%dma_wait3A_673, %dma_wait3A_674] : memref<100000x4xf32, #tpu.memory_space<hbm>> -> memref<100000x4xf32, #tpu.memory_space<hbm>>
      tpu.wait_indirect_dma semaphore(%arg20 : memref<!tpu.dma_semaphore, #tpu.memory_space<semaphore_mem>>) src(%dma_wait3A_675 : memref<100000x4xf32, #tpu.memory_space<hbm>>) dst(%dma_wait3A_670 : memref<128x4xf32, #tpu.memory_space<vmem>>)
      %dma_wait3A_676 = arith.constant 3200 : i32
      %dma_wait3A_677 = arith.constant 0 : i32
      %dma_wait3A_678 = tpu.memref_slice %arg12[%dma_wait3A_676, %dma_wait3A_677] : memref<7168x4xf32, #tpu.memory_space<vmem>> -> memref<128x4xf32, #tpu.memory_space<vmem>>
      %dma_wait3A_679 = arith.constant 3200 : i32
      %dma_wait3A_680 = tpu.memref_slice %arg11[%dma_wait3A_679] : memref<7168xi32, #tpu.memory_space<vmem>> -> memref<128xi32, #tpu.memory_space<vmem>>
      %dma_wait3A_681 = arith.constant 0 : i32
      %dma_wait3A_682 = arith.constant 0 : i32
      %dma_wait3A_683 = tpu.memref_slice %arg2[%dma_wait3A_681, %dma_wait3A_682] : memref<100000x4xf32, #tpu.memory_space<hbm>> -> memref<100000x4xf32, #tpu.memory_space<hbm>>
      tpu.wait_indirect_dma semaphore(%arg20 : memref<!tpu.dma_semaphore, #tpu.memory_space<semaphore_mem>>) src(%dma_wait3A_683 : memref<100000x4xf32, #tpu.memory_space<hbm>>) dst(%dma_wait3A_678 : memref<128x4xf32, #tpu.memory_space<vmem>>)
      %dma_wait3A_684 = arith.constant 3328 : i32
      %dma_wait3A_685 = arith.constant 0 : i32
      %dma_wait3A_686 = tpu.memref_slice %arg12[%dma_wait3A_684, %dma_wait3A_685] : memref<7168x4xf32, #tpu.memory_space<vmem>> -> memref<128x4xf32, #tpu.memory_space<vmem>>
      %dma_wait3A_687 = arith.constant 3328 : i32
      %dma_wait3A_688 = tpu.memref_slice %arg11[%dma_wait3A_687] : memref<7168xi32, #tpu.memory_space<vmem>> -> memref<128xi32, #tpu.memory_space<vmem>>
      %dma_wait3A_689 = arith.constant 0 : i32
      %dma_wait3A_690 = arith.constant 0 : i32
      %dma_wait3A_691 = tpu.memref_slice %arg2[%dma_wait3A_689, %dma_wait3A_690] : memref<100000x4xf32, #tpu.memory_space<hbm>> -> memref<100000x4xf32, #tpu.memory_space<hbm>>
      tpu.wait_indirect_dma semaphore(%arg20 : memref<!tpu.dma_semaphore, #tpu.memory_space<semaphore_mem>>) src(%dma_wait3A_691 : memref<100000x4xf32, #tpu.memory_space<hbm>>) dst(%dma_wait3A_686 : memref<128x4xf32, #tpu.memory_space<vmem>>)
      %dma_wait3A_692 = arith.constant 3456 : i32
      %dma_wait3A_693 = arith.constant 0 : i32
      %dma_wait3A_694 = tpu.memref_slice %arg12[%dma_wait3A_692, %dma_wait3A_693] : memref<7168x4xf32, #tpu.memory_space<vmem>> -> memref<128x4xf32, #tpu.memory_space<vmem>>
      %dma_wait3A_695 = arith.constant 3456 : i32
      %dma_wait3A_696 = tpu.memref_slice %arg11[%dma_wait3A_695] : memref<7168xi32, #tpu.memory_space<vmem>> -> memref<128xi32, #tpu.memory_space<vmem>>
      %dma_wait3A_697 = arith.constant 0 : i32
      %dma_wait3A_698 = arith.constant 0 : i32
      %dma_wait3A_699 = tpu.memref_slice %arg2[%dma_wait3A_697, %dma_wait3A_698] : memref<100000x4xf32, #tpu.memory_space<hbm>> -> memref<100000x4xf32, #tpu.memory_space<hbm>>
      tpu.wait_indirect_dma semaphore(%arg20 : memref<!tpu.dma_semaphore, #tpu.memory_space<semaphore_mem>>) src(%dma_wait3A_699 : memref<100000x4xf32, #tpu.memory_space<hbm>>) dst(%dma_wait3A_694 : memref<128x4xf32, #tpu.memory_space<vmem>>)
      %dma_wait3A_700 = arith.constant 3584 : i32
      %dma_wait3A_701 = arith.constant 0 : i32
      %dma_wait3A_702 = tpu.memref_slice %arg12[%dma_wait3A_700, %dma_wait3A_701] : memref<7168x4xf32, #tpu.memory_space<vmem>> -> memref<128x4xf32, #tpu.memory_space<vmem>>
      %dma_wait3A_703 = arith.constant 3584 : i32
      %dma_wait3A_704 = tpu.memref_slice %arg11[%dma_wait3A_703] : memref<7168xi32, #tpu.memory_space<vmem>> -> memref<128xi32, #tpu.memory_space<vmem>>
      %dma_wait3A_705 = arith.constant 0 : i32
      %dma_wait3A_706 = arith.constant 0 : i32
      %dma_wait3A_707 = tpu.memref_slice %arg2[%dma_wait3A_705, %dma_wait3A_706] : memref<100000x4xf32, #tpu.memory_space<hbm>> -> memref<100000x4xf32, #tpu.memory_space<hbm>>
      tpu.wait_indirect_dma semaphore(%arg20 : memref<!tpu.dma_semaphore, #tpu.memory_space<semaphore_mem>>) src(%dma_wait3A_707 : memref<100000x4xf32, #tpu.memory_space<hbm>>) dst(%dma_wait3A_702 : memref<128x4xf32, #tpu.memory_space<vmem>>)
      %dma_wait3A_708 = arith.constant 3712 : i32
      %dma_wait3A_709 = arith.constant 0 : i32
      %dma_wait3A_710 = tpu.memref_slice %arg12[%dma_wait3A_708, %dma_wait3A_709] : memref<7168x4xf32, #tpu.memory_space<vmem>> -> memref<128x4xf32, #tpu.memory_space<vmem>>
      %dma_wait3A_711 = arith.constant 3712 : i32
      %dma_wait3A_712 = tpu.memref_slice %arg11[%dma_wait3A_711] : memref<7168xi32, #tpu.memory_space<vmem>> -> memref<128xi32, #tpu.memory_space<vmem>>
      %dma_wait3A_713 = arith.constant 0 : i32
      %dma_wait3A_714 = arith.constant 0 : i32
      %dma_wait3A_715 = tpu.memref_slice %arg2[%dma_wait3A_713, %dma_wait3A_714] : memref<100000x4xf32, #tpu.memory_space<hbm>> -> memref<100000x4xf32, #tpu.memory_space<hbm>>
      tpu.wait_indirect_dma semaphore(%arg20 : memref<!tpu.dma_semaphore, #tpu.memory_space<semaphore_mem>>) src(%dma_wait3A_715 : memref<100000x4xf32, #tpu.memory_space<hbm>>) dst(%dma_wait3A_710 : memref<128x4xf32, #tpu.memory_space<vmem>>)
      %dma_wait3A_716 = arith.constant 3840 : i32
      %dma_wait3A_717 = arith.constant 0 : i32
      %dma_wait3A_718 = tpu.memref_slice %arg12[%dma_wait3A_716, %dma_wait3A_717] : memref<7168x4xf32, #tpu.memory_space<vmem>> -> memref<128x4xf32, #tpu.memory_space<vmem>>
      %dma_wait3A_719 = arith.constant 3840 : i32
      %dma_wait3A_720 = tpu.memref_slice %arg11[%dma_wait3A_719] : memref<7168xi32, #tpu.memory_space<vmem>> -> memref<128xi32, #tpu.memory_space<vmem>>
      %dma_wait3A_721 = arith.constant 0 : i32
      %dma_wait3A_722 = arith.constant 0 : i32
      %dma_wait3A_723 = tpu.memref_slice %arg2[%dma_wait3A_721, %dma_wait3A_722] : memref<100000x4xf32, #tpu.memory_space<hbm>> -> memref<100000x4xf32, #tpu.memory_space<hbm>>
      tpu.wait_indirect_dma semaphore(%arg20 : memref<!tpu.dma_semaphore, #tpu.memory_space<semaphore_mem>>) src(%dma_wait3A_723 : memref<100000x4xf32, #tpu.memory_space<hbm>>) dst(%dma_wait3A_718 : memref<128x4xf32, #tpu.memory_space<vmem>>)
      %dma_wait3A_724 = arith.constant 3968 : i32
      %dma_wait3A_725 = arith.constant 0 : i32
      %dma_wait3A_726 = tpu.memref_slice %arg12[%dma_wait3A_724, %dma_wait3A_725] : memref<7168x4xf32, #tpu.memory_space<vmem>> -> memref<128x4xf32, #tpu.memory_space<vmem>>
      %dma_wait3A_727 = arith.constant 3968 : i32
      %dma_wait3A_728 = tpu.memref_slice %arg11[%dma_wait3A_727] : memref<7168xi32, #tpu.memory_space<vmem>> -> memref<128xi32, #tpu.memory_space<vmem>>
      %dma_wait3A_729 = arith.constant 0 : i32
      %dma_wait3A_730 = arith.constant 0 : i32
      %dma_wait3A_731 = tpu.memref_slice %arg2[%dma_wait3A_729, %dma_wait3A_730] : memref<100000x4xf32, #tpu.memory_space<hbm>> -> memref<100000x4xf32, #tpu.memory_space<hbm>>
      tpu.wait_indirect_dma semaphore(%arg20 : memref<!tpu.dma_semaphore, #tpu.memory_space<semaphore_mem>>) src(%dma_wait3A_731 : memref<100000x4xf32, #tpu.memory_space<hbm>>) dst(%dma_wait3A_726 : memref<128x4xf32, #tpu.memory_space<vmem>>)
      %dma_wait3A_732 = arith.constant 4096 : i32
      %dma_wait3A_733 = arith.constant 0 : i32
      %dma_wait3A_734 = tpu.memref_slice %arg12[%dma_wait3A_732, %dma_wait3A_733] : memref<7168x4xf32, #tpu.memory_space<vmem>> -> memref<128x4xf32, #tpu.memory_space<vmem>>
      %dma_wait3A_735 = arith.constant 4096 : i32
      %dma_wait3A_736 = tpu.memref_slice %arg11[%dma_wait3A_735] : memref<7168xi32, #tpu.memory_space<vmem>> -> memref<128xi32, #tpu.memory_space<vmem>>
      %dma_wait3A_737 = arith.constant 0 : i32
      %dma_wait3A_738 = arith.constant 0 : i32
      %dma_wait3A_739 = tpu.memref_slice %arg2[%dma_wait3A_737, %dma_wait3A_738] : memref<100000x4xf32, #tpu.memory_space<hbm>> -> memref<100000x4xf32, #tpu.memory_space<hbm>>
      tpu.wait_indirect_dma semaphore(%arg20 : memref<!tpu.dma_semaphore, #tpu.memory_space<semaphore_mem>>) src(%dma_wait3A_739 : memref<100000x4xf32, #tpu.memory_space<hbm>>) dst(%dma_wait3A_734 : memref<128x4xf32, #tpu.memory_space<vmem>>)
      %dma_wait3A_740 = arith.constant 4224 : i32
      %dma_wait3A_741 = arith.constant 0 : i32
      %dma_wait3A_742 = tpu.memref_slice %arg12[%dma_wait3A_740, %dma_wait3A_741] : memref<7168x4xf32, #tpu.memory_space<vmem>> -> memref<128x4xf32, #tpu.memory_space<vmem>>
      %dma_wait3A_743 = arith.constant 4224 : i32
      %dma_wait3A_744 = tpu.memref_slice %arg11[%dma_wait3A_743] : memref<7168xi32, #tpu.memory_space<vmem>> -> memref<128xi32, #tpu.memory_space<vmem>>
      %dma_wait3A_745 = arith.constant 0 : i32
      %dma_wait3A_746 = arith.constant 0 : i32
      %dma_wait3A_747 = tpu.memref_slice %arg2[%dma_wait3A_745, %dma_wait3A_746] : memref<100000x4xf32, #tpu.memory_space<hbm>> -> memref<100000x4xf32, #tpu.memory_space<hbm>>
      tpu.wait_indirect_dma semaphore(%arg20 : memref<!tpu.dma_semaphore, #tpu.memory_space<semaphore_mem>>) src(%dma_wait3A_747 : memref<100000x4xf32, #tpu.memory_space<hbm>>) dst(%dma_wait3A_742 : memref<128x4xf32, #tpu.memory_space<vmem>>)
      %dma_wait3A_748 = arith.constant 4352 : i32
      %dma_wait3A_749 = arith.constant 0 : i32
      %dma_wait3A_750 = tpu.memref_slice %arg12[%dma_wait3A_748, %dma_wait3A_749] : memref<7168x4xf32, #tpu.memory_space<vmem>> -> memref<128x4xf32, #tpu.memory_space<vmem>>
      %dma_wait3A_751 = arith.constant 4352 : i32
      %dma_wait3A_752 = tpu.memref_slice %arg11[%dma_wait3A_751] : memref<7168xi32, #tpu.memory_space<vmem>> -> memref<128xi32, #tpu.memory_space<vmem>>
      %dma_wait3A_753 = arith.constant 0 : i32
      %dma_wait3A_754 = arith.constant 0 : i32
      %dma_wait3A_755 = tpu.memref_slice %arg2[%dma_wait3A_753, %dma_wait3A_754] : memref<100000x4xf32, #tpu.memory_space<hbm>> -> memref<100000x4xf32, #tpu.memory_space<hbm>>
      tpu.wait_indirect_dma semaphore(%arg20 : memref<!tpu.dma_semaphore, #tpu.memory_space<semaphore_mem>>) src(%dma_wait3A_755 : memref<100000x4xf32, #tpu.memory_space<hbm>>) dst(%dma_wait3A_750 : memref<128x4xf32, #tpu.memory_space<vmem>>)
      %dma_wait3A_756 = arith.constant 4480 : i32
      %dma_wait3A_757 = arith.constant 0 : i32
      %dma_wait3A_758 = tpu.memref_slice %arg12[%dma_wait3A_756, %dma_wait3A_757] : memref<7168x4xf32, #tpu.memory_space<vmem>> -> memref<128x4xf32, #tpu.memory_space<vmem>>
      %dma_wait3A_759 = arith.constant 4480 : i32
      %dma_wait3A_760 = tpu.memref_slice %arg11[%dma_wait3A_759] : memref<7168xi32, #tpu.memory_space<vmem>> -> memref<128xi32, #tpu.memory_space<vmem>>
      %dma_wait3A_761 = arith.constant 0 : i32
      %dma_wait3A_762 = arith.constant 0 : i32
      %dma_wait3A_763 = tpu.memref_slice %arg2[%dma_wait3A_761, %dma_wait3A_762] : memref<100000x4xf32, #tpu.memory_space<hbm>> -> memref<100000x4xf32, #tpu.memory_space<hbm>>
      tpu.wait_indirect_dma semaphore(%arg20 : memref<!tpu.dma_semaphore, #tpu.memory_space<semaphore_mem>>) src(%dma_wait3A_763 : memref<100000x4xf32, #tpu.memory_space<hbm>>) dst(%dma_wait3A_758 : memref<128x4xf32, #tpu.memory_space<vmem>>)
      %dma_wait3A_764 = arith.constant 4608 : i32
      %dma_wait3A_765 = arith.constant 0 : i32
      %dma_wait3A_766 = tpu.memref_slice %arg12[%dma_wait3A_764, %dma_wait3A_765] : memref<7168x4xf32, #tpu.memory_space<vmem>> -> memref<128x4xf32, #tpu.memory_space<vmem>>
      %dma_wait3A_767 = arith.constant 4608 : i32
      %dma_wait3A_768 = tpu.memref_slice %arg11[%dma_wait3A_767] : memref<7168xi32, #tpu.memory_space<vmem>> -> memref<128xi32, #tpu.memory_space<vmem>>
      %dma_wait3A_769 = arith.constant 0 : i32
      %dma_wait3A_770 = arith.constant 0 : i32
      %dma_wait3A_771 = tpu.memref_slice %arg2[%dma_wait3A_769, %dma_wait3A_770] : memref<100000x4xf32, #tpu.memory_space<hbm>> -> memref<100000x4xf32, #tpu.memory_space<hbm>>
      tpu.wait_indirect_dma semaphore(%arg20 : memref<!tpu.dma_semaphore, #tpu.memory_space<semaphore_mem>>) src(%dma_wait3A_771 : memref<100000x4xf32, #tpu.memory_space<hbm>>) dst(%dma_wait3A_766 : memref<128x4xf32, #tpu.memory_space<vmem>>)
      %dma_wait3A_772 = arith.constant 4736 : i32
      %dma_wait3A_773 = arith.constant 0 : i32
      %dma_wait3A_774 = tpu.memref_slice %arg12[%dma_wait3A_772, %dma_wait3A_773] : memref<7168x4xf32, #tpu.memory_space<vmem>> -> memref<128x4xf32, #tpu.memory_space<vmem>>
      %dma_wait3A_775 = arith.constant 4736 : i32
      %dma_wait3A_776 = tpu.memref_slice %arg11[%dma_wait3A_775] : memref<7168xi32, #tpu.memory_space<vmem>> -> memref<128xi32, #tpu.memory_space<vmem>>
      %dma_wait3A_777 = arith.constant 0 : i32
      %dma_wait3A_778 = arith.constant 0 : i32
      %dma_wait3A_779 = tpu.memref_slice %arg2[%dma_wait3A_777, %dma_wait3A_778] : memref<100000x4xf32, #tpu.memory_space<hbm>> -> memref<100000x4xf32, #tpu.memory_space<hbm>>
      tpu.wait_indirect_dma semaphore(%arg20 : memref<!tpu.dma_semaphore, #tpu.memory_space<semaphore_mem>>) src(%dma_wait3A_779 : memref<100000x4xf32, #tpu.memory_space<hbm>>) dst(%dma_wait3A_774 : memref<128x4xf32, #tpu.memory_space<vmem>>)
      %dma_wait3A_780 = arith.constant 4864 : i32
      %dma_wait3A_781 = arith.constant 0 : i32
      %dma_wait3A_782 = tpu.memref_slice %arg12[%dma_wait3A_780, %dma_wait3A_781] : memref<7168x4xf32, #tpu.memory_space<vmem>> -> memref<128x4xf32, #tpu.memory_space<vmem>>
      %dma_wait3A_783 = arith.constant 4864 : i32
      %dma_wait3A_784 = tpu.memref_slice %arg11[%dma_wait3A_783] : memref<7168xi32, #tpu.memory_space<vmem>> -> memref<128xi32, #tpu.memory_space<vmem>>
      %dma_wait3A_785 = arith.constant 0 : i32
      %dma_wait3A_786 = arith.constant 0 : i32
      %dma_wait3A_787 = tpu.memref_slice %arg2[%dma_wait3A_785, %dma_wait3A_786] : memref<100000x4xf32, #tpu.memory_space<hbm>> -> memref<100000x4xf32, #tpu.memory_space<hbm>>
      tpu.wait_indirect_dma semaphore(%arg20 : memref<!tpu.dma_semaphore, #tpu.memory_space<semaphore_mem>>) src(%dma_wait3A_787 : memref<100000x4xf32, #tpu.memory_space<hbm>>) dst(%dma_wait3A_782 : memref<128x4xf32, #tpu.memory_space<vmem>>)
      %dma_wait3A_788 = arith.constant 4992 : i32
      %dma_wait3A_789 = arith.constant 0 : i32
      %dma_wait3A_790 = tpu.memref_slice %arg12[%dma_wait3A_788, %dma_wait3A_789] : memref<7168x4xf32, #tpu.memory_space<vmem>> -> memref<128x4xf32, #tpu.memory_space<vmem>>
      %dma_wait3A_791 = arith.constant 4992 : i32
      %dma_wait3A_792 = tpu.memref_slice %arg11[%dma_wait3A_791] : memref<7168xi32, #tpu.memory_space<vmem>> -> memref<128xi32, #tpu.memory_space<vmem>>
      %dma_wait3A_793 = arith.constant 0 : i32
      %dma_wait3A_794 = arith.constant 0 : i32
      %dma_wait3A_795 = tpu.memref_slice %arg2[%dma_wait3A_793, %dma_wait3A_794] : memref<100000x4xf32, #tpu.memory_space<hbm>> -> memref<100000x4xf32, #tpu.memory_space<hbm>>
      tpu.wait_indirect_dma semaphore(%arg20 : memref<!tpu.dma_semaphore, #tpu.memory_space<semaphore_mem>>) src(%dma_wait3A_795 : memref<100000x4xf32, #tpu.memory_space<hbm>>) dst(%dma_wait3A_790 : memref<128x4xf32, #tpu.memory_space<vmem>>)
      %dma_wait3A_796 = arith.constant 5120 : i32
      %dma_wait3A_797 = arith.constant 0 : i32
      %dma_wait3A_798 = tpu.memref_slice %arg12[%dma_wait3A_796, %dma_wait3A_797] : memref<7168x4xf32, #tpu.memory_space<vmem>> -> memref<128x4xf32, #tpu.memory_space<vmem>>
      %dma_wait3A_799 = arith.constant 5120 : i32
      %dma_wait3A_800 = tpu.memref_slice %arg11[%dma_wait3A_799] : memref<7168xi32, #tpu.memory_space<vmem>> -> memref<128xi32, #tpu.memory_space<vmem>>
      %dma_wait3A_801 = arith.constant 0 : i32
      %dma_wait3A_802 = arith.constant 0 : i32
      %dma_wait3A_803 = tpu.memref_slice %arg2[%dma_wait3A_801, %dma_wait3A_802] : memref<100000x4xf32, #tpu.memory_space<hbm>> -> memref<100000x4xf32, #tpu.memory_space<hbm>>
      tpu.wait_indirect_dma semaphore(%arg20 : memref<!tpu.dma_semaphore, #tpu.memory_space<semaphore_mem>>) src(%dma_wait3A_803 : memref<100000x4xf32, #tpu.memory_space<hbm>>) dst(%dma_wait3A_798 : memref<128x4xf32, #tpu.memory_space<vmem>>)
      %dma_wait3A_804 = arith.constant 5248 : i32
      %dma_wait3A_805 = arith.constant 0 : i32
      %dma_wait3A_806 = tpu.memref_slice %arg12[%dma_wait3A_804, %dma_wait3A_805] : memref<7168x4xf32, #tpu.memory_space<vmem>> -> memref<128x4xf32, #tpu.memory_space<vmem>>
      %dma_wait3A_807 = arith.constant 5248 : i32
      %dma_wait3A_808 = tpu.memref_slice %arg11[%dma_wait3A_807] : memref<7168xi32, #tpu.memory_space<vmem>> -> memref<128xi32, #tpu.memory_space<vmem>>
      %dma_wait3A_809 = arith.constant 0 : i32
      %dma_wait3A_810 = arith.constant 0 : i32
      %dma_wait3A_811 = tpu.memref_slice %arg2[%dma_wait3A_809, %dma_wait3A_810] : memref<100000x4xf32, #tpu.memory_space<hbm>> -> memref<100000x4xf32, #tpu.memory_space<hbm>>
      tpu.wait_indirect_dma semaphore(%arg20 : memref<!tpu.dma_semaphore, #tpu.memory_space<semaphore_mem>>) src(%dma_wait3A_811 : memref<100000x4xf32, #tpu.memory_space<hbm>>) dst(%dma_wait3A_806 : memref<128x4xf32, #tpu.memory_space<vmem>>)
      %dma_wait3A_812 = arith.constant 5376 : i32
      %dma_wait3A_813 = arith.constant 0 : i32
      %dma_wait3A_814 = tpu.memref_slice %arg12[%dma_wait3A_812, %dma_wait3A_813] : memref<7168x4xf32, #tpu.memory_space<vmem>> -> memref<128x4xf32, #tpu.memory_space<vmem>>
      %dma_wait3A_815 = arith.constant 5376 : i32
      %dma_wait3A_816 = tpu.memref_slice %arg11[%dma_wait3A_815] : memref<7168xi32, #tpu.memory_space<vmem>> -> memref<128xi32, #tpu.memory_space<vmem>>
      %dma_wait3A_817 = arith.constant 0 : i32
      %dma_wait3A_818 = arith.constant 0 : i32
      %dma_wait3A_819 = tpu.memref_slice %arg2[%dma_wait3A_817, %dma_wait3A_818] : memref<100000x4xf32, #tpu.memory_space<hbm>> -> memref<100000x4xf32, #tpu.memory_space<hbm>>
      tpu.wait_indirect_dma semaphore(%arg20 : memref<!tpu.dma_semaphore, #tpu.memory_space<semaphore_mem>>) src(%dma_wait3A_819 : memref<100000x4xf32, #tpu.memory_space<hbm>>) dst(%dma_wait3A_814 : memref<128x4xf32, #tpu.memory_space<vmem>>)
      %dma_wait3A_820 = arith.constant 5504 : i32
      %dma_wait3A_821 = arith.constant 0 : i32
      %dma_wait3A_822 = tpu.memref_slice %arg12[%dma_wait3A_820, %dma_wait3A_821] : memref<7168x4xf32, #tpu.memory_space<vmem>> -> memref<128x4xf32, #tpu.memory_space<vmem>>
      %dma_wait3A_823 = arith.constant 5504 : i32
      %dma_wait3A_824 = tpu.memref_slice %arg11[%dma_wait3A_823] : memref<7168xi32, #tpu.memory_space<vmem>> -> memref<128xi32, #tpu.memory_space<vmem>>
      %dma_wait3A_825 = arith.constant 0 : i32
      %dma_wait3A_826 = arith.constant 0 : i32
      %dma_wait3A_827 = tpu.memref_slice %arg2[%dma_wait3A_825, %dma_wait3A_826] : memref<100000x4xf32, #tpu.memory_space<hbm>> -> memref<100000x4xf32, #tpu.memory_space<hbm>>
      tpu.wait_indirect_dma semaphore(%arg20 : memref<!tpu.dma_semaphore, #tpu.memory_space<semaphore_mem>>) src(%dma_wait3A_827 : memref<100000x4xf32, #tpu.memory_space<hbm>>) dst(%dma_wait3A_822 : memref<128x4xf32, #tpu.memory_space<vmem>>)
      %dma_wait3A_828 = arith.constant 5632 : i32
      %dma_wait3A_829 = arith.constant 0 : i32
      %dma_wait3A_830 = tpu.memref_slice %arg12[%dma_wait3A_828, %dma_wait3A_829] : memref<7168x4xf32, #tpu.memory_space<vmem>> -> memref<128x4xf32, #tpu.memory_space<vmem>>
      %dma_wait3A_831 = arith.constant 5632 : i32
      %dma_wait3A_832 = tpu.memref_slice %arg11[%dma_wait3A_831] : memref<7168xi32, #tpu.memory_space<vmem>> -> memref<128xi32, #tpu.memory_space<vmem>>
      %dma_wait3A_833 = arith.constant 0 : i32
      %dma_wait3A_834 = arith.constant 0 : i32
      %dma_wait3A_835 = tpu.memref_slice %arg2[%dma_wait3A_833, %dma_wait3A_834] : memref<100000x4xf32, #tpu.memory_space<hbm>> -> memref<100000x4xf32, #tpu.memory_space<hbm>>
      tpu.wait_indirect_dma semaphore(%arg20 : memref<!tpu.dma_semaphore, #tpu.memory_space<semaphore_mem>>) src(%dma_wait3A_835 : memref<100000x4xf32, #tpu.memory_space<hbm>>) dst(%dma_wait3A_830 : memref<128x4xf32, #tpu.memory_space<vmem>>)
      %dma_wait3A_836 = arith.constant 5760 : i32
      %dma_wait3A_837 = arith.constant 0 : i32
      %dma_wait3A_838 = tpu.memref_slice %arg12[%dma_wait3A_836, %dma_wait3A_837] : memref<7168x4xf32, #tpu.memory_space<vmem>> -> memref<128x4xf32, #tpu.memory_space<vmem>>
      %dma_wait3A_839 = arith.constant 5760 : i32
      %dma_wait3A_840 = tpu.memref_slice %arg11[%dma_wait3A_839] : memref<7168xi32, #tpu.memory_space<vmem>> -> memref<128xi32, #tpu.memory_space<vmem>>
      %dma_wait3A_841 = arith.constant 0 : i32
      %dma_wait3A_842 = arith.constant 0 : i32
      %dma_wait3A_843 = tpu.memref_slice %arg2[%dma_wait3A_841, %dma_wait3A_842] : memref<100000x4xf32, #tpu.memory_space<hbm>> -> memref<100000x4xf32, #tpu.memory_space<hbm>>
      tpu.wait_indirect_dma semaphore(%arg20 : memref<!tpu.dma_semaphore, #tpu.memory_space<semaphore_mem>>) src(%dma_wait3A_843 : memref<100000x4xf32, #tpu.memory_space<hbm>>) dst(%dma_wait3A_838 : memref<128x4xf32, #tpu.memory_space<vmem>>)
      %dma_wait3A_844 = arith.constant 5888 : i32
      %dma_wait3A_845 = arith.constant 0 : i32
      %dma_wait3A_846 = tpu.memref_slice %arg12[%dma_wait3A_844, %dma_wait3A_845] : memref<7168x4xf32, #tpu.memory_space<vmem>> -> memref<128x4xf32, #tpu.memory_space<vmem>>
      %dma_wait3A_847 = arith.constant 5888 : i32
      %dma_wait3A_848 = tpu.memref_slice %arg11[%dma_wait3A_847] : memref<7168xi32, #tpu.memory_space<vmem>> -> memref<128xi32, #tpu.memory_space<vmem>>
      %dma_wait3A_849 = arith.constant 0 : i32
      %dma_wait3A_850 = arith.constant 0 : i32
      %dma_wait3A_851 = tpu.memref_slice %arg2[%dma_wait3A_849, %dma_wait3A_850] : memref<100000x4xf32, #tpu.memory_space<hbm>> -> memref<100000x4xf32, #tpu.memory_space<hbm>>
      tpu.wait_indirect_dma semaphore(%arg20 : memref<!tpu.dma_semaphore, #tpu.memory_space<semaphore_mem>>) src(%dma_wait3A_851 : memref<100000x4xf32, #tpu.memory_space<hbm>>) dst(%dma_wait3A_846 : memref<128x4xf32, #tpu.memory_space<vmem>>)
      %dma_wait3A_852 = arith.constant 6016 : i32
      %dma_wait3A_853 = arith.constant 0 : i32
      %dma_wait3A_854 = tpu.memref_slice %arg12[%dma_wait3A_852, %dma_wait3A_853] : memref<7168x4xf32, #tpu.memory_space<vmem>> -> memref<128x4xf32, #tpu.memory_space<vmem>>
      %dma_wait3A_855 = arith.constant 6016 : i32
      %dma_wait3A_856 = tpu.memref_slice %arg11[%dma_wait3A_855] : memref<7168xi32, #tpu.memory_space<vmem>> -> memref<128xi32, #tpu.memory_space<vmem>>
      %dma_wait3A_857 = arith.constant 0 : i32
      %dma_wait3A_858 = arith.constant 0 : i32
      %dma_wait3A_859 = tpu.memref_slice %arg2[%dma_wait3A_857, %dma_wait3A_858] : memref<100000x4xf32, #tpu.memory_space<hbm>> -> memref<100000x4xf32, #tpu.memory_space<hbm>>
      tpu.wait_indirect_dma semaphore(%arg20 : memref<!tpu.dma_semaphore, #tpu.memory_space<semaphore_mem>>) src(%dma_wait3A_859 : memref<100000x4xf32, #tpu.memory_space<hbm>>) dst(%dma_wait3A_854 : memref<128x4xf32, #tpu.memory_space<vmem>>)
      %dma_wait3A_860 = arith.constant 6144 : i32
      %dma_wait3A_861 = arith.constant 0 : i32
      %dma_wait3A_862 = tpu.memref_slice %arg12[%dma_wait3A_860, %dma_wait3A_861] : memref<7168x4xf32, #tpu.memory_space<vmem>> -> memref<128x4xf32, #tpu.memory_space<vmem>>
      %dma_wait3A_863 = arith.constant 6144 : i32
      %dma_wait3A_864 = tpu.memref_slice %arg11[%dma_wait3A_863] : memref<7168xi32, #tpu.memory_space<vmem>> -> memref<128xi32, #tpu.memory_space<vmem>>
      %dma_wait3A_865 = arith.constant 0 : i32
      %dma_wait3A_866 = arith.constant 0 : i32
      %dma_wait3A_867 = tpu.memref_slice %arg2[%dma_wait3A_865, %dma_wait3A_866] : memref<100000x4xf32, #tpu.memory_space<hbm>> -> memref<100000x4xf32, #tpu.memory_space<hbm>>
      tpu.wait_indirect_dma semaphore(%arg20 : memref<!tpu.dma_semaphore, #tpu.memory_space<semaphore_mem>>) src(%dma_wait3A_867 : memref<100000x4xf32, #tpu.memory_space<hbm>>) dst(%dma_wait3A_862 : memref<128x4xf32, #tpu.memory_space<vmem>>)
      %dma_wait3A_868 = arith.constant 6272 : i32
      %dma_wait3A_869 = arith.constant 0 : i32
      %dma_wait3A_870 = tpu.memref_slice %arg12[%dma_wait3A_868, %dma_wait3A_869] : memref<7168x4xf32, #tpu.memory_space<vmem>> -> memref<128x4xf32, #tpu.memory_space<vmem>>
      %dma_wait3A_871 = arith.constant 6272 : i32
      %dma_wait3A_872 = tpu.memref_slice %arg11[%dma_wait3A_871] : memref<7168xi32, #tpu.memory_space<vmem>> -> memref<128xi32, #tpu.memory_space<vmem>>
      %dma_wait3A_873 = arith.constant 0 : i32
      %dma_wait3A_874 = arith.constant 0 : i32
      %dma_wait3A_875 = tpu.memref_slice %arg2[%dma_wait3A_873, %dma_wait3A_874] : memref<100000x4xf32, #tpu.memory_space<hbm>> -> memref<100000x4xf32, #tpu.memory_space<hbm>>
      tpu.wait_indirect_dma semaphore(%arg20 : memref<!tpu.dma_semaphore, #tpu.memory_space<semaphore_mem>>) src(%dma_wait3A_875 : memref<100000x4xf32, #tpu.memory_space<hbm>>) dst(%dma_wait3A_870 : memref<128x4xf32, #tpu.memory_space<vmem>>)
      %dma_wait3A_876 = arith.constant 6400 : i32
      %dma_wait3A_877 = arith.constant 0 : i32
      %dma_wait3A_878 = tpu.memref_slice %arg12[%dma_wait3A_876, %dma_wait3A_877] : memref<7168x4xf32, #tpu.memory_space<vmem>> -> memref<128x4xf32, #tpu.memory_space<vmem>>
      %dma_wait3A_879 = arith.constant 6400 : i32
      %dma_wait3A_880 = tpu.memref_slice %arg11[%dma_wait3A_879] : memref<7168xi32, #tpu.memory_space<vmem>> -> memref<128xi32, #tpu.memory_space<vmem>>
      %dma_wait3A_881 = arith.constant 0 : i32
      %dma_wait3A_882 = arith.constant 0 : i32
      %dma_wait3A_883 = tpu.memref_slice %arg2[%dma_wait3A_881, %dma_wait3A_882] : memref<100000x4xf32, #tpu.memory_space<hbm>> -> memref<100000x4xf32, #tpu.memory_space<hbm>>
      tpu.wait_indirect_dma semaphore(%arg20 : memref<!tpu.dma_semaphore, #tpu.memory_space<semaphore_mem>>) src(%dma_wait3A_883 : memref<100000x4xf32, #tpu.memory_space<hbm>>) dst(%dma_wait3A_878 : memref<128x4xf32, #tpu.memory_space<vmem>>)
      %dma_wait3A_884 = arith.constant 6528 : i32
      %dma_wait3A_885 = arith.constant 0 : i32
      %dma_wait3A_886 = tpu.memref_slice %arg12[%dma_wait3A_884, %dma_wait3A_885] : memref<7168x4xf32, #tpu.memory_space<vmem>> -> memref<128x4xf32, #tpu.memory_space<vmem>>
      %dma_wait3A_887 = arith.constant 6528 : i32
      %dma_wait3A_888 = tpu.memref_slice %arg11[%dma_wait3A_887] : memref<7168xi32, #tpu.memory_space<vmem>> -> memref<128xi32, #tpu.memory_space<vmem>>
      %dma_wait3A_889 = arith.constant 0 : i32
      %dma_wait3A_890 = arith.constant 0 : i32
      %dma_wait3A_891 = tpu.memref_slice %arg2[%dma_wait3A_889, %dma_wait3A_890] : memref<100000x4xf32, #tpu.memory_space<hbm>> -> memref<100000x4xf32, #tpu.memory_space<hbm>>
      tpu.wait_indirect_dma semaphore(%arg20 : memref<!tpu.dma_semaphore, #tpu.memory_space<semaphore_mem>>) src(%dma_wait3A_891 : memref<100000x4xf32, #tpu.memory_space<hbm>>) dst(%dma_wait3A_886 : memref<128x4xf32, #tpu.memory_space<vmem>>)
      %dma_wait3A_892 = arith.constant 6656 : i32
      %dma_wait3A_893 = arith.constant 0 : i32
      %dma_wait3A_894 = tpu.memref_slice %arg12[%dma_wait3A_892, %dma_wait3A_893] : memref<7168x4xf32, #tpu.memory_space<vmem>> -> memref<128x4xf32, #tpu.memory_space<vmem>>
      %dma_wait3A_895 = arith.constant 6656 : i32
      %dma_wait3A_896 = tpu.memref_slice %arg11[%dma_wait3A_895] : memref<7168xi32, #tpu.memory_space<vmem>> -> memref<128xi32, #tpu.memory_space<vmem>>
      %dma_wait3A_897 = arith.constant 0 : i32
      %dma_wait3A_898 = arith.constant 0 : i32
      %dma_wait3A_899 = tpu.memref_slice %arg2[%dma_wait3A_897, %dma_wait3A_898] : memref<100000x4xf32, #tpu.memory_space<hbm>> -> memref<100000x4xf32, #tpu.memory_space<hbm>>
      tpu.wait_indirect_dma semaphore(%arg20 : memref<!tpu.dma_semaphore, #tpu.memory_space<semaphore_mem>>) src(%dma_wait3A_899 : memref<100000x4xf32, #tpu.memory_space<hbm>>) dst(%dma_wait3A_894 : memref<128x4xf32, #tpu.memory_space<vmem>>)
      %dma_wait3A_900 = arith.constant 6784 : i32
      %dma_wait3A_901 = arith.constant 0 : i32
      %dma_wait3A_902 = tpu.memref_slice %arg12[%dma_wait3A_900, %dma_wait3A_901] : memref<7168x4xf32, #tpu.memory_space<vmem>> -> memref<128x4xf32, #tpu.memory_space<vmem>>
      %dma_wait3A_903 = arith.constant 6784 : i32
      %dma_wait3A_904 = tpu.memref_slice %arg11[%dma_wait3A_903] : memref<7168xi32, #tpu.memory_space<vmem>> -> memref<128xi32, #tpu.memory_space<vmem>>
      %dma_wait3A_905 = arith.constant 0 : i32
      %dma_wait3A_906 = arith.constant 0 : i32
      %dma_wait3A_907 = tpu.memref_slice %arg2[%dma_wait3A_905, %dma_wait3A_906] : memref<100000x4xf32, #tpu.memory_space<hbm>> -> memref<100000x4xf32, #tpu.memory_space<hbm>>
      tpu.wait_indirect_dma semaphore(%arg20 : memref<!tpu.dma_semaphore, #tpu.memory_space<semaphore_mem>>) src(%dma_wait3A_907 : memref<100000x4xf32, #tpu.memory_space<hbm>>) dst(%dma_wait3A_902 : memref<128x4xf32, #tpu.memory_space<vmem>>)
      %dma_wait3A_908 = arith.constant 6912 : i32
      %dma_wait3A_909 = arith.constant 0 : i32
      %dma_wait3A_910 = tpu.memref_slice %arg12[%dma_wait3A_908, %dma_wait3A_909] : memref<7168x4xf32, #tpu.memory_space<vmem>> -> memref<128x4xf32, #tpu.memory_space<vmem>>
      %dma_wait3A_911 = arith.constant 6912 : i32
      %dma_wait3A_912 = tpu.memref_slice %arg11[%dma_wait3A_911] : memref<7168xi32, #tpu.memory_space<vmem>> -> memref<128xi32, #tpu.memory_space<vmem>>
      %dma_wait3A_913 = arith.constant 0 : i32
      %dma_wait3A_914 = arith.constant 0 : i32
      %dma_wait3A_915 = tpu.memref_slice %arg2[%dma_wait3A_913, %dma_wait3A_914] : memref<100000x4xf32, #tpu.memory_space<hbm>> -> memref<100000x4xf32, #tpu.memory_space<hbm>>
      tpu.wait_indirect_dma semaphore(%arg20 : memref<!tpu.dma_semaphore, #tpu.memory_space<semaphore_mem>>) src(%dma_wait3A_915 : memref<100000x4xf32, #tpu.memory_space<hbm>>) dst(%dma_wait3A_910 : memref<128x4xf32, #tpu.memory_space<vmem>>)
      %dma_wait3A_916 = arith.constant 7040 : i32
      %dma_wait3A_917 = arith.constant 0 : i32
      %dma_wait3A_918 = tpu.memref_slice %arg12[%dma_wait3A_916, %dma_wait3A_917] : memref<7168x4xf32, #tpu.memory_space<vmem>> -> memref<128x4xf32, #tpu.memory_space<vmem>>
      %dma_wait3A_919 = arith.constant 7040 : i32
      %dma_wait3A_920 = tpu.memref_slice %arg11[%dma_wait3A_919] : memref<7168xi32, #tpu.memory_space<vmem>> -> memref<128xi32, #tpu.memory_space<vmem>>
      %dma_wait3A_921 = arith.constant 0 : i32
      %dma_wait3A_922 = arith.constant 0 : i32
      %dma_wait3A_923 = tpu.memref_slice %arg2[%dma_wait3A_921, %dma_wait3A_922] : memref<100000x4xf32, #tpu.memory_space<hbm>> -> memref<100000x4xf32, #tpu.memory_space<hbm>>
      tpu.wait_indirect_dma semaphore(%arg20 : memref<!tpu.dma_semaphore, #tpu.memory_space<semaphore_mem>>) src(%dma_wait3A_923 : memref<100000x4xf32, #tpu.memory_space<hbm>>) dst(%dma_wait3A_918 : memref<128x4xf32, #tpu.memory_space<vmem>>)
      %scan3A_924 = arith.constant 0 : i32
      %scan3A_925 = arith.constant 0 : i32
      %scan3A_926 = arith.constant 28 : i32
      %scan3A_927 = arith.addi %scan3A_925, %scan3A_926 : i32
      %scan3A_928 = arith.constant 1 : i32
      %scan3A_929 = scf.for %scan3A_932 = %scan3A_925 to %scan3A_927 step %scan3A_928 iter_args(%scan3A_933 = %scan3A_924) -> (i32)  : i32 {
        %mul3A_934 = arith.constant 48 : i32
        %mul3A_935 = arith.muli %scan3A_932, %mul3A_934 : i32
        %mul3A_936 = arith.constant 3 : i32
        %mul3A_937 = vector.broadcast %mul3A_936 : i32 to vector<16xi32>
        %mul3A_938 = arith.muli %iota3A, %mul3A_937 : vector<16xi32>
        %add3A_939 = vector.broadcast %mul3A_935 : i32 to vector<16xi32>
        %add3A_940 = arith.addi %add3A_939, %mul3A_938 : vector<16xi32>
        %mul3A_941 = arith.constant 64 : i32
        %mul3A_942 = arith.muli %scan3A_932, %mul3A_941 : i32
        %mul3A_943 = arith.constant 4 : i32
        %mul3A_944 = vector.broadcast %mul3A_943 : i32 to vector<16xi32>
        %mul3A_945 = arith.muli %iota3A, %mul3A_944 : vector<16xi32>
        %add3A_946 = vector.broadcast %mul3A_942 : i32 to vector<16xi32>
        %add3A_947 = arith.addi %add3A_946, %mul3A_945 : vector<16xi32>
        %gather3A = tpu.vector_load_idx %arg14[%add3A_940] : memref<1344xf32, #tpu.memory_space<vmem>>[vector<16xi32>], vector<16xf32>,
        %abs3A = math.absf %gather3A : vector<16xf32>
        %add3A_948 = arith.constant 1 : i32
        %add3A_949 = vector.broadcast %add3A_948 : i32 to vector<16xi32>
        %add3A_950 = arith.addi %add3A_940, %add3A_949 : vector<16xi32>
        %gather3A_951 = tpu.vector_load_idx %arg14[%add3A_950] : memref<1344xf32, #tpu.memory_space<vmem>>[vector<16xi32>], vector<16xf32>,
        %abs3A_952 = math.absf %gather3A_951 : vector<16xf32>
        %add3A_953 = arith.constant 2 : i32
        %add3A_954 = vector.broadcast %add3A_953 : i32 to vector<16xi32>
        %add3A_955 = arith.addi %add3A_940, %add3A_954 : vector<16xi32>
        %gather3A_956 = tpu.vector_load_idx %arg14[%add3A_955] : memref<1344xf32, #tpu.memory_space<vmem>>[vector<16xi32>], vector<16xf32>,
        %abs3A_957 = math.absf %gather3A_956 : vector<16xf32>
        %gather3A_958 = tpu.vector_load_idx %arg15[%add3A_947] : memref<1792xf32, #tpu.memory_space<vmem>>[vector<16xi32>], vector<16xf32>,
        %add3A_959 = arith.constant 1 : i32
        %add3A_960 = vector.broadcast %add3A_959 : i32 to vector<16xi32>
        %add3A_961 = arith.addi %add3A_947, %add3A_960 : vector<16xi32>
        %gather3A_962 = tpu.vector_load_idx %arg15[%add3A_961] : memref<1792xf32, #tpu.memory_space<vmem>>[vector<16xi32>], vector<16xf32>,
        %add3A_963 = arith.constant 2 : i32
        %add3A_964 = vector.broadcast %add3A_963 : i32 to vector<16xi32>
        %add3A_965 = arith.addi %add3A_947, %add3A_964 : vector<16xi32>
        %gather3A_966 = tpu.vector_load_idx %arg15[%add3A_965] : memref<1792xf32, #tpu.memory_space<vmem>>[vector<16xi32>], vector<16xf32>,
        %add3A_967 = arith.constant 3 : i32
        %add3A_968 = vector.broadcast %add3A_967 : i32 to vector<16xi32>
        %add3A_969 = arith.addi %add3A_947, %add3A_968 : vector<16xi32>
        %gather3A_970 = tpu.vector_load_idx %arg15[%add3A_969] : memref<1792xf32, #tpu.memory_space<vmem>>[vector<16xi32>], vector<16xf32>,
        %gather3A_971 = tpu.vector_load_idx %arg16[%add3A_940] : memref<1344xf32, #tpu.memory_space<vmem>>[vector<16xi32>], vector<16xf32>,
        %add3A_972 = arith.constant 1 : i32
        %add3A_973 = vector.broadcast %add3A_972 : i32 to vector<16xi32>
        %add3A_974 = arith.addi %add3A_940, %add3A_973 : vector<16xi32>
        %gather3A_975 = tpu.vector_load_idx %arg16[%add3A_974] : memref<1344xf32, #tpu.memory_space<vmem>>[vector<16xi32>], vector<16xf32>,
        %add3A_976 = arith.constant 2 : i32
        %add3A_977 = vector.broadcast %add3A_976 : i32 to vector<16xi32>
        %add3A_978 = arith.addi %add3A_940, %add3A_977 : vector<16xi32>
        %gather3A_979 = tpu.vector_load_idx %arg16[%add3A_978] : memref<1344xf32, #tpu.memory_space<vmem>>[vector<16xi32>], vector<16xf32>,
        %gather3A_980 = tpu.vector_load_idx %arg13[%add3A_947] : memref<1792xf32, #tpu.memory_space<vmem>>[vector<16xi32>], vector<16xf32>,
        %add3A_981 = arith.constant 1 : i32
        %add3A_982 = vector.broadcast %add3A_981 : i32 to vector<16xi32>
        %add3A_983 = arith.addi %add3A_947, %add3A_982 : vector<16xi32>
        %gather3A_984 = tpu.vector_load_idx %arg13[%add3A_983] : memref<1792xf32, #tpu.memory_space<vmem>>[vector<16xi32>], vector<16xf32>,
        %add3A_985 = arith.constant 2 : i32
        %add3A_986 = vector.broadcast %add3A_985 : i32 to vector<16xi32>
        %add3A_987 = arith.addi %add3A_947, %add3A_986 : vector<16xi32>
        %gather3A_988 = tpu.vector_load_idx %arg13[%add3A_987] : memref<1792xf32, #tpu.memory_space<vmem>>[vector<16xi32>], vector<16xf32>,
        %mul3A_989 = arith.mulf %gather3A_958, %gather3A_958 : vector<16xf32>
        %mul3A_990 = arith.mulf %gather3A_962, %gather3A_962 : vector<16xf32>
        %add3A_991 = arith.addf %mul3A_989, %mul3A_990 : vector<16xf32>
        %mul3A_992 = arith.mulf %gather3A_966, %gather3A_966 : vector<16xf32>
        %add3A_993 = arith.addf %add3A_991, %mul3A_992 : vector<16xf32>
        %mul3A_994 = arith.mulf %gather3A_970, %gather3A_970 : vector<16xf32>
        %add3A_995 = arith.addf %add3A_993, %mul3A_994 : vector<16xf32>
        %max3A = arith.constant 1.000000e-30 : f32
        %max3A_996 = vector.broadcast %max3A : f32 to vector<16xf32>
        %max3A_997 = arith.maximumf %add3A_995, %max3A_996 : vector<16xf32>
        %bitcast_convert_type3A = tpu.bitcast %max3A_997 : vector<16xf32> -> vector<16xi32>
        %shift_right_logical3A = arith.constant 1 : i32
        %shift_right_logical3A_998 = vector.broadcast %shift_right_logical3A : i32 to vector<16xi32>
        %shift_right_logical3A_999 = arith.shrui %bitcast_convert_type3A, %shift_right_logical3A_998 : vector<16xi32>
        %sub3A = arith.constant 1597463007 : i32
        %sub3A_1000 = vector.broadcast %sub3A : i32 to vector<16xi32>
        %sub3A_1001 = arith.subi %sub3A_1000, %shift_right_logical3A_999 : vector<16xi32>
        %bitcast_convert_type3A_1002 = tpu.bitcast %sub3A_1001 : vector<16xi32> -> vector<16xf32>
        %mul3A_1003 = arith.constant 5.000000e-01 : f32
        %mul3A_1004 = vector.broadcast %mul3A_1003 : f32 to vector<16xf32>
        %mul3A_1005 = arith.mulf %mul3A_1004, %max3A_997 : vector<16xf32>
        %mul3A_1006 = arith.mulf %mul3A_1005, %bitcast_convert_type3A_1002 : vector<16xf32>
        %mul3A_1007 = arith.mulf %mul3A_1006, %bitcast_convert_type3A_1002 : vector<16xf32>
        %sub3A_1008 = arith.constant 1.500000e+00 : f32
        %sub3A_1009 = vector.broadcast %sub3A_1008 : f32 to vector<16xf32>
        %sub3A_1010 = arith.subf %sub3A_1009, %mul3A_1007 : vector<16xf32>
        %mul3A_1011 = arith.mulf %bitcast_convert_type3A_1002, %sub3A_1010 : vector<16xf32>
        %mul3A_1012 = arith.constant 5.000000e-01 : f32
        %mul3A_1013 = vector.broadcast %mul3A_1012 : f32 to vector<16xf32>
        %mul3A_1014 = arith.mulf %mul3A_1013, %max3A_997 : vector<16xf32>
        %mul3A_1015 = arith.mulf %mul3A_1014, %mul3A_1011 : vector<16xf32>
        %mul3A_1016 = arith.mulf %mul3A_1015, %mul3A_1011 : vector<16xf32>
        %sub3A_1017 = arith.constant 1.500000e+00 : f32
        %sub3A_1018 = vector.broadcast %sub3A_1017 : f32 to vector<16xf32>
        %sub3A_1019 = arith.subf %sub3A_1018, %mul3A_1016 : vector<16xf32>
        %mul3A_1020 = arith.mulf %mul3A_1011, %sub3A_1019 : vector<16xf32>
        %mul3A_1021 = arith.constant 5.000000e-01 : f32
        %mul3A_1022 = vector.broadcast %mul3A_1021 : f32 to vector<16xf32>
        %mul3A_1023 = arith.mulf %mul3A_1022, %max3A_997 : vector<16xf32>
        %mul3A_1024 = arith.mulf %mul3A_1023, %mul3A_1020 : vector<16xf32>
        %mul3A_1025 = arith.mulf %mul3A_1024, %mul3A_1020 : vector<16xf32>
        %sub3A_1026 = arith.constant 1.500000e+00 : f32
        %sub3A_1027 = vector.broadcast %sub3A_1026 : f32 to vector<16xf32>
        %sub3A_1028 = arith.subf %sub3A_1027, %mul3A_1025 : vector<16xf32>
        %mul3A_1029 = arith.mulf %mul3A_1020, %sub3A_1028 : vector<16xf32>
        %mul3A_1030 = arith.mulf %add3A_995, %mul3A_1029 : vector<16xf32>
        %add3A_1031 = arith.constant 9.99999993E-9 : f32
        %add3A_1032 = vector.broadcast %add3A_1031 : f32 to vector<16xf32>
        %add3A_1033 = arith.addf %mul3A_1030, %add3A_1032 : vector<16xf32>
        %div3A = arith.constant 1.000000e+00 : f32
        %div3A_1034 = vector.broadcast %div3A : f32 to vector<16xf32>
        %div3A_1035 = arith.divf %div3A_1034, %add3A_1033 : vector<16xf32>
        %mul3A_1036 = arith.mulf %gather3A_958, %div3A_1035 : vector<16xf32>
        %mul3A_1037 = arith.mulf %gather3A_962, %div3A_1035 : vector<16xf32>
        %mul3A_1038 = arith.mulf %gather3A_966, %div3A_1035 : vector<16xf32>
        %mul3A_1039 = arith.mulf %gather3A_970, %div3A_1035 : vector<16xf32>
        %mul3A_1040 = arith.mulf %mul3A_1037, %mul3A_1037 : vector<16xf32>
        %mul3A_1041 = arith.mulf %mul3A_1038, %mul3A_1038 : vector<16xf32>
        %mul3A_1042 = arith.mulf %mul3A_1039, %mul3A_1039 : vector<16xf32>
        %mul3A_1043 = arith.mulf %mul3A_1037, %mul3A_1038 : vector<16xf32>
        %mul3A_1044 = arith.mulf %mul3A_1037, %mul3A_1039 : vector<16xf32>
        %mul3A_1045 = arith.mulf %mul3A_1038, %mul3A_1039 : vector<16xf32>
        %mul3A_1046 = arith.mulf %mul3A_1036, %mul3A_1037 : vector<16xf32>
        %mul3A_1047 = arith.mulf %mul3A_1036, %mul3A_1038 : vector<16xf32>
        %mul3A_1048 = arith.mulf %mul3A_1036, %mul3A_1039 : vector<16xf32>
        %add3A_1049 = arith.addf %mul3A_1041, %mul3A_1042 : vector<16xf32>
        %mul3A_1050 = arith.constant 2.000000e+00 : f32
        %mul3A_1051 = vector.broadcast %mul3A_1050 : f32 to vector<16xf32>
        %mul3A_1052 = arith.mulf %mul3A_1051, %add3A_1049 : vector<16xf32>
        %sub3A_1053 = arith.constant 1.000000e+00 : f32
        %sub3A_1054 = vector.broadcast %sub3A_1053 : f32 to vector<16xf32>
        %sub3A_1055 = arith.subf %sub3A_1054, %mul3A_1052 : vector<16xf32>
        %add3A_1056 = arith.addf %mul3A_1043, %mul3A_1048 : vector<16xf32>
        %mul3A_1057 = arith.constant 2.000000e+00 : f32
        %mul3A_1058 = vector.broadcast %mul3A_1057 : f32 to vector<16xf32>
        %mul3A_1059 = arith.mulf %mul3A_1058, %add3A_1056 : vector<16xf32>
        %sub3A_1060 = arith.subf %mul3A_1044, %mul3A_1047 : vector<16xf32>
        %mul3A_1061 = arith.constant 2.000000e+00 : f32
        %mul3A_1062 = vector.broadcast %mul3A_1061 : f32 to vector<16xf32>
        %mul3A_1063 = arith.mulf %mul3A_1062, %sub3A_1060 : vector<16xf32>
        %sub3A_1064 = arith.subf %mul3A_1043, %mul3A_1048 : vector<16xf32>
        %mul3A_1065 = arith.constant 2.000000e+00 : f32
        %mul3A_1066 = vector.broadcast %mul3A_1065 : f32 to vector<16xf32>
        %mul3A_1067 = arith.mulf %mul3A_1066, %sub3A_1064 : vector<16xf32>
        %add3A_1068 = arith.addf %mul3A_1040, %mul3A_1042 : vector<16xf32>
        %mul3A_1069 = arith.constant 2.000000e+00 : f32
        %mul3A_1070 = vector.broadcast %mul3A_1069 : f32 to vector<16xf32>
        %mul3A_1071 = arith.mulf %mul3A_1070, %add3A_1068 : vector<16xf32>
        %sub3A_1072 = arith.constant 1.000000e+00 : f32
        %sub3A_1073 = vector.broadcast %sub3A_1072 : f32 to vector<16xf32>
        %sub3A_1074 = arith.subf %sub3A_1073, %mul3A_1071 : vector<16xf32>
        %add3A_1075 = arith.addf %mul3A_1045, %mul3A_1046 : vector<16xf32>
        %mul3A_1076 = arith.constant 2.000000e+00 : f32
        %mul3A_1077 = vector.broadcast %mul3A_1076 : f32 to vector<16xf32>
        %mul3A_1078 = arith.mulf %mul3A_1077, %add3A_1075 : vector<16xf32>
        %add3A_1079 = arith.addf %mul3A_1044, %mul3A_1047 : vector<16xf32>
        %mul3A_1080 = arith.constant 2.000000e+00 : f32
        %mul3A_1081 = vector.broadcast %mul3A_1080 : f32 to vector<16xf32>
        %mul3A_1082 = arith.mulf %mul3A_1081, %add3A_1079 : vector<16xf32>
        %sub3A_1083 = arith.subf %mul3A_1045, %mul3A_1046 : vector<16xf32>
        %mul3A_1084 = arith.constant 2.000000e+00 : f32
        %mul3A_1085 = vector.broadcast %mul3A_1084 : f32 to vector<16xf32>
        %mul3A_1086 = arith.mulf %mul3A_1085, %sub3A_1083 : vector<16xf32>
        %add3A_1087 = arith.addf %mul3A_1040, %mul3A_1041 : vector<16xf32>
        %mul3A_1088 = arith.constant 2.000000e+00 : f32
        %mul3A_1089 = vector.broadcast %mul3A_1088 : f32 to vector<16xf32>
        %mul3A_1090 = arith.mulf %mul3A_1089, %add3A_1087 : vector<16xf32>
        %sub3A_1091 = arith.constant 1.000000e+00 : f32
        %sub3A_1092 = vector.broadcast %sub3A_1091 : f32 to vector<16xf32>
        %sub3A_1093 = arith.subf %sub3A_1092, %mul3A_1090 : vector<16xf32>
        %le3A = arith.cmpf ole, %abs3A, %abs3A_952 : vector<16xf32>
        %le3A_1094 = arith.cmpf ole, %abs3A, %abs3A_957 : vector<16xf32>
        %and3A = arith.andi %le3A, %le3A_1094 : vector<16xi1>
        %not3A = arith.constant dense<true> : vector<16xi1>
        %not3A_1095 = arith.xori %and3A, %not3A : vector<16xi1>
        %le3A_1096 = arith.cmpf ole, %abs3A_952, %abs3A_957 : vector<16xf32>
        %and3A_1097 = arith.andi %not3A_1095, %le3A_1096 : vector<16xi1>
        %select_n3A = arith.select %and3A_1097, %mul3A_1067, %mul3A_1082 : vector<16xi1>, vector<16xf32>
        %select_n3A_1098 = arith.select %and3A, %sub3A_1055, %select_n3A : vector<16xi1>, vector<16xf32>
        %select_n3A_1099 = arith.select %and3A_1097, %sub3A_1074, %mul3A_1086 : vector<16xi1>, vector<16xf32>
        %select_n3A_1100 = arith.select %and3A, %mul3A_1059, %select_n3A_1099 : vector<16xi1>, vector<16xf32>
        %select_n3A_1101 = arith.select %and3A_1097, %mul3A_1078, %sub3A_1093 : vector<16xi1>, vector<16xf32>
        %select_n3A_1102 = arith.select %and3A, %mul3A_1063, %select_n3A_1101 : vector<16xi1>, vector<16xf32>
        %min3A_1103 = arith.minimumf %abs3A_952, %abs3A_957 : vector<16xf32>
        %min3A_1104 = arith.minimumf %abs3A, %min3A_1103 : vector<16xf32>
        %mul3A_1105 = arith.mulf %gather3A_971, %gather3A_971 : vector<16xf32>
        %mul3A_1106 = arith.mulf %gather3A_975, %gather3A_975 : vector<16xf32>
        %add3A_1107 = arith.addf %mul3A_1105, %mul3A_1106 : vector<16xf32>
        %mul3A_1108 = arith.mulf %gather3A_979, %gather3A_979 : vector<16xf32>
        %add3A_1109 = arith.addf %add3A_1107, %mul3A_1108 : vector<16xf32>
        %max3A_1110 = arith.constant 1.000000e-30 : f32
        %max3A_1111 = vector.broadcast %max3A_1110 : f32 to vector<16xf32>
        %max3A_1112 = arith.maximumf %add3A_1109, %max3A_1111 : vector<16xf32>
        %bitcast_convert_type3A_1113 = tpu.bitcast %max3A_1112 : vector<16xf32> -> vector<16xi32>
        %shift_right_logical3A_1114 = arith.constant 1 : i32
        %shift_right_logical3A_1115 = vector.broadcast %shift_right_logical3A_1114 : i32 to vector<16xi32>
        %shift_right_logical3A_1116 = arith.shrui %bitcast_convert_type3A_1113, %shift_right_logical3A_1115 : vector<16xi32>
        %sub3A_1117 = arith.constant 1597463007 : i32
        %sub3A_1118 = vector.broadcast %sub3A_1117 : i32 to vector<16xi32>
        %sub3A_1119 = arith.subi %sub3A_1118, %shift_right_logical3A_1116 : vector<16xi32>
        %bitcast_convert_type3A_1120 = tpu.bitcast %sub3A_1119 : vector<16xi32> -> vector<16xf32>
        %mul3A_1121 = arith.constant 5.000000e-01 : f32
        %mul3A_1122 = vector.broadcast %mul3A_1121 : f32 to vector<16xf32>
        %mul3A_1123 = arith.mulf %mul3A_1122, %max3A_1112 : vector<16xf32>
        %mul3A_1124 = arith.mulf %mul3A_1123, %bitcast_convert_type3A_1120 : vector<16xf32>
        %mul3A_1125 = arith.mulf %mul3A_1124, %bitcast_convert_type3A_1120 : vector<16xf32>
        %sub3A_1126 = arith.constant 1.500000e+00 : f32
        %sub3A_1127 = vector.broadcast %sub3A_1126 : f32 to vector<16xf32>
        %sub3A_1128 = arith.subf %sub3A_1127, %mul3A_1125 : vector<16xf32>
        %mul3A_1129 = arith.mulf %bitcast_convert_type3A_1120, %sub3A_1128 : vector<16xf32>
        %mul3A_1130 = arith.constant 5.000000e-01 : f32
        %mul3A_1131 = vector.broadcast %mul3A_1130 : f32 to vector<16xf32>
        %mul3A_1132 = arith.mulf %mul3A_1131, %max3A_1112 : vector<16xf32>
        %mul3A_1133 = arith.mulf %mul3A_1132, %mul3A_1129 : vector<16xf32>
        %mul3A_1134 = arith.mulf %mul3A_1133, %mul3A_1129 : vector<16xf32>
        %sub3A_1135 = arith.constant 1.500000e+00 : f32
        %sub3A_1136 = vector.broadcast %sub3A_1135 : f32 to vector<16xf32>
        %sub3A_1137 = arith.subf %sub3A_1136, %mul3A_1134 : vector<16xf32>
        %mul3A_1138 = arith.mulf %mul3A_1129, %sub3A_1137 : vector<16xf32>
        %mul3A_1139 = arith.constant 5.000000e-01 : f32
        %mul3A_1140 = vector.broadcast %mul3A_1139 : f32 to vector<16xf32>
        %mul3A_1141 = arith.mulf %mul3A_1140, %max3A_1112 : vector<16xf32>
        %mul3A_1142 = arith.mulf %mul3A_1141, %mul3A_1138 : vector<16xf32>
        %mul3A_1143 = arith.mulf %mul3A_1142, %mul3A_1138 : vector<16xf32>
        %sub3A_1144 = arith.constant 1.500000e+00 : f32
        %sub3A_1145 = vector.broadcast %sub3A_1144 : f32 to vector<16xf32>
        %sub3A_1146 = arith.subf %sub3A_1145, %mul3A_1143 : vector<16xf32>
        %mul3A_1147 = arith.mulf %mul3A_1138, %sub3A_1146 : vector<16xf32>
        %mul3A_1148 = arith.mulf %add3A_1109, %mul3A_1147 : vector<16xf32>
        %add3A_1149 = arith.constant 9.99999993E-9 : f32
        %add3A_1150 = vector.broadcast %add3A_1149 : f32 to vector<16xf32>
        %add3A_1151 = arith.addf %mul3A_1148, %add3A_1150 : vector<16xf32>
        %div3A_1152 = arith.constant 1.000000e+00 : f32
        %div3A_1153 = vector.broadcast %div3A_1152 : f32 to vector<16xf32>
        %div3A_1154 = arith.divf %div3A_1153, %add3A_1151 : vector<16xf32>
        %mul3A_1155 = arith.mulf %select_n3A_1098, %gather3A_971 : vector<16xf32>
        %mul3A_1156 = arith.mulf %select_n3A_1100, %gather3A_975 : vector<16xf32>
        %add3A_1157 = arith.addf %mul3A_1155, %mul3A_1156 : vector<16xf32>
        %mul3A_1158 = arith.mulf %select_n3A_1102, %gather3A_979 : vector<16xf32>
        %add3A_1159 = arith.addf %add3A_1157, %mul3A_1158 : vector<16xf32>
        %mul3A_1160 = arith.mulf %add3A_1159, %div3A_1154 : vector<16xf32>
        %abs3A_1161 = math.absf %mul3A_1160 : vector<16xf32>
        %sub3A_1162 = arith.constant 1.000000e+00 : f32
        %sub3A_1163 = vector.broadcast %sub3A_1162 : f32 to vector<16xf32>
        %sub3A_1164 = arith.subf %sub3A_1163, %abs3A_1161 : vector<16xf32>
        %mul3A_1165 = arith.mulf %gather3A_980, %select_n3A_1098 : vector<16xf32>
        %mul3A_1166 = arith.mulf %gather3A_984, %select_n3A_1100 : vector<16xf32>
        %add3A_1167 = arith.addf %mul3A_1165, %mul3A_1166 : vector<16xf32>
        %mul3A_1168 = arith.mulf %gather3A_988, %select_n3A_1102 : vector<16xf32>
        %add3A_1169 = arith.addf %add3A_1167, %mul3A_1168 : vector<16xf32>
        %neg3A = arith.constant 0.000000e+00 : f32
        %neg3A_1170 = vector.broadcast %neg3A : f32 to vector<16xf32>
        %neg3A_1171 = arith.subf %neg3A_1170, %add3A_1169 : vector<16xf32>
        %mul3A_1172 = arith.constant 256 : i32
        %mul3A_1173 = arith.muli %scan3A_932, %mul3A_1172 : i32
        %mul3A_1174 = arith.constant 16 : i32
        %mul3A_1175 = vector.broadcast %mul3A_1174 : i32 to vector<16xi32>
        %mul3A_1176 = arith.muli %iota3A, %mul3A_1175 : vector<16xi32>
        %add3A_1177 = vector.broadcast %mul3A_1173 : i32 to vector<16xi32>
        %add3A_1178 = arith.addi %add3A_1177, %mul3A_1176 : vector<16xi32>
        %add3A_1179 = arith.constant 0 : i32
        %add3A_1180 = vector.broadcast %add3A_1179 : i32 to vector<16xi32>
        %add3A_1181 = arith.addi %add3A_1178, %add3A_1180 : vector<16xi32>
        %gather3A_1182 = tpu.vector_load_idx %arg12[%add3A_1181, %broadcast_in_dim3A_1] : memref<7168x4xf32, #tpu.memory_space<vmem>>[vector<16xi32>, vector<16xi32>], vector<16xf32>,
        %add3A_1183 = arith.constant 0 : i32
        %add3A_1184 = vector.broadcast %add3A_1183 : i32 to vector<16xi32>
        %add3A_1185 = arith.addi %add3A_1178, %add3A_1184 : vector<16xi32>
        %gather3A_1186 = tpu.vector_load_idx %arg12[%add3A_1185, %broadcast_in_dim3A_3] : memref<7168x4xf32, #tpu.memory_space<vmem>>[vector<16xi32>, vector<16xi32>], vector<16xf32>,
        %add3A_1187 = arith.constant 0 : i32
        %add3A_1188 = vector.broadcast %add3A_1187 : i32 to vector<16xi32>
        %add3A_1189 = arith.addi %add3A_1178, %add3A_1188 : vector<16xi32>
        %gather3A_1190 = tpu.vector_load_idx %arg12[%add3A_1189, %broadcast_in_dim3A_5] : memref<7168x4xf32, #tpu.memory_space<vmem>>[vector<16xi32>, vector<16xi32>], vector<16xf32>,
        %mul3A_1191 = arith.mulf %gather3A_1182, %select_n3A_1098 : vector<16xf32>
        %mul3A_1192 = arith.mulf %gather3A_1186, %select_n3A_1100 : vector<16xf32>
        %add3A_1193 = arith.addf %mul3A_1191, %mul3A_1192 : vector<16xf32>
        %mul3A_1194 = arith.mulf %gather3A_1190, %select_n3A_1102 : vector<16xf32>
        %add3A_1195 = arith.addf %add3A_1193, %mul3A_1194 : vector<16xf32>
        %add3A_1196 = arith.addf %add3A_1195, %neg3A_1171 : vector<16xf32>
        %add3A_1197 = arith.constant 1 : i32
        %add3A_1198 = vector.broadcast %add3A_1197 : i32 to vector<16xi32>
        %add3A_1199 = arith.addi %add3A_1178, %add3A_1198 : vector<16xi32>
        %gather3A_1200 = tpu.vector_load_idx %arg12[%add3A_1199, %broadcast_in_dim3A_1] : memref<7168x4xf32, #tpu.memory_space<vmem>>[vector<16xi32>, vector<16xi32>], vector<16xf32>,
        %add3A_1201 = arith.constant 1 : i32
        %add3A_1202 = vector.broadcast %add3A_1201 : i32 to vector<16xi32>
        %add3A_1203 = arith.addi %add3A_1178, %add3A_1202 : vector<16xi32>
        %gather3A_1204 = tpu.vector_load_idx %arg12[%add3A_1203, %broadcast_in_dim3A_3] : memref<7168x4xf32, #tpu.memory_space<vmem>>[vector<16xi32>, vector<16xi32>], vector<16xf32>,
        %add3A_1205 = arith.constant 1 : i32
        %add3A_1206 = vector.broadcast %add3A_1205 : i32 to vector<16xi32>
        %add3A_1207 = arith.addi %add3A_1178, %add3A_1206 : vector<16xi32>
        %gather3A_1208 = tpu.vector_load_idx %arg12[%add3A_1207, %broadcast_in_dim3A_5] : memref<7168x4xf32, #tpu.memory_space<vmem>>[vector<16xi32>, vector<16xi32>], vector<16xf32>,
        %mul3A_1209 = arith.mulf %gather3A_1200, %select_n3A_1098 : vector<16xf32>
        %mul3A_1210 = arith.mulf %gather3A_1204, %select_n3A_1100 : vector<16xf32>
        %add3A_1211 = arith.addf %mul3A_1209, %mul3A_1210 : vector<16xf32>
        %mul3A_1212 = arith.mulf %gather3A_1208, %select_n3A_1102 : vector<16xf32>
        %add3A_1213 = arith.addf %add3A_1211, %mul3A_1212 : vector<16xf32>
        %add3A_1214 = arith.addf %add3A_1213, %neg3A_1171 : vector<16xf32>
        %add3A_1215 = arith.addf %add3A_1196, %add3A_1214 : vector<16xf32>
        %add3A_1216 = arith.constant 2 : i32
        %add3A_1217 = vector.broadcast %add3A_1216 : i32 to vector<16xi32>
        %add3A_1218 = arith.addi %add3A_1178, %add3A_1217 : vector<16xi32>
        %gather3A_1219 = tpu.vector_load_idx %arg12[%add3A_1218, %broadcast_in_dim3A_1] : memref<7168x4xf32, #tpu.memory_space<vmem>>[vector<16xi32>, vector<16xi32>], vector<16xf32>,
        %add3A_1220 = arith.constant 2 : i32
        %add3A_1221 = vector.broadcast %add3A_1220 : i32 to vector<16xi32>
        %add3A_1222 = arith.addi %add3A_1178, %add3A_1221 : vector<16xi32>
        %gather3A_1223 = tpu.vector_load_idx %arg12[%add3A_1222, %broadcast_in_dim3A_3] : memref<7168x4xf32, #tpu.memory_space<vmem>>[vector<16xi32>, vector<16xi32>], vector<16xf32>,
        %add3A_1224 = arith.constant 2 : i32
        %add3A_1225 = vector.broadcast %add3A_1224 : i32 to vector<16xi32>
        %add3A_1226 = arith.addi %add3A_1178, %add3A_1225 : vector<16xi32>
        %gather3A_1227 = tpu.vector_load_idx %arg12[%add3A_1226, %broadcast_in_dim3A_5] : memref<7168x4xf32, #tpu.memory_space<vmem>>[vector<16xi32>, vector<16xi32>], vector<16xf32>,
        %mul3A_1228 = arith.mulf %gather3A_1219, %select_n3A_1098 : vector<16xf32>
        %mul3A_1229 = arith.mulf %gather3A_1223, %select_n3A_1100 : vector<16xf32>
        %add3A_1230 = arith.addf %mul3A_1228, %mul3A_1229 : vector<16xf32>
        %mul3A_1231 = arith.mulf %gather3A_1227, %select_n3A_1102 : vector<16xf32>
        %add3A_1232 = arith.addf %add3A_1230, %mul3A_1231 : vector<16xf32>
        %add3A_1233 = arith.addf %add3A_1232, %neg3A_1171 : vector<16xf32>
        %add3A_1234 = arith.addf %add3A_1215, %add3A_1233 : vector<16xf32>
        %add3A_1235 = arith.constant 3 : i32
        %add3A_1236 = vector.broadcast %add3A_1235 : i32 to vector<16xi32>
        %add3A_1237 = arith.addi %add3A_1178, %add3A_1236 : vector<16xi32>
        %gather3A_1238 = tpu.vector_load_idx %arg12[%add3A_1237, %broadcast_in_dim3A_1] : memref<7168x4xf32, #tpu.memory_space<vmem>>[vector<16xi32>, vector<16xi32>], vector<16xf32>,
        %add3A_1239 = arith.constant 3 : i32
        %add3A_1240 = vector.broadcast %add3A_1239 : i32 to vector<16xi32>
        %add3A_1241 = arith.addi %add3A_1178, %add3A_1240 : vector<16xi32>
        %gather3A_1242 = tpu.vector_load_idx %arg12[%add3A_1241, %broadcast_in_dim3A_3] : memref<7168x4xf32, #tpu.memory_space<vmem>>[vector<16xi32>, vector<16xi32>], vector<16xf32>,
        %add3A_1243 = arith.constant 3 : i32
        %add3A_1244 = vector.broadcast %add3A_1243 : i32 to vector<16xi32>
        %add3A_1245 = arith.addi %add3A_1178, %add3A_1244 : vector<16xi32>
        %gather3A_1246 = tpu.vector_load_idx %arg12[%add3A_1245, %broadcast_in_dim3A_5] : memref<7168x4xf32, #tpu.memory_space<vmem>>[vector<16xi32>, vector<16xi32>], vector<16xf32>,
        %mul3A_1247 = arith.mulf %gather3A_1238, %select_n3A_1098 : vector<16xf32>
        %mul3A_1248 = arith.mulf %gather3A_1242, %select_n3A_1100 : vector<16xf32>
        %add3A_1249 = arith.addf %mul3A_1247, %mul3A_1248 : vector<16xf32>
        %mul3A_1250 = arith.mulf %gather3A_1246, %select_n3A_1102 : vector<16xf32>
        %add3A_1251 = arith.addf %add3A_1249, %mul3A_1250 : vector<16xf32>
        %add3A_1252 = arith.addf %add3A_1251, %neg3A_1171 : vector<16xf32>
        %add3A_1253 = arith.addf %add3A_1234, %add3A_1252 : vector<16xf32>
        %add3A_1254 = arith.constant 4 : i32
        %add3A_1255 = vector.broadcast %add3A_1254 : i32 to vector<16xi32>
        %add3A_1256 = arith.addi %add3A_1178, %add3A_1255 : vector<16xi32>
        %gather3A_1257 = tpu.vector_load_idx %arg12[%add3A_1256, %broadcast_in_dim3A_1] : memref<7168x4xf32, #tpu.memory_space<vmem>>[vector<16xi32>, vector<16xi32>], vector<16xf32>,
        %add3A_1258 = arith.constant 4 : i32
        %add3A_1259 = vector.broadcast %add3A_1258 : i32 to vector<16xi32>
        %add3A_1260 = arith.addi %add3A_1178, %add3A_1259 : vector<16xi32>
        %gather3A_1261 = tpu.vector_load_idx %arg12[%add3A_1260, %broadcast_in_dim3A_3] : memref<7168x4xf32, #tpu.memory_space<vmem>>[vector<16xi32>, vector<16xi32>], vector<16xf32>,
        %add3A_1262 = arith.constant 4 : i32
        %add3A_1263 = vector.broadcast %add3A_1262 : i32 to vector<16xi32>
        %add3A_1264 = arith.addi %add3A_1178, %add3A_1263 : vector<16xi32>
        %gather3A_1265 = tpu.vector_load_idx %arg12[%add3A_1264, %broadcast_in_dim3A_5] : memref<7168x4xf32, #tpu.memory_space<vmem>>[vector<16xi32>, vector<16xi32>], vector<16xf32>,
        %mul3A_1266 = arith.mulf %gather3A_1257, %select_n3A_1098 : vector<16xf32>
        %mul3A_1267 = arith.mulf %gather3A_1261, %select_n3A_1100 : vector<16xf32>
        %add3A_1268 = arith.addf %mul3A_1266, %mul3A_1267 : vector<16xf32>
        %mul3A_1269 = arith.mulf %gather3A_1265, %select_n3A_1102 : vector<16xf32>
        %add3A_1270 = arith.addf %add3A_1268, %mul3A_1269 : vector<16xf32>
        %add3A_1271 = arith.addf %add3A_1270, %neg3A_1171 : vector<16xf32>
        %add3A_1272 = arith.addf %add3A_1253, %add3A_1271 : vector<16xf32>
        %add3A_1273 = arith.constant 5 : i32
        %add3A_1274 = vector.broadcast %add3A_1273 : i32 to vector<16xi32>
        %add3A_1275 = arith.addi %add3A_1178, %add3A_1274 : vector<16xi32>
        %gather3A_1276 = tpu.vector_load_idx %arg12[%add3A_1275, %broadcast_in_dim3A_1] : memref<7168x4xf32, #tpu.memory_space<vmem>>[vector<16xi32>, vector<16xi32>], vector<16xf32>,
        %add3A_1277 = arith.constant 5 : i32
        %add3A_1278 = vector.broadcast %add3A_1277 : i32 to vector<16xi32>
        %add3A_1279 = arith.addi %add3A_1178, %add3A_1278 : vector<16xi32>
        %gather3A_1280 = tpu.vector_load_idx %arg12[%add3A_1279, %broadcast_in_dim3A_3] : memref<7168x4xf32, #tpu.memory_space<vmem>>[vector<16xi32>, vector<16xi32>], vector<16xf32>,
        %add3A_1281 = arith.constant 5 : i32
        %add3A_1282 = vector.broadcast %add3A_1281 : i32 to vector<16xi32>
        %add3A_1283 = arith.addi %add3A_1178, %add3A_1282 : vector<16xi32>
        %gather3A_1284 = tpu.vector_load_idx %arg12[%add3A_1283, %broadcast_in_dim3A_5] : memref<7168x4xf32, #tpu.memory_space<vmem>>[vector<16xi32>, vector<16xi32>], vector<16xf32>,
        %mul3A_1285 = arith.mulf %gather3A_1276, %select_n3A_1098 : vector<16xf32>
        %mul3A_1286 = arith.mulf %gather3A_1280, %select_n3A_1100 : vector<16xf32>
        %add3A_1287 = arith.addf %mul3A_1285, %mul3A_1286 : vector<16xf32>
        %mul3A_1288 = arith.mulf %gather3A_1284, %select_n3A_1102 : vector<16xf32>
        %add3A_1289 = arith.addf %add3A_1287, %mul3A_1288 : vector<16xf32>
        %add3A_1290 = arith.addf %add3A_1289, %neg3A_1171 : vector<16xf32>
        %add3A_1291 = arith.addf %add3A_1272, %add3A_1290 : vector<16xf32>
        %add3A_1292 = arith.constant 6 : i32
        %add3A_1293 = vector.broadcast %add3A_1292 : i32 to vector<16xi32>
        %add3A_1294 = arith.addi %add3A_1178, %add3A_1293 : vector<16xi32>
        %gather3A_1295 = tpu.vector_load_idx %arg12[%add3A_1294, %broadcast_in_dim3A_1] : memref<7168x4xf32, #tpu.memory_space<vmem>>[vector<16xi32>, vector<16xi32>], vector<16xf32>,
        %add3A_1296 = arith.constant 6 : i32
        %add3A_1297 = vector.broadcast %add3A_1296 : i32 to vector<16xi32>
        %add3A_1298 = arith.addi %add3A_1178, %add3A_1297 : vector<16xi32>
        %gather3A_1299 = tpu.vector_load_idx %arg12[%add3A_1298, %broadcast_in_dim3A_3] : memref<7168x4xf32, #tpu.memory_space<vmem>>[vector<16xi32>, vector<16xi32>], vector<16xf32>,
        %add3A_1300 = arith.constant 6 : i32
        %add3A_1301 = vector.broadcast %add3A_1300 : i32 to vector<16xi32>
        %add3A_1302 = arith.addi %add3A_1178, %add3A_1301 : vector<16xi32>
        %gather3A_1303 = tpu.vector_load_idx %arg12[%add3A_1302, %broadcast_in_dim3A_5] : memref<7168x4xf32, #tpu.memory_space<vmem>>[vector<16xi32>, vector<16xi32>], vector<16xf32>,
        %mul3A_1304 = arith.mulf %gather3A_1295, %select_n3A_1098 : vector<16xf32>
        %mul3A_1305 = arith.mulf %gather3A_1299, %select_n3A_1100 : vector<16xf32>
        %add3A_1306 = arith.addf %mul3A_1304, %mul3A_1305 : vector<16xf32>
        %mul3A_1307 = arith.mulf %gather3A_1303, %select_n3A_1102 : vector<16xf32>
        %add3A_1308 = arith.addf %add3A_1306, %mul3A_1307 : vector<16xf32>
        %add3A_1309 = arith.addf %add3A_1308, %neg3A_1171 : vector<16xf32>
        %add3A_1310 = arith.addf %add3A_1291, %add3A_1309 : vector<16xf32>
        %add3A_1311 = arith.constant 7 : i32
        %add3A_1312 = vector.broadcast %add3A_1311 : i32 to vector<16xi32>
        %add3A_1313 = arith.addi %add3A_1178, %add3A_1312 : vector<16xi32>
        %gather3A_1314 = tpu.vector_load_idx %arg12[%add3A_1313, %broadcast_in_dim3A_1] : memref<7168x4xf32, #tpu.memory_space<vmem>>[vector<16xi32>, vector<16xi32>], vector<16xf32>,
        %add3A_1315 = arith.constant 7 : i32
        %add3A_1316 = vector.broadcast %add3A_1315 : i32 to vector<16xi32>
        %add3A_1317 = arith.addi %add3A_1178, %add3A_1316 : vector<16xi32>
        %gather3A_1318 = tpu.vector_load_idx %arg12[%add3A_1317, %broadcast_in_dim3A_3] : memref<7168x4xf32, #tpu.memory_space<vmem>>[vector<16xi32>, vector<16xi32>], vector<16xf32>,
        %add3A_1319 = arith.constant 7 : i32
        %add3A_1320 = vector.broadcast %add3A_1319 : i32 to vector<16xi32>
        %add3A_1321 = arith.addi %add3A_1178, %add3A_1320 : vector<16xi32>
        %gather3A_1322 = tpu.vector_load_idx %arg12[%add3A_1321, %broadcast_in_dim3A_5] : memref<7168x4xf32, #tpu.memory_space<vmem>>[vector<16xi32>, vector<16xi32>], vector<16xf32>,
        %mul3A_1323 = arith.mulf %gather3A_1314, %select_n3A_1098 : vector<16xf32>
        %mul3A_1324 = arith.mulf %gather3A_1318, %select_n3A_1100 : vector<16xf32>
        %add3A_1325 = arith.addf %mul3A_1323, %mul3A_1324 : vector<16xf32>
        %mul3A_1326 = arith.mulf %gather3A_1322, %select_n3A_1102 : vector<16xf32>
        %add3A_1327 = arith.addf %add3A_1325, %mul3A_1326 : vector<16xf32>
        %add3A_1328 = arith.addf %add3A_1327, %neg3A_1171 : vector<16xf32>
        %add3A_1329 = arith.addf %add3A_1310, %add3A_1328 : vector<16xf32>
        %add3A_1330 = arith.constant 8 : i32
        %add3A_1331 = vector.broadcast %add3A_1330 : i32 to vector<16xi32>
        %add3A_1332 = arith.addi %add3A_1178, %add3A_1331 : vector<16xi32>
        %gather3A_1333 = tpu.vector_load_idx %arg12[%add3A_1332, %broadcast_in_dim3A_1] : memref<7168x4xf32, #tpu.memory_space<vmem>>[vector<16xi32>, vector<16xi32>], vector<16xf32>,
        %add3A_1334 = arith.constant 8 : i32
        %add3A_1335 = vector.broadcast %add3A_1334 : i32 to vector<16xi32>
        %add3A_1336 = arith.addi %add3A_1178, %add3A_1335 : vector<16xi32>
        %gather3A_1337 = tpu.vector_load_idx %arg12[%add3A_1336, %broadcast_in_dim3A_3] : memref<7168x4xf32, #tpu.memory_space<vmem>>[vector<16xi32>, vector<16xi32>], vector<16xf32>,
        %add3A_1338 = arith.constant 8 : i32
        %add3A_1339 = vector.broadcast %add3A_1338 : i32 to vector<16xi32>
        %add3A_1340 = arith.addi %add3A_1178, %add3A_1339 : vector<16xi32>
        %gather3A_1341 = tpu.vector_load_idx %arg12[%add3A_1340, %broadcast_in_dim3A_5] : memref<7168x4xf32, #tpu.memory_space<vmem>>[vector<16xi32>, vector<16xi32>], vector<16xf32>,
        %mul3A_1342 = arith.mulf %gather3A_1333, %select_n3A_1098 : vector<16xf32>
        %mul3A_1343 = arith.mulf %gather3A_1337, %select_n3A_1100 : vector<16xf32>
        %add3A_1344 = arith.addf %mul3A_1342, %mul3A_1343 : vector<16xf32>
        %mul3A_1345 = arith.mulf %gather3A_1341, %select_n3A_1102 : vector<16xf32>
        %add3A_1346 = arith.addf %add3A_1344, %mul3A_1345 : vector<16xf32>
        %add3A_1347 = arith.addf %add3A_1346, %neg3A_1171 : vector<16xf32>
        %add3A_1348 = arith.addf %add3A_1329, %add3A_1347 : vector<16xf32>
        %add3A_1349 = arith.constant 9 : i32
        %add3A_1350 = vector.broadcast %add3A_1349 : i32 to vector<16xi32>
        %add3A_1351 = arith.addi %add3A_1178, %add3A_1350 : vector<16xi32>
        %gather3A_1352 = tpu.vector_load_idx %arg12[%add3A_1351, %broadcast_in_dim3A_1] : memref<7168x4xf32, #tpu.memory_space<vmem>>[vector<16xi32>, vector<16xi32>], vector<16xf32>,
        %add3A_1353 = arith.constant 9 : i32
        %add3A_1354 = vector.broadcast %add3A_1353 : i32 to vector<16xi32>
        %add3A_1355 = arith.addi %add3A_1178, %add3A_1354 : vector<16xi32>
        %gather3A_1356 = tpu.vector_load_idx %arg12[%add3A_1355, %broadcast_in_dim3A_3] : memref<7168x4xf32, #tpu.memory_space<vmem>>[vector<16xi32>, vector<16xi32>], vector<16xf32>,
        %add3A_1357 = arith.constant 9 : i32
        %add3A_1358 = vector.broadcast %add3A_1357 : i32 to vector<16xi32>
        %add3A_1359 = arith.addi %add3A_1178, %add3A_1358 : vector<16xi32>
        %gather3A_1360 = tpu.vector_load_idx %arg12[%add3A_1359, %broadcast_in_dim3A_5] : memref<7168x4xf32, #tpu.memory_space<vmem>>[vector<16xi32>, vector<16xi32>], vector<16xf32>,
        %mul3A_1361 = arith.mulf %gather3A_1352, %select_n3A_1098 : vector<16xf32>
        %mul3A_1362 = arith.mulf %gather3A_1356, %select_n3A_1100 : vector<16xf32>
        %add3A_1363 = arith.addf %mul3A_1361, %mul3A_1362 : vector<16xf32>
        %mul3A_1364 = arith.mulf %gather3A_1360, %select_n3A_1102 : vector<16xf32>
        %add3A_1365 = arith.addf %add3A_1363, %mul3A_1364 : vector<16xf32>
        %add3A_1366 = arith.addf %add3A_1365, %neg3A_1171 : vector<16xf32>
        %add3A_1367 = arith.addf %add3A_1348, %add3A_1366 : vector<16xf32>
        %add3A_1368 = arith.constant 10 : i32
        %add3A_1369 = vector.broadcast %add3A_1368 : i32 to vector<16xi32>
        %add3A_1370 = arith.addi %add3A_1178, %add3A_1369 : vector<16xi32>
        %gather3A_1371 = tpu.vector_load_idx %arg12[%add3A_1370, %broadcast_in_dim3A_1] : memref<7168x4xf32, #tpu.memory_space<vmem>>[vector<16xi32>, vector<16xi32>], vector<16xf32>,
        %add3A_1372 = arith.constant 10 : i32
        %add3A_1373 = vector.broadcast %add3A_1372 : i32 to vector<16xi32>
        %add3A_1374 = arith.addi %add3A_1178, %add3A_1373 : vector<16xi32>
        %gather3A_1375 = tpu.vector_load_idx %arg12[%add3A_1374, %broadcast_in_dim3A_3] : memref<7168x4xf32, #tpu.memory_space<vmem>>[vector<16xi32>, vector<16xi32>], vector<16xf32>,
        %add3A_1376 = arith.constant 10 : i32
        %add3A_1377 = vector.broadcast %add3A_1376 : i32 to vector<16xi32>
        %add3A_1378 = arith.addi %add3A_1178, %add3A_1377 : vector<16xi32>
        %gather3A_1379 = tpu.vector_load_idx %arg12[%add3A_1378, %broadcast_in_dim3A_5] : memref<7168x4xf32, #tpu.memory_space<vmem>>[vector<16xi32>, vector<16xi32>], vector<16xf32>,
        %mul3A_1380 = arith.mulf %gather3A_1371, %select_n3A_1098 : vector<16xf32>
        %mul3A_1381 = arith.mulf %gather3A_1375, %select_n3A_1100 : vector<16xf32>
        %add3A_1382 = arith.addf %mul3A_1380, %mul3A_1381 : vector<16xf32>
        %mul3A_1383 = arith.mulf %gather3A_1379, %select_n3A_1102 : vector<16xf32>
        %add3A_1384 = arith.addf %add3A_1382, %mul3A_1383 : vector<16xf32>
        %add3A_1385 = arith.addf %add3A_1384, %neg3A_1171 : vector<16xf32>
        %add3A_1386 = arith.addf %add3A_1367, %add3A_1385 : vector<16xf32>
        %add3A_1387 = arith.constant 11 : i32
        %add3A_1388 = vector.broadcast %add3A_1387 : i32 to vector<16xi32>
        %add3A_1389 = arith.addi %add3A_1178, %add3A_1388 : vector<16xi32>
        %gather3A_1390 = tpu.vector_load_idx %arg12[%add3A_1389, %broadcast_in_dim3A_1] : memref<7168x4xf32, #tpu.memory_space<vmem>>[vector<16xi32>, vector<16xi32>], vector<16xf32>,
        %add3A_1391 = arith.constant 11 : i32
        %add3A_1392 = vector.broadcast %add3A_1391 : i32 to vector<16xi32>
        %add3A_1393 = arith.addi %add3A_1178, %add3A_1392 : vector<16xi32>
        %gather3A_1394 = tpu.vector_load_idx %arg12[%add3A_1393, %broadcast_in_dim3A_3] : memref<7168x4xf32, #tpu.memory_space<vmem>>[vector<16xi32>, vector<16xi32>], vector<16xf32>,
        %add3A_1395 = arith.constant 11 : i32
        %add3A_1396 = vector.broadcast %add3A_1395 : i32 to vector<16xi32>
        %add3A_1397 = arith.addi %add3A_1178, %add3A_1396 : vector<16xi32>
        %gather3A_1398 = tpu.vector_load_idx %arg12[%add3A_1397, %broadcast_in_dim3A_5] : memref<7168x4xf32, #tpu.memory_space<vmem>>[vector<16xi32>, vector<16xi32>], vector<16xf32>,
        %mul3A_1399 = arith.mulf %gather3A_1390, %select_n3A_1098 : vector<16xf32>
        %mul3A_1400 = arith.mulf %gather3A_1394, %select_n3A_1100 : vector<16xf32>
        %add3A_1401 = arith.addf %mul3A_1399, %mul3A_1400 : vector<16xf32>
        %mul3A_1402 = arith.mulf %gather3A_1398, %select_n3A_1102 : vector<16xf32>
        %add3A_1403 = arith.addf %add3A_1401, %mul3A_1402 : vector<16xf32>
        %add3A_1404 = arith.addf %add3A_1403, %neg3A_1171 : vector<16xf32>
        %add3A_1405 = arith.addf %add3A_1386, %add3A_1404 : vector<16xf32>
        %add3A_1406 = arith.constant 12 : i32
        %add3A_1407 = vector.broadcast %add3A_1406 : i32 to vector<16xi32>
        %add3A_1408 = arith.addi %add3A_1178, %add3A_1407 : vector<16xi32>
        %gather3A_1409 = tpu.vector_load_idx %arg12[%add3A_1408, %broadcast_in_dim3A_1] : memref<7168x4xf32, #tpu.memory_space<vmem>>[vector<16xi32>, vector<16xi32>], vector<16xf32>,
        %add3A_1410 = arith.constant 12 : i32
        %add3A_1411 = vector.broadcast %add3A_1410 : i32 to vector<16xi32>
        %add3A_1412 = arith.addi %add3A_1178, %add3A_1411 : vector<16xi32>
        %gather3A_1413 = tpu.vector_load_idx %arg12[%add3A_1412, %broadcast_in_dim3A_3] : memref<7168x4xf32, #tpu.memory_space<vmem>>[vector<16xi32>, vector<16xi32>], vector<16xf32>,
        %add3A_1414 = arith.constant 12 : i32
        %add3A_1415 = vector.broadcast %add3A_1414 : i32 to vector<16xi32>
        %add3A_1416 = arith.addi %add3A_1178, %add3A_1415 : vector<16xi32>
        %gather3A_1417 = tpu.vector_load_idx %arg12[%add3A_1416, %broadcast_in_dim3A_5] : memref<7168x4xf32, #tpu.memory_space<vmem>>[vector<16xi32>, vector<16xi32>], vector<16xf32>,
        %mul3A_1418 = arith.mulf %gather3A_1409, %select_n3A_1098 : vector<16xf32>
        %mul3A_1419 = arith.mulf %gather3A_1413, %select_n3A_1100 : vector<16xf32>
        %add3A_1420 = arith.addf %mul3A_1418, %mul3A_1419 : vector<16xf32>
        %mul3A_1421 = arith.mulf %gather3A_1417, %select_n3A_1102 : vector<16xf32>
        %add3A_1422 = arith.addf %add3A_1420, %mul3A_1421 : vector<16xf32>
        %add3A_1423 = arith.addf %add3A_1422, %neg3A_1171 : vector<16xf32>
        %add3A_1424 = arith.addf %add3A_1405, %add3A_1423 : vector<16xf32>
        %add3A_1425 = arith.constant 13 : i32
        %add3A_1426 = vector.broadcast %add3A_1425 : i32 to vector<16xi32>
        %add3A_1427 = arith.addi %add3A_1178, %add3A_1426 : vector<16xi32>
        %gather3A_1428 = tpu.vector_load_idx %arg12[%add3A_1427, %broadcast_in_dim3A_1] : memref<7168x4xf32, #tpu.memory_space<vmem>>[vector<16xi32>, vector<16xi32>], vector<16xf32>,
        %add3A_1429 = arith.constant 13 : i32
        %add3A_1430 = vector.broadcast %add3A_1429 : i32 to vector<16xi32>
        %add3A_1431 = arith.addi %add3A_1178, %add3A_1430 : vector<16xi32>
        %gather3A_1432 = tpu.vector_load_idx %arg12[%add3A_1431, %broadcast_in_dim3A_3] : memref<7168x4xf32, #tpu.memory_space<vmem>>[vector<16xi32>, vector<16xi32>], vector<16xf32>,
        %add3A_1433 = arith.constant 13 : i32
        %add3A_1434 = vector.broadcast %add3A_1433 : i32 to vector<16xi32>
        %add3A_1435 = arith.addi %add3A_1178, %add3A_1434 : vector<16xi32>
        %gather3A_1436 = tpu.vector_load_idx %arg12[%add3A_1435, %broadcast_in_dim3A_5] : memref<7168x4xf32, #tpu.memory_space<vmem>>[vector<16xi32>, vector<16xi32>], vector<16xf32>,
        %mul3A_1437 = arith.mulf %gather3A_1428, %select_n3A_1098 : vector<16xf32>
        %mul3A_1438 = arith.mulf %gather3A_1432, %select_n3A_1100 : vector<16xf32>
        %add3A_1439 = arith.addf %mul3A_1437, %mul3A_1438 : vector<16xf32>
        %mul3A_1440 = arith.mulf %gather3A_1436, %select_n3A_1102 : vector<16xf32>
        %add3A_1441 = arith.addf %add3A_1439, %mul3A_1440 : vector<16xf32>
        %add3A_1442 = arith.addf %add3A_1441, %neg3A_1171 : vector<16xf32>
        %add3A_1443 = arith.addf %add3A_1424, %add3A_1442 : vector<16xf32>
        %add3A_1444 = arith.constant 14 : i32
        %add3A_1445 = vector.broadcast %add3A_1444 : i32 to vector<16xi32>
        %add3A_1446 = arith.addi %add3A_1178, %add3A_1445 : vector<16xi32>
        %gather3A_1447 = tpu.vector_load_idx %arg12[%add3A_1446, %broadcast_in_dim3A_1] : memref<7168x4xf32, #tpu.memory_space<vmem>>[vector<16xi32>, vector<16xi32>], vector<16xf32>,
        %add3A_1448 = arith.constant 14 : i32
        %add3A_1449 = vector.broadcast %add3A_1448 : i32 to vector<16xi32>
        %add3A_1450 = arith.addi %add3A_1178, %add3A_1449 : vector<16xi32>
        %gather3A_1451 = tpu.vector_load_idx %arg12[%add3A_1450, %broadcast_in_dim3A_3] : memref<7168x4xf32, #tpu.memory_space<vmem>>[vector<16xi32>, vector<16xi32>], vector<16xf32>,
        %add3A_1452 = arith.constant 14 : i32
        %add3A_1453 = vector.broadcast %add3A_1452 : i32 to vector<16xi32>
        %add3A_1454 = arith.addi %add3A_1178, %add3A_1453 : vector<16xi32>
        %gather3A_1455 = tpu.vector_load_idx %arg12[%add3A_1454, %broadcast_in_dim3A_5] : memref<7168x4xf32, #tpu.memory_space<vmem>>[vector<16xi32>, vector<16xi32>], vector<16xf32>,
        %mul3A_1456 = arith.mulf %gather3A_1447, %select_n3A_1098 : vector<16xf32>
        %mul3A_1457 = arith.mulf %gather3A_1451, %select_n3A_1100 : vector<16xf32>
        %add3A_1458 = arith.addf %mul3A_1456, %mul3A_1457 : vector<16xf32>
        %mul3A_1459 = arith.mulf %gather3A_1455, %select_n3A_1102 : vector<16xf32>
        %add3A_1460 = arith.addf %add3A_1458, %mul3A_1459 : vector<16xf32>
        %add3A_1461 = arith.addf %add3A_1460, %neg3A_1171 : vector<16xf32>
        %add3A_1462 = arith.addf %add3A_1443, %add3A_1461 : vector<16xf32>
        %add3A_1463 = arith.constant 15 : i32
        %add3A_1464 = vector.broadcast %add3A_1463 : i32 to vector<16xi32>
        %add3A_1465 = arith.addi %add3A_1178, %add3A_1464 : vector<16xi32>
        %gather3A_1466 = tpu.vector_load_idx %arg12[%add3A_1465, %broadcast_in_dim3A_1] : memref<7168x4xf32, #tpu.memory_space<vmem>>[vector<16xi32>, vector<16xi32>], vector<16xf32>,
        %add3A_1467 = arith.constant 15 : i32
        %add3A_1468 = vector.broadcast %add3A_1467 : i32 to vector<16xi32>
        %add3A_1469 = arith.addi %add3A_1178, %add3A_1468 : vector<16xi32>
        %gather3A_1470 = tpu.vector_load_idx %arg12[%add3A_1469, %broadcast_in_dim3A_3] : memref<7168x4xf32, #tpu.memory_space<vmem>>[vector<16xi32>, vector<16xi32>], vector<16xf32>,
        %add3A_1471 = arith.constant 15 : i32
        %add3A_1472 = vector.broadcast %add3A_1471 : i32 to vector<16xi32>
        %add3A_1473 = arith.addi %add3A_1178, %add3A_1472 : vector<16xi32>
        %gather3A_1474 = tpu.vector_load_idx %arg12[%add3A_1473, %broadcast_in_dim3A_5] : memref<7168x4xf32, #tpu.memory_space<vmem>>[vector<16xi32>, vector<16xi32>], vector<16xf32>,
        %mul3A_1475 = arith.mulf %gather3A_1466, %select_n3A_1098 : vector<16xf32>
        %mul3A_1476 = arith.mulf %gather3A_1470, %select_n3A_1100 : vector<16xf32>
        %add3A_1477 = arith.addf %mul3A_1475, %mul3A_1476 : vector<16xf32>
        %mul3A_1478 = arith.mulf %gather3A_1474, %select_n3A_1102 : vector<16xf32>
        %add3A_1479 = arith.addf %add3A_1477, %mul3A_1478 : vector<16xf32>
        %add3A_1480 = arith.addf %add3A_1479, %neg3A_1171 : vector<16xf32>
        %add3A_1481 = arith.addf %add3A_1462, %add3A_1480 : vector<16xf32>
        %mul3A_1482 = arith.constant 6.250000e-02 : f32
        %mul3A_1483 = vector.broadcast %mul3A_1482 : f32 to vector<16xf32>
        %mul3A_1484 = arith.mulf %add3A_1481, %mul3A_1483 : vector<16xf32>
        %sub3A_1485 = arith.subf %add3A_1196, %mul3A_1484 : vector<16xf32>
        %abs3A_1486 = math.absf %sub3A_1485 : vector<16xf32>
        %sub3A_1487 = arith.subf %add3A_1214, %mul3A_1484 : vector<16xf32>
        %abs3A_1488 = math.absf %sub3A_1487 : vector<16xf32>
        %add3A_1489 = arith.addf %abs3A_1486, %abs3A_1488 : vector<16xf32>
        %sub3A_1490 = arith.subf %add3A_1233, %mul3A_1484 : vector<16xf32>
        %abs3A_1491 = math.absf %sub3A_1490 : vector<16xf32>
        %add3A_1492 = arith.addf %add3A_1489, %abs3A_1491 : vector<16xf32>
        %sub3A_1493 = arith.subf %add3A_1252, %mul3A_1484 : vector<16xf32>
        %abs3A_1494 = math.absf %sub3A_1493 : vector<16xf32>
        %add3A_1495 = arith.addf %add3A_1492, %abs3A_1494 : vector<16xf32>
        %sub3A_1496 = arith.subf %add3A_1271, %mul3A_1484 : vector<16xf32>
        %abs3A_1497 = math.absf %sub3A_1496 : vector<16xf32>
        %add3A_1498 = arith.addf %add3A_1495, %abs3A_1497 : vector<16xf32>
        %sub3A_1499 = arith.subf %add3A_1290, %mul3A_1484 : vector<16xf32>
        %abs3A_1500 = math.absf %sub3A_1499 : vector<16xf32>
        %add3A_1501 = arith.addf %add3A_1498, %abs3A_1500 : vector<16xf32>
        %sub3A_1502 = arith.subf %add3A_1309, %mul3A_1484 : vector<16xf32>
        %abs3A_1503 = math.absf %sub3A_1502 : vector<16xf32>
        %add3A_1504 = arith.addf %add3A_1501, %abs3A_1503 : vector<16xf32>
        %sub3A_1505 = arith.subf %add3A_1328, %mul3A_1484 : vector<16xf32>
        %abs3A_1506 = math.absf %sub3A_1505 : vector<16xf32>
        %add3A_1507 = arith.addf %add3A_1504, %abs3A_1506 : vector<16xf32>
        %sub3A_1508 = arith.subf %add3A_1347, %mul3A_1484 : vector<16xf32>
        %abs3A_1509 = math.absf %sub3A_1508 : vector<16xf32>
        %add3A_1510 = arith.addf %add3A_1507, %abs3A_1509 : vector<16xf32>
        %sub3A_1511 = arith.subf %add3A_1366, %mul3A_1484 : vector<16xf32>
        %abs3A_1512 = math.absf %sub3A_1511 : vector<16xf32>
        %add3A_1513 = arith.addf %add3A_1510, %abs3A_1512 : vector<16xf32>
        %sub3A_1514 = arith.subf %add3A_1385, %mul3A_1484 : vector<16xf32>
        %abs3A_1515 = math.absf %sub3A_1514 : vector<16xf32>
        %add3A_1516 = arith.addf %add3A_1513, %abs3A_1515 : vector<16xf32>
        %sub3A_1517 = arith.subf %add3A_1404, %mul3A_1484 : vector<16xf32>
        %abs3A_1518 = math.absf %sub3A_1517 : vector<16xf32>
        %add3A_1519 = arith.addf %add3A_1516, %abs3A_1518 : vector<16xf32>
        %sub3A_1520 = arith.subf %add3A_1423, %mul3A_1484 : vector<16xf32>
        %abs3A_1521 = math.absf %sub3A_1520 : vector<16xf32>
        %add3A_1522 = arith.addf %add3A_1519, %abs3A_1521 : vector<16xf32>
        %sub3A_1523 = arith.subf %add3A_1442, %mul3A_1484 : vector<16xf32>
        %abs3A_1524 = math.absf %sub3A_1523 : vector<16xf32>
        %add3A_1525 = arith.addf %add3A_1522, %abs3A_1524 : vector<16xf32>
        %sub3A_1526 = arith.subf %add3A_1461, %mul3A_1484 : vector<16xf32>
        %abs3A_1527 = math.absf %sub3A_1526 : vector<16xf32>
        %add3A_1528 = arith.addf %add3A_1525, %abs3A_1527 : vector<16xf32>
        %sub3A_1529 = arith.subf %add3A_1480, %mul3A_1484 : vector<16xf32>
        %abs3A_1530 = math.absf %sub3A_1529 : vector<16xf32>
        %add3A_1531 = arith.addf %add3A_1528, %abs3A_1530 : vector<16xf32>
        %mul3A_1532 = arith.constant 6.250000e-02 : f32
        %mul3A_1533 = vector.broadcast %mul3A_1532 : f32 to vector<16xf32>
        %mul3A_1534 = arith.mulf %add3A_1531, %mul3A_1533 : vector<16xf32>
        %mul3A_1535 = arith.constant 16 : i32
        %mul3A_1536 = arith.muli %scan3A_932, %mul3A_1535 : i32
        %swap3A = arith.index_cast %mul3A_1536 : i32 to index
        %swap3A_1537 = tpu.vector_load %arg17[%swap3A] {strides = array<i32>} : memref<448xf32, #tpu.memory_space<vmem>>, vector<16xf32>,
        tpu.vector_store %arg17[%swap3A], %min3A_1104 {strides = array<i32>} : memref<448xf32, #tpu.memory_space<vmem>>, vector<16xf32>,
        %mul3A_1538 = arith.constant 16 : i32
        %mul3A_1539 = arith.muli %scan3A_932, %mul3A_1538 : i32
        %swap3A_1540 = arith.index_cast %mul3A_1539 : i32 to index
        %swap3A_1541 = tpu.vector_load %arg18[%swap3A_1540] {strides = array<i32>} : memref<448xf32, #tpu.memory_space<vmem>>, vector<16xf32>,
        tpu.vector_store %arg18[%swap3A_1540], %mul3A_1534 {strides = array<i32>} : memref<448xf32, #tpu.memory_space<vmem>>, vector<16xf32>,
        %mul3A_1542 = arith.constant 16 : i32
        %mul3A_1543 = arith.muli %scan3A_932, %mul3A_1542 : i32
        %swap3A_1544 = arith.index_cast %mul3A_1543 : i32 to index
        %swap3A_1545 = tpu.vector_load %arg19[%swap3A_1544] {strides = array<i32>} : memref<448xf32, #tpu.memory_space<vmem>>, vector<16xf32>,
        tpu.vector_store %arg19[%swap3A_1544], %sub3A_1164 {strides = array<i32>} : memref<448xf32, #tpu.memory_space<vmem>>, vector<16xf32>,
        %scan3A_1546 = arith.constant 0 : i32
        scf.yield %scan3A_1546 : i32
      }
      %scan3A_930 = arith.constant 28 : i32
      "tpu.region"() ({
        %run_scoped3A = tpu.sem_alloc : memref<!tpu.dma_semaphore, #tpu.memory_space<semaphore_mem>>
        %dma_start3A_932 = tpu.memref_slice %arg8[%min3A_19] : memref<100000xf32, #tpu.memory_space<hbm>> -> memref<448xf32, #tpu.memory_space<hbm>>
        %dma_start3A_933 = tpu.memref_slice %arg8[%min3A_19] : memref<100000xf32, #tpu.memory_space<hbm>> -> memref<448xf32, #tpu.memory_space<hbm>>
        tpu.enqueue_dma source(%arg17 : memref<448xf32, #tpu.memory_space<vmem>>) target(%dma_start3A_933 : memref<448xf32, #tpu.memory_space<hbm>>) target_semaphore(%run_scoped3A : memref<!tpu.dma_semaphore, #tpu.memory_space<semaphore_mem>>)
        %dma_wait3A_934 = tpu.memref_slice %arg8[%min3A_19] : memref<100000xf32, #tpu.memory_space<hbm>> -> memref<448xf32, #tpu.memory_space<hbm>>
        %dma_wait3A_935 = tpu.memref_slice %arg8[%min3A_19] : memref<100000xf32, #tpu.memory_space<hbm>> -> memref<448xf32, #tpu.memory_space<hbm>>
        tpu.wait_dma2 semaphore(%run_scoped3A : memref<!tpu.dma_semaphore, #tpu.memory_space<semaphore_mem>>) src(%arg17 : memref<448xf32, #tpu.memory_space<vmem>>) dst(%dma_wait3A_935 : memref<448xf32, #tpu.memory_space<hbm>>)
        tpu.yield
      }) : () -> ()
      "tpu.region"() ({
        %run_scoped3A = tpu.sem_alloc : memref<!tpu.dma_semaphore, #tpu.memory_space<semaphore_mem>>
        %dma_start3A_932 = tpu.memref_slice %arg9[%min3A_19] : memref<100000xf32, #tpu.memory_space<hbm>> -> memref<448xf32, #tpu.memory_space<hbm>>
        %dma_start3A_933 = tpu.memref_slice %arg9[%min3A_19] : memref<100000xf32, #tpu.memory_space<hbm>> -> memref<448xf32, #tpu.memory_space<hbm>>
        tpu.enqueue_dma source(%arg18 : memref<448xf32, #tpu.memory_space<vmem>>) target(%dma_start3A_933 : memref<448xf32, #tpu.memory_space<hbm>>) target_semaphore(%run_scoped3A : memref<!tpu.dma_semaphore, #tpu.memory_space<semaphore_mem>>)
        %dma_wait3A_934 = tpu.memref_slice %arg9[%min3A_19] : memref<100000xf32, #tpu.memory_space<hbm>> -> memref<448xf32, #tpu.memory_space<hbm>>
        %dma_wait3A_935 = tpu.memref_slice %arg9[%min3A_19] : memref<100000xf32, #tpu.memory_space<hbm>> -> memref<448xf32, #tpu.memory_space<hbm>>
        tpu.wait_dma2 semaphore(%run_scoped3A : memref<!tpu.dma_semaphore, #tpu.memory_space<semaphore_mem>>) src(%arg18 : memref<448xf32, #tpu.memory_space<vmem>>) dst(%dma_wait3A_935 : memref<448xf32, #tpu.memory_space<hbm>>)
        tpu.yield
      }) : () -> ()
      "tpu.region"() ({
        %run_scoped3A = tpu.sem_alloc : memref<!tpu.dma_semaphore, #tpu.memory_space<semaphore_mem>>
        %dma_start3A_932 = tpu.memref_slice %arg10[%min3A_19] : memref<100000xf32, #tpu.memory_space<hbm>> -> memref<448xf32, #tpu.memory_space<hbm>>
        %dma_start3A_933 = tpu.memref_slice %arg10[%min3A_19] : memref<100000xf32, #tpu.memory_space<hbm>> -> memref<448xf32, #tpu.memory_space<hbm>>
        tpu.enqueue_dma source(%arg19 : memref<448xf32, #tpu.memory_space<vmem>>) target(%dma_start3A_933 : memref<448xf32, #tpu.memory_space<hbm>>) target_semaphore(%run_scoped3A : memref<!tpu.dma_semaphore, #tpu.memory_space<semaphore_mem>>)
        %dma_wait3A_934 = tpu.memref_slice %arg10[%min3A_19] : memref<100000xf32, #tpu.memory_space<hbm>> -> memref<448xf32, #tpu.memory_space<hbm>>
        %dma_wait3A_935 = tpu.memref_slice %arg10[%min3A_19] : memref<100000xf32, #tpu.memory_space<hbm>> -> memref<448xf32, #tpu.memory_space<hbm>>
        tpu.wait_dma2 semaphore(%run_scoped3A : memref<!tpu.dma_semaphore, #tpu.memory_space<semaphore_mem>>) src(%arg19 : memref<448xf32, #tpu.memory_space<vmem>>) dst(%dma_wait3A_935 : memref<448xf32, #tpu.memory_space<hbm>>)
        tpu.yield
      }) : () -> ()
      %scan3A_931 = arith.constant 0 : i32
      scf.yield %scan3A_931 : i32
    }
    %scan3A_11 = arith.constant 7 : i32
    return
  }
}

</mosaic_0001>

<sc_bundles>
// kernel: _run.3.cloned.1.call-start
scs
__scs_entry_jumppad:
0x0: {  	(pc) =	sbr.rel $0x88, $3  }
0x1: {  	(tag) =	ssettag $0x0;
	lr =	simm.s32 $0x1  }
0x2: {  	[smem:$0x3F9B] =	sst lr;
	_ =	strace $0xD0000000  }
0x3: {  	_ = 	snop  }
0x4: {  	_ = 	snop  }
0x5: {  	_ = 	snop  }
0x6: {  	_ = 	snop  }
0x7: {  	_ = 	snop  }
__scs_overlays_trampoline_lowered:
0x8: {  	[smem:$0x3FAA] =	sst s0  }
0x9: {  	[smem:$0x3FAB] =	sst s1  }
0xa: {  	[smem:$0x3FAC] =	sst s2  }
0xb: {  	[smem:$0x3FAD] =	sst s3  }
0xc: {  	[smem:$0x3FAE] =	sst s4  }
0xd: {  	[smem:$0x3FAF] =	sst s5  }
0xe: {  	[smem:$0x3FB0] =	sst s6  }
0xf: {  	[smem:$0x3FB1] =	sst s7  }
0x10: {  	[smem:$0x3FB2] =	sst s8  }
0x11: {  	[smem:$0x3FB3] =	sst s9;
	s0 =	simm.s32 @!p0 $0x0  }
0x12: {  	s1 =	sld [smem:$0x3F99];
	s0 =	simm.s32 @p0 $0x1  }
0x13: {  	[smem:$0x3FB4] =	sst s0;
	s0 =	simm.s32 @!p1 $0x0  }
0x14: {  	s2 =	sld [smem:$0x3F98];
	s0 =	simm.s32 @p1 $0x1  }
0x15: {  	[smem:$0x3FB5] =	sst s0;
	s0 =	simm.s32 @!p2 $0x0  }
0x16: {  	s3 =	sld [smem:$0x3FDB];
	s0 =	simm.s32 @p2 $0x1  }
0x17: {  	s4 =	simm.s32 $0x1BF5;
	[smem:$0x3FB7] =	sst s0  }
0x18: {  	s0 =	sld [smem:$0x3F9A];
	_ =	swait.ge [sflag:s4], $0x0  }
0x19: {  	s7 =	sld [smem:$0x3F9B]  }
0x1a: {  	s8 =	sadd.s32 $0xFFFFE003, lr  }
0x1b: {  	s9 =	sadd.s32 $0xFFFFFEF7, lr;
	s5 =	simm.s32 $0xFFFFFFFF;
	p2 =	slt.u32 s8, $0xFFFFF086  }
0x1c: {  	p1 =	slt.u32 s9, $0xF7A;
	s5 =	simm.s32 @!p2 $0x0  }
0x1d: {  	s5 =	simm.s32 @p1 $0x1;
	p0 =	seq.s32 s7, s2  }
0x1e: {  	s7 =	smul.u32 @!p0 $0xF7A, s2;
	p2 =	seq.s32 @!p0 s5, $0x0  }
0x1f: {  	s9 =	smul.u32 $0xF7A, s1;
	s8 =	simm.s32 @!p0 $0x1BF5;
	p2 =	por !p2, p0  }
0x20: {  	[sflag:s8] =	ssyncset.s32 @!p0 $0xFFFFF086;
	s6 =	sadd.s32 @!p0 s3, s7;
	s7 =	simm.s32 @!p0 $0x108  }
0x21: {  	s3 =	sadd.s32 s3, s9;
	s6 =	sadd.s32 @!p0 $0x88, s6;
	s7 =	simm.s32 @p2 $0x1082  }
0x22: {  	[simem:s7], [sflag:s8] =	dma.local @!p0 [hbm:s6], $0xF7A  }
0x23: {  	s9 =	sor.u32 $0xD0000000, s2;
	s6 =	simm.s32 $0x108;
	_ =	swait.ge @!p0 [sflag:s8], $0x0  }
0x24: {  	s3 =	sadd.s32 $0x88, s3;
	s6 =	simm.s32 @!p1 $0x1082;
	[sflag:s4] =	ssyncset.s32 $0xFFFFF086  }
0x25: {  	[simem:s6], [sflag:s4] =	dma.local [hbm:s3], $0xF7A  }
0x26: {  	[smem:$0x3F9B] =	sst s1;
	(tag) =	ssettag s2;
	_ =	strace s9  }
0x27: {  	s1 =	sld [smem:$0x3FAB]  }
0x28: {  	s2 =	sld [smem:$0x3FAC]  }
0x29: {  	s4 =	sld [smem:$0x3FAE]  }
0x2a: {  	p0 =	seq.s32 s5, $0x0;
	s5 =	sld [smem:$0x3FAF]  }
0x2b: {  	s6 =	sld [smem:$0x3FB0]  }
0x2c: {  	s7 =	sld [smem:$0x3FB1]  }
0x2d: {  	s3 =	simm.s32 $0x108;
	s8 =	sld [smem:$0x3FB2]  }
0x2e: {  	s3 =	simm.s32 @!p0 $0x1082;
	s9 =	sld [smem:$0x3FB3]  }
0x2f: {  	lr =	sadd.s32 s0, s3;
	s0 =	sld [smem:$0x3FAA]  }
0x30: {  	s3 =	sld [smem:$0x3FAD]  }
0x31: {  	[smem:$0x3FB6] =	sst s10  }
0x32: {  	s10 =	sld [smem:$0x3FB4];
	_ =	sdelay $0x3  }
0x33: {  	p0 =	seq.s32 s10, $0x1;
	s10 =	sld [smem:$0x3FB6];
	_ =	sdelay $0x3  }
0x34: {  	[smem:$0x3FB6] =	sst s10  }
0x35: {  	s10 =	sld [smem:$0x3FB5];
	_ =	sdelay $0x3  }
0x36: {  	p1 =	seq.s32 s10, $0x1;
	s10 =	sld [smem:$0x3FB6];
	_ =	sdelay $0x3  }
0x37: {  	[smem:$0x3FB6] =	sst s10  }
0x38: {  	s10 =	sld [smem:$0x3FB7]  }
0x39: {  	_ = 	snop;
	(pc) =	sbr.ind lr, $3  }
0x3a: {  	_ = 	snop  }
0x3b: {  	_ = 	snop  }
0x3c: {  	p2 =	seq.s32 s10, $0x1;
	s10 =	sld [smem:$0x3FB6]  }
0x3d: {  	_ =	shalt  }
0x3e: {  	_ =	shalt  }
0x3f: {  	_ =	shalt  }
0x40: {  	_ =	shalt  }
0x41: {  	_ =	shalt  }
0x42: {  	_ =	shalt  }
0x43: {  	_ =	shalt  }
0x44: {  	_ =	shalt  }
0x45: {  	_ =	shalt  }
0x46: {  	_ =	shalt  }
0x47: {  	_ =	shalt  }
0x48: {  	_ =	shalt  }
0x49: {  	_ =	shalt  }
0x4a: {  	_ =	shalt  }
0x4b: {  	_ =	shalt  }
0x4c: {  	_ =	shalt  }
0x4d: {  	_ =	shalt  }
0x4e: {  	_ =	shalt  }
0x4f: {  	_ =	shalt  }
0x50: {  	_ =	shalt  }
0x51: {  	_ =	shalt  }
0x52: {  	_ =	shalt  }
0x53: {  	_ =	shalt  }
0x54: {  	_ =	shalt  }
0x55: {  	_ =	shalt  }
0x56: {  	_ =	shalt  }
0x57: {  	_ =	shalt  }
0x58: {  	_ =	shalt  }
0x59: {  	_ =	shalt  }
0x5a: {  	_ =	shalt  }
0x5b: {  	_ =	shalt  }
0x5c: {  	_ =	shalt  }
0x5d: {  	_ =	shalt  }
0x5e: {  	_ =	shalt  }
0x5f: {  	_ =	shalt  }
0x60: {  	_ =	shalt  }
0x61: {  	_ =	shalt  }
0x62: {  	_ =	shalt  }
0x63: {  	_ =	shalt  }
0x64: {  	_ =	shalt  }
0x65: {  	_ =	shalt  }
0x66: {  	_ =	shalt  }
0x67: {  	_ =	shalt  }
0x68: {  	_ =	shalt  }
0x69: {  	_ =	shalt  }
0x6a: {  	_ =	shalt  }
0x6b: {  	_ =	shalt  }
0x6c: {  	_ =	shalt  }
0x6d: {  	_ =	shalt  }
0x6e: {  	_ =	shalt  }
0x6f: {  	_ =	shalt  }
0x70: {  	_ =	shalt  }
0x71: {  	_ =	shalt  }
0x72: {  	_ =	shalt  }
0x73: {  	_ =	shalt  }
0x74: {  	_ =	shalt  }
0x75: {  	_ =	shalt  }
0x76: {  	_ =	shalt  }
0x77: {  	_ =	shalt  }
0x78: {  	_ =	shalt  }
0x79: {  	_ =	shalt  }
0x7a: {  	_ =	shalt  }
0x7b: {  	_ =	shalt  }
0x7c: {  	_ =	shalt  }
0x7d: {  	_ =	shalt  }
0x7e: {  	_ =	shalt  }
0x7f: {  	_ =	shalt  }
0x80: {  	_ =	shalt  }
0x81: {  	_ =	shalt  }
0x82: {  	_ =	shalt  }
0x83: {  	_ =	shalt  }
0x84: {  	_ =	shalt  }
0x85: {  	_ =	shalt  }
0x86: {  	_ =	shalt  }
0x87: {  	_ =	shalt  }
.Lfunc_end0:
.L_simem_size_0:
called_computation_lowered:
.L_overlay_start_0:
0x88: {  	s2 =	sld [smem:$0x3FD9]  }
0x89: {  	s3 =	sld [smem:$0x3FFE];
	_ =	sdelay $0x1  }
0x8a: {  	s1 =	srdreg.scid  }
0x8b: {  	s0 =	sand.u32 $0x1, s1  }
0x8c: {  	s14 =	sshll.u32 s0, $0xA;
	s2 =	sadd.s32 s3, s2  }
0x8d: {  	s2 =	sadd.s32 s2, s14  }
0x8e: {  	[smem:$0x3FC2] =	sst s2  }
0x8f: {  	_ = 	snop  }
0x90: {  	s2 =	sld [smem:$0x3FC8]  }
0x91: {  	s15 =	sld [smem:$0x3FC7]  }
0x92: {  	s4 =	sld [smem:$0x3FD0]  }
0x93: {  	s5 =	sld [smem:$0x3FC6]  }
0x94: {  	s6 =	sld [smem:$0x3FC5]  }
0x95: {  	s8 =	simm.s32 $0xA;
	s9 =	simm.s32 $0x10;
	s7 =	sld [smem:$0x3FC4]  }
0x96: {  	[smem:s9], [sflag:s8] =	dma.local [hbm:s4], $0x1  }
0x97: {  	_ =	swait.eq [sflag:s8], $0x1  }
0x98: {  	s16 =	sld [smem:$0x10];
	[sflag:s8] =	ssyncset.done $0x0  }
0x99: {  	s17 =	sld [smem:$0x11];
	[sflag:s8] =	ssyncadd.s32 $0xFFFFFFFF  }
0x9a: {  	s18 =	sld [smem:$0x12];
	(tm) =	ssettm $0x1  }
0x9b: {  	s10 =	sld [smem:$0x3FFB];
	_ =	sdelay $0x3  }
0x9c: {  	_ =	strace s10  }
0x9d: {  	s10 =	sld [smem:$0x3FFC];
	_ =	sdelay $0x3  }
0x9e: {  	_ =	strace s10  }
0x9f: {  	s10 =	sld [smem:$0x3FFD];
	_ =	sdelay $0x3  }
0xa0: {  	_ =	strace s10  }
0xa1: {  	_ =	strace $0x8FFFFFFF  }
0xa2: {  	s19 =	sld [smem:$0x3FDB];
	_ =	sdelay $0x1  }
0xa3: {  	s11 =	simm.s32 $_scs_section_size  }
0xa4: {  	s12 =	simm.s32 $_size__tile_overlayer_lowered;
	s13 =	simm.s32 $_tile_overlayer_lowered  }
0xa5: {  	s22 =	simm.s32 $0x1BFF;
	s21 =	sshll.u32 s13, $0x1;
	s10 =	sadd.s32 s11, s19  }
0xa6: {  	s20 =	sshll.u32 s12, $0x1;
	s14 =	simm.s32 $0x0;
	s12 =	sadd.s32 s21, s10  }
0xa7: {  	[timem:s14], [sflag:s22] =	dma.local [hbm:s12], s20  }
0xa8: {  	_ =	swait.ge [sflag:s22], s20  }
0xa9: {  	s11 =	ssub.s32 $0x0, s20;
	[sflag:s22] =	ssyncset.done $0x0  }
0xaa: {  	[sflag:s22] =	ssyncadd.s32 s11;
	_ =	sdelay $0x1  }
0xab: {  	s23 =	simm.s32 $0x1B8B  }
0xac: {  	_ =	swait.ge [sflag:s23], $0x1  }
0xad: {  	[sflag:s23] =	ssyncset.done $0x0  }
0xae: {  	s25 =	simm.s32 $0x1B8E;
	s24 =	sld [smem:$0x3FFE];
	[sflag:s23] =	ssyncadd.s32 $0xFFFFFFFF  }
0xaf: {  	s26 =	simm.s32 $execute0_lowered;
	[smem:$0x3FD2] =	sst s25  }
0xb0: {  	s12 =	sshll.u32 s26, $0x1;
	_ =	strace $0x80000046;
	[dreg:$0x1] =	wrdreg $0xFFFFFFFF  }
0xb1: {  	s28 =	simm.s32 $_size_execute0_lowered;
	s10 =	sadd.s32 s10, s12;
	[dreg:$0x0] =	wrdreg $0x0  }
0xb2: {  	s12 =	sshll.u32 s28, $0x1;
	[dreg:$0x2] =	wrdreg s10  }
0xb3: {  	[dreg:$0x3] =	wrdreg s12  }
0xb4: {  	[dreg:$0x4] =	wrdreg $0xC0  }
0xb5: {  	_ =	task [dreg:s14], $0x5FFFF  }
0xb6: {  	[dreg:$0x1] =	wrdreg $0xFFFFFFFF  }
0xb7: {  	[dreg:$0x0] =	wrdreg $0x60  }
0xb8: {  	[dreg:$0x2] =	wrdreg s24  }
0xb9: {  	[dreg:$0x3] =	wrdreg s2  }
0xba: {  	[dreg:$0x4] =	wrdreg s15  }
0xbb: {  	[dreg:$0x5] =	wrdreg s5  }
0xbc: {  	[dreg:$0x6] =	wrdreg s6  }
0xbd: {  	[dreg:$0x7] =	wrdreg s7  }
0xbe: {  	[dreg:$0x8] =	wrdreg s16  }
0xbf: {  	[dreg:$0x9] =	wrdreg s17  }
0xc0: {  	[dreg:$0xa] =	wrdreg s18  }
0xc1: {  	[dreg:$0xb] =	wrdreg $0x9  }
0xc2: {  	_ =	task.clear_ibuf [dreg:s14], $0xCFFFF;
	_ =	strace $0x90000046  }
0xc3: {  	s29 =	simm.s32 $0x9;
	_ =	strace $0x80000048  }
0xc4: {  	_ =	swait.ge [sflag:s29], $0x1  }
0xc5: {  	[sflag:s29] =	ssyncadd.s32 $0xFFFFFFFF  }
0xc6: {  	_ =	strace $0x90000048  }
0xc7: {  	_ =	sfence  }
0xc8: {  	s30 =	sld [smem:$0x0];
	_ =	sdelay $0x2  }
0xc9: {  	s31 =	sshll.u32 s1, $0xD;
	s1 =	sshrl.u32 s1, $0x2  }
0xca: {  	s3 =	sand.u32 $0x4000, s31;
	s1 =	sadd.s32 s1, s30  }
0xcb: {  	s0 =	sor.u32 s3, s0;
	s1 =	sshll.u32 s1, $0x11  }
0xcc: {  	s0 =	sor.u32 s1, s0  }
0xcd: {  	s0 =	sadd.s32 $0x8F2B, s0  }
0xce: {  	[sflag:s0] =	ssyncadd.remote.s32 $0x1  }
0xcf: {  	_ =	sfence.sel $0xFFFF  }
0xd0: {  	[dreg:$0x0] =	wrdreg $0xFFFFFFFF;
	(pc) =	sbr.abs _section_cstart, $3  }
0xd1: {  	[dreg:$0x1] =	wrdreg $0xFFFFFFFF  }
0xd2: {  	_ =	task.clear_ibuf [dreg:s14], $0x2FFFF;
	_ =	strace $0x9FFFFFFF  }
0xd3: {  	(tm) =	ssettm $0x7FFFFFFF  }
tec
execute0_lowered:
.L_overlay_start_1:
0x0: {  	(tag) =	ssettag $0x1  }
0x1: {  	s0 =	rddreg [dreg:$0x0];
	s1 =	srdreg.scid;
	s10 =	simm.s32 $0x0  }
0x2: {  	s4 =	stileid.u32;
	s14 =	simm.s32 $0x2;
	s15 =	simm.s32 $0xFC00;
	v8 =	vlaneseq.u32;
	v2 =	vimm.s32 $0x52741630;
	v3 =	vimm.s32 $0x63052741  }
0x3: {  	s16 =	simm.s32 $0x10300;
	s17 =	simm.s32 $0x10840;
	s18 =	simm.s32 $0x10F40;
	v0 =	vmul.u32 $0x3, v8;
	v1 =	vmul.u32 $0x4, v8;
	v2 =	vunpack.c.l.s4.s8 v2  }
0x4: {  	s19 =	simm.s32 $0x80;
	s20 =	simm.s32 $0x1C00;
	s5 =	simm.s32 $0x1A00;
	v4 =	vunpack.c.l.s4.s8 v3;
	v3 =	vimm.s32 $0x74163052;
	v5 =	vand.u32 $0x1, v8  }
0x5: {  	s6 =	simm.s32 $0xEC00;
	s7 =	simm.s32 $0x1A80;
	s8 =	simm.s32 $0xF000;
	v8 =	vmul.u32 $0x80, v8;
	v6 =	vunpack.c.l.s4.s8 v3;
	v7 =	vmul.u32 $0x4, v5  }
0x6: {  	s21 =	simm.s32 $0x1B00;
	s22 =	simm.s32 $0xF400;
	s23 =	simm.s32 $0x1B80;
	v2 =	vunpack.c.0.s8.s32 v2;
	v3 =	vadd.s32 $0x1, v0;
	v4 =	vunpack.c.0.s8.s32 v4  }
0x7: {  	s24 =	simm.s32 $0xF800;
	s25 =	simm.s32 $0x1;
	s26 =	simm.s32 $0x11480;
	v5 =	vadd.s32 $0x2, v0;
	v9 =	vor.u32 $0x1, v1;
	v10 =	vor.u32 $0x2, v1  }
0x8: {  	s28 =	simm.s32 $0x11640;
	s29 =	simm.s32 $0x11800;
	s1 =	sand.u32 $0x1, s1;
	v11 =	vor.u32 $0x3, v1;
	v12 =	vor.u32 $0x78, v8;
	v13 =	vor.u32 $0x70, v8  }
0x9: {  	[smem:$0x7FF] =	sst s10;
	s4 =	sshll.u32 s4, $0x1;
	s2 =	ssub.s32 $0x2, s1;
	v14 =	vor.u32 $0x68, v8;
	v15 =	vor.u32 $0x60, v8;
	v16 =	vor.u32 $0x58, v8  }
0xa: {  	s11 =	sadd.s32 $0x800, s0;
	_ =	strace $0x80000047;
	s3 =	sshrl.u32 s2, $0x1;
	v17 =	vor.u32 $0x50, v8;
	v18 =	vor.u32 $0x48, v8;
	v19 =	vor.u32 $0x40, v8  }
0xb: {  	s1 =	sor.u32 s1, s4;
	s4 =	simm.s32 $0xE800;
	v20 =	vor.u32 $0x38, v8;
	v21 =	vor.u32 $0x30, v8;
	v22 =	vor.u32 $0x28, v8;
	s31 =	ssub.s32 s2, s3  }
0xc: {  	s12 =	smul.u32 $0xC40, s1;
	s1 =	simm.s32 $0xE400;
	v23 =	vor.u32 $0x20, v8;
	v24 =	vor.u32 $0x18, v8;
	v25 =	vor.u32 $0x10, v8;
	s0 =	smax.u32 s31, $0x1  }
0xd: {  	v26 =	vor.u32 $0x8, v8;
	v6 =	vunpack.c.0.s8.s32 v6;
	v7 =	vor.u32 $0xFFFFFFF8, v7;
	s2 =	simm.s32 $0x1980;
	s3 =	simm.s32 $0x0;
	[dreg:$0xa] =	wrdreg s0  }
.LBB2_1:
0xe: {  	[dreg:$0xb] =	wrdreg s3;
	s30 =	simm.s32 $0x0  }
.LBB2_2:
0xf: {  	s3 =	smul.u32 $0x1C0, s30;
	_ =	sdelay $0x1  }
0x10: {  	s3 =	sadd.s32 s12, s3  }
0x11: {  	s31 =	smin.u32 s3, $0x184E0  }
0x12: {  	s0 =	rddreg [dreg:$0x2];
	s3 =	sshll.u32 s31, $0x1  }
0x13: {  	s9 =	sadd.s32 s0, s3;
	s3 =	simm.s32 $0x0  }
0x14: {  	[tilespmem:s3], [sflag:$0x2] =	stream.linear.gather [hbm4b:s9+s3], $0x1C00, $0x38;
	[tilespmem:$0x119C0] =	vst v63  }
0x15: {  	_ =	swait.ge [sflag:s14], $0x1C00  }
0x16: {  	[sflag:s14] =	ssyncset.done $0x0  }
0x17: {  	[sflag:s14] =	ssyncadd.s32 $0xFFFFE400  }
0x18: {  	s9 =	sshrl.u32 s31, $0x1;
	s13 =	rddreg [dreg:$0x1]  }
0x19: {  	s13 =	sadd.s32 s13, s9  }
0x1a: {  	[tilespmem:s15], [sflag:$0x2] =	stream.linear.gather [hbm4b:s13+s3], $0x700, $0x38;
	[tilespmem:$0x119C0] =	vst v63  }
0x1b: {  	_ =	swait.ge [sflag:s14], $0x700  }
0x1c: {  	s0 =	smul.u32 $0x3, s31;
	[sflag:s14] =	ssyncset.done $0x0  }
0x1d: {  	[sflag:s14] =	ssyncadd.s32 $0xFFFFF900  }
0x1e: {  	s13 =	sshrl.u32 s0, $0x3;
	s0 =	rddreg [dreg:$0x3]  }
0x1f: {  	s0 =	sadd.s32 s0, s13  }
0x20: {  	[tilespmem:s16], [sflag:$0x2] =	stream.linear.gather [hbm4b:s0+s3], $0x540, $0x38;
	[tilespmem:$0x119C0] =	vst v63  }
0x21: {  	_ =	swait.ge [sflag:s14], $0x540  }
0x22: {  	[sflag:s14] =	ssyncset.done $0x0  }
0x23: {  	[sflag:s14] =	ssyncadd.s32 $0xFFFFFAC0  }
0x24: {  	s0 =	rddreg [dreg:$0x4]  }
0x25: {  	s0 =	sadd.s32 s0, s9  }
0x26: {  	[tilespmem:s17], [sflag:$0x2] =	stream.linear.gather [hbm4b:s0+s3], $0x700, $0x38;
	[tilespmem:$0x119C0] =	vst v63  }
0x27: {  	_ =	swait.ge [sflag:s14], $0x700  }
0x28: {  	[sflag:s14] =	ssyncset.done $0x0  }
0x29: {  	[sflag:s14] =	ssyncadd.s32 $0xFFFFF900  }
0x2a: {  	s9 =	rddreg [dreg:$0x5]  }
0x2b: {  	s0 =	sadd.s32 s9, s13  }
0x2c: {  	[tilespmem:s18], [sflag:$0x2] =	stream.linear.gather [hbm4b:s0+s3], $0x540, $0x38;
	[tilespmem:$0x119C0] =	vst v63  }
0x2d: {  	_ =	swait.ge [sflag:s14], $0x540  }
0x2e: {  	[sflag:s14] =	ssyncset.done $0x0  }
0x2f: {  	[sflag:s14] =	ssyncadd.s32 $0xFFFFFAC0  }
0x30: {  	[tilespmem:s20], [sflag:$0x1] =	stream.indirect.gather [hbm4b:s11+s19], $0x4, s3, s19, $0xb8;
	[tilespmem:$0x119C0] =	vst v63  }
0x31: {  	s13 =	simm.s32 $0x2000  }
0x32: {  	[tilespmem:s13], [sflag:$0x1] =	stream.indirect.gather [hbm4b:s11+s19], $0x4, s19, s19, $0xb8;
	[tilespmem:$0x119C0] =	vst v63  }
0x33: {  	s9 =	simm.s32 $0x100;
	s13 =	simm.s32 $0x2400  }
0x34: {  	[tilespmem:s13], [sflag:$0x1] =	stream.indirect.gather [hbm4b:s11+s19], $0x4, s9, s19, $0xb8;
	[tilespmem:$0x119C0] =	vst v63  }
0x35: {  	s9 =	simm.s32 $0x180;
	s13 =	simm.s32 $0x2800  }
0x36: {  	[tilespmem:s13], [sflag:$0x1] =	stream.indirect.gather [hbm4b:s11+s19], $0x4, s9, s19, $0xb8;
	[tilespmem:$0x119C0] =	vst v63  }
0x37: {  	s9 =	simm.s32 $0x200;
	s13 =	simm.s32 $0x2C00  }
0x38: {  	[tilespmem:s13], [sflag:$0x1] =	stream.indirect.gather [hbm4b:s11+s19], $0x4, s9, s19, $0xb8;
	[tilespmem:$0x119C0] =	vst v63  }
0x39: {  	s9 =	simm.s32 $0x280;
	s13 =	simm.s32 $0x3000  }
0x3a: {  	[tilespmem:s13], [sflag:$0x1] =	stream.indirect.gather [hbm4b:s11+s19], $0x4, s9, s19, $0xb8;
	[tilespmem:$0x119C0] =	vst v63  }
0x3b: {  	s9 =	simm.s32 $0x300;
	s13 =	simm.s32 $0x3400  }
0x3c: {  	[tilespmem:s13], [sflag:$0x1] =	stream.indirect.gather [hbm4b:s11+s19], $0x4, s9, s19, $0xb8;
	[tilespmem:$0x119C0] =	vst v63  }
0x3d: {  	s9 =	simm.s32 $0x380;
	s13 =	simm.s32 $0x3800  }
0x3e: {  	[tilespmem:s13], [sflag:$0x1] =	stream.indirect.gather [hbm4b:s11+s19], $0x4, s9, s19, $0xb8;
	[tilespmem:$0x119C0] =	vst v63  }
0x3f: {  	s9 =	simm.s32 $0x400;
	s13 =	simm.s32 $0x3C00  }
0x40: {  	[tilespmem:s13], [sflag:$0x1] =	stream.indirect.gather [hbm4b:s11+s19], $0x4, s9, s19, $0xb8;
	[tilespmem:$0x119C0] =	vst v63  }
0x41: {  	s9 =	simm.s32 $0x480;
	s13 =	simm.s32 $0x4000  }
0x42: {  	[tilespmem:s13], [sflag:$0x1] =	stream.indirect.gather [hbm4b:s11+s19], $0x4, s9, s19, $0xb8;
	[tilespmem:$0x119C0] =	vst v63  }
0x43: {  	s9 =	simm.s32 $0x500;
	s13 =	simm.s32 $0x4400  }
0x44: {  	[tilespmem:s13], [sflag:$0x1] =	stream.indirect.gather [hbm4b:s11+s19], $0x4, s9, s19, $0xb8;
	[tilespmem:$0x119C0] =	vst v63  }
0x45: {  	s9 =	simm.s32 $0x580;
	s13 =	simm.s32 $0x4800  }
0x46: {  	[tilespmem:s13], [sflag:$0x1] =	stream.indirect.gather [hbm4b:s11+s19], $0x4, s9, s19, $0xb8;
	[tilespmem:$0x119C0] =	vst v63  }
0x47: {  	s9 =	simm.s32 $0x600;
	s13 =	simm.s32 $0x4C00  }
0x48: {  	[tilespmem:s13], [sflag:$0x1] =	stream.indirect.gather [hbm4b:s11+s19], $0x4, s9, s19, $0xb8;
	[tilespmem:$0x119C0] =	vst v63  }
0x49: {  	s9 =	simm.s32 $0x680;
	s13 =	simm.s32 $0x5000  }
0x4a: {  	[tilespmem:s13], [sflag:$0x1] =	stream.indirect.gather [hbm4b:s11+s19], $0x4, s9, s19, $0xb8;
	[tilespmem:$0x119C0] =	vst v63  }
0x4b: {  	s9 =	simm.s32 $0x700;
	s13 =	simm.s32 $0x5400  }
0x4c: {  	[tilespmem:s13], [sflag:$0x1] =	stream.indirect.gather [hbm4b:s11+s19], $0x4, s9, s19, $0xb8;
	[tilespmem:$0x119C0] =	vst v63  }
0x4d: {  	s9 =	simm.s32 $0x780;
	s13 =	simm.s32 $0x5800  }
0x4e: {  	[tilespmem:s13], [sflag:$0x1] =	stream.indirect.gather [hbm4b:s11+s19], $0x4, s9, s19, $0xb8;
	[tilespmem:$0x119C0] =	vst v63  }
0x4f: {  	s9 =	simm.s32 $0x800;
	s13 =	simm.s32 $0x5C00  }
0x50: {  	[tilespmem:s13], [sflag:$0x1] =	stream.indirect.gather [hbm4b:s11+s19], $0x4, s9, s19, $0xb8;
	[tilespmem:$0x119C0] =	vst v63  }
0x51: {  	s9 =	simm.s32 $0x880;
	s13 =	simm.s32 $0x6000  }
0x52: {  	[tilespmem:s13], [sflag:$0x1] =	stream.indirect.gather [hbm4b:s11+s19], $0x4, s9, s19, $0xb8;
	[tilespmem:$0x119C0] =	vst v63  }
0x53: {  	s9 =	simm.s32 $0x900;
	s13 =	simm.s32 $0x6400  }
0x54: {  	[tilespmem:s13], [sflag:$0x1] =	stream.indirect.gather [hbm4b:s11+s19], $0x4, s9, s19, $0xb8;
	[tilespmem:$0x119C0] =	vst v63  }
0x55: {  	s9 =	simm.s32 $0x980;
	s13 =	simm.s32 $0x6800  }
0x56: {  	[tilespmem:s13], [sflag:$0x1] =	stream.indirect.gather [hbm4b:s11+s19], $0x4, s9, s19, $0xb8;
	[tilespmem:$0x119C0] =	vst v63  }
0x57: {  	s9 =	simm.s32 $0xA00;
	s13 =	simm.s32 $0x6C00  }
0x58: {  	[tilespmem:s13], [sflag:$0x1] =	stream.indirect.gather [hbm4b:s11+s19], $0x4, s9, s19, $0xb8;
	[tilespmem:$0x119C0] =	vst v63  }
0x59: {  	s9 =	simm.s32 $0xA80;
	s13 =	simm.s32 $0x7000  }
0x5a: {  	[tilespmem:s13], [sflag:$0x1] =	stream.indirect.gather [hbm4b:s11+s19], $0x4, s9, s19, $0xb8;
	[tilespmem:$0x119C0] =	vst v63  }
0x5b: {  	s9 =	simm.s32 $0xB00;
	s13 =	simm.s32 $0x7400  }
0x5c: {  	[tilespmem:s13], [sflag:$0x1] =	stream.indirect.gather [hbm4b:s11+s19], $0x4, s9, s19, $0xb8;
	[tilespmem:$0x119C0] =	vst v63  }
0x5d: {  	s9 =	simm.s32 $0xB80;
	s13 =	simm.s32 $0x7800  }
0x5e: {  	[tilespmem:s13], [sflag:$0x1] =	stream.indirect.gather [hbm4b:s11+s19], $0x4, s9, s19, $0xb8;
	[tilespmem:$0x119C0] =	vst v63  }
0x5f: {  	s9 =	simm.s32 $0xC00;
	s13 =	simm.s32 $0x7C00  }
0x60: {  	[tilespmem:s13], [sflag:$0x1] =	stream.indirect.gather [hbm4b:s11+s19], $0x4, s9, s19, $0xb8;
	[tilespmem:$0x119C0] =	vst v63  }
0x61: {  	s9 =	simm.s32 $0xC80;
	s13 =	simm.s32 $0x8000  }
0x62: {  	[tilespmem:s13], [sflag:$0x1] =	stream.indirect.gather [hbm4b:s11+s19], $0x4, s9, s19, $0xb8;
	[tilespmem:$0x119C0] =	vst v63  }
0x63: {  	s9 =	simm.s32 $0xD00;
	s13 =	simm.s32 $0x8400  }
0x64: {  	[tilespmem:s13], [sflag:$0x1] =	stream.indirect.gather [hbm4b:s11+s19], $0x4, s9, s19, $0xb8;
	[tilespmem:$0x119C0] =	vst v63  }
0x65: {  	s9 =	simm.s32 $0xD80;
	s13 =	simm.s32 $0x8800  }
0x66: {  	[tilespmem:s13], [sflag:$0x1] =	stream.indirect.gather [hbm4b:s11+s19], $0x4, s9, s19, $0xb8;
	[tilespmem:$0x119C0] =	vst v63  }
0x67: {  	s9 =	simm.s32 $0xE00;
	s13 =	simm.s32 $0x8C00  }
0x68: {  	[tilespmem:s13], [sflag:$0x1] =	stream.indirect.gather [hbm4b:s11+s19], $0x4, s9, s19, $0xb8;
	[tilespmem:$0x119C0] =	vst v63  }
0x69: {  	s9 =	simm.s32 $0xE80;
	s13 =	simm.s32 $0x9000  }
0x6a: {  	[tilespmem:s13], [sflag:$0x1] =	stream.indirect.gather [hbm4b:s11+s19], $0x4, s9, s19, $0xb8;
	[tilespmem:$0x119C0] =	vst v63  }
0x6b: {  	s9 =	simm.s32 $0xF00;
	s13 =	simm.s32 $0x9400  }
0x6c: {  	[tilespmem:s13], [sflag:$0x1] =	stream.indirect.gather [hbm4b:s11+s19], $0x4, s9, s19, $0xb8;
	[tilespmem:$0x119C0] =	vst v63  }
0x6d: {  	s9 =	simm.s32 $0xF80;
	s13 =	simm.s32 $0x9800  }
0x6e: {  	[tilespmem:s13], [sflag:$0x1] =	stream.indirect.gather [hbm4b:s11+s19], $0x4, s9, s19, $0xb8;
	[tilespmem:$0x119C0] =	vst v63  }
0x6f: {  	s9 =	simm.s32 $0x1000;
	s13 =	simm.s32 $0x9C00  }
0x70: {  	[tilespmem:s13], [sflag:$0x1] =	stream.indirect.gather [hbm4b:s11+s19], $0x4, s9, s19, $0xb8;
	[tilespmem:$0x119C0] =	vst v63  }
0x71: {  	s9 =	simm.s32 $0x1080;
	s13 =	simm.s32 $0xA000  }
0x72: {  	[tilespmem:s13], [sflag:$0x1] =	stream.indirect.gather [hbm4b:s11+s19], $0x4, s9, s19, $0xb8;
	[tilespmem:$0x119C0] =	vst v63  }
0x73: {  	s9 =	simm.s32 $0x1100;
	s13 =	simm.s32 $0xA400  }
0x74: {  	[tilespmem:s13], [sflag:$0x1] =	stream.indirect.gather [hbm4b:s11+s19], $0x4, s9, s19, $0xb8;
	[tilespmem:$0x119C0] =	vst v63  }
0x75: {  	s9 =	simm.s32 $0x1180;
	s13 =	simm.s32 $0xA800  }
0x76: {  	[tilespmem:s13], [sflag:$0x1] =	stream.indirect.gather [hbm4b:s11+s19], $0x4, s9, s19, $0xb8;
	[tilespmem:$0x119C0] =	vst v63  }
0x77: {  	s9 =	simm.s32 $0x1200;
	s13 =	simm.s32 $0xAC00  }
0x78: {  	[tilespmem:s13], [sflag:$0x1] =	stream.indirect.gather [hbm4b:s11+s19], $0x4, s9, s19, $0xb8;
	[tilespmem:$0x119C0] =	vst v63  }
0x79: {  	s9 =	simm.s32 $0x1280;
	s13 =	simm.s32 $0xB000  }
0x7a: {  	[tilespmem:s13], [sflag:$0x1] =	stream.indirect.gather [hbm4b:s11+s19], $0x4, s9, s19, $0xb8;
	[tilespmem:$0x119C0] =	vst v63  }
0x7b: {  	s9 =	simm.s32 $0x1300;
	s13 =	simm.s32 $0xB400  }
0x7c: {  	[tilespmem:s13], [sflag:$0x1] =	stream.indirect.gather [hbm4b:s11+s19], $0x4, s9, s19, $0xb8;
	[tilespmem:$0x119C0] =	vst v63  }
0x7d: {  	s9 =	simm.s32 $0x1380;
	s13 =	simm.s32 $0xB800  }
0x7e: {  	[tilespmem:s13], [sflag:$0x1] =	stream.indirect.gather [hbm4b:s11+s19], $0x4, s9, s19, $0xb8;
	[tilespmem:$0x119C0] =	vst v63  }
0x7f: {  	s9 =	simm.s32 $0x1400;
	s13 =	simm.s32 $0xBC00  }
0x80: {  	[tilespmem:s13], [sflag:$0x1] =	stream.indirect.gather [hbm4b:s11+s19], $0x4, s9, s19, $0xb8;
	[tilespmem:$0x119C0] =	vst v63  }
0x81: {  	s9 =	simm.s32 $0x1480;
	s13 =	simm.s32 $0xC000  }
0x82: {  	[tilespmem:s13], [sflag:$0x1] =	stream.indirect.gather [hbm4b:s11+s19], $0x4, s9, s19, $0xb8;
	[tilespmem:$0x119C0] =	vst v63  }
0x83: {  	s9 =	simm.s32 $0x1500;
	s13 =	simm.s32 $0xC400  }
0x84: {  	[tilespmem:s13], [sflag:$0x1] =	stream.indirect.gather [hbm4b:s11+s19], $0x4, s9, s19, $0xb8;
	[tilespmem:$0x119C0] =	vst v63  }
0x85: {  	s9 =	simm.s32 $0x1580;
	s13 =	simm.s32 $0xC800  }
0x86: {  	[tilespmem:s13], [sflag:$0x1] =	stream.indirect.gather [hbm4b:s11+s19], $0x4, s9, s19, $0xb8;
	[tilespmem:$0x119C0] =	vst v63  }
0x87: {  	s9 =	simm.s32 $0x1600;
	s13 =	simm.s32 $0xCC00  }
0x88: {  	[tilespmem:s13], [sflag:$0x1] =	stream.indirect.gather [hbm4b:s11+s19], $0x4, s9, s19, $0xb8;
	[tilespmem:$0x119C0] =	vst v63  }
0x89: {  	s9 =	simm.s32 $0x1680;
	s13 =	simm.s32 $0xD000  }
0x8a: {  	[tilespmem:s13], [sflag:$0x1] =	stream.indirect.gather [hbm4b:s11+s19], $0x4, s9, s19, $0xb8;
	[tilespmem:$0x119C0] =	vst v63  }
0x8b: {  	s9 =	simm.s32 $0x1700;
	s13 =	simm.s32 $0xD400  }
0x8c: {  	[tilespmem:s13], [sflag:$0x1] =	stream.indirect.gather [hbm4b:s11+s19], $0x4, s9, s19, $0xb8;
	[tilespmem:$0x119C0] =	vst v63  }
0x8d: {  	s9 =	simm.s32 $0x1780;
	s13 =	simm.s32 $0xD800  }
0x8e: {  	[tilespmem:s13], [sflag:$0x1] =	stream.indirect.gather [hbm4b:s11+s19], $0x4, s9, s19, $0xb8;
	[tilespmem:$0x119C0] =	vst v63  }
0x8f: {  	s9 =	simm.s32 $0x1800;
	s13 =	simm.s32 $0xDC00  }
0x90: {  	[tilespmem:s13], [sflag:$0x1] =	stream.indirect.gather [hbm4b:s11+s19], $0x4, s9, s19, $0xb8;
	[tilespmem:$0x119C0] =	vst v63  }
0x91: {  	s9 =	simm.s32 $0x1880;
	s13 =	simm.s32 $0xE000  }
0x92: {  	[tilespmem:s13], [sflag:$0x1] =	stream.indirect.gather [hbm4b:s11+s19], $0x4, s9, s19, $0xb8;
	[tilespmem:$0x119C0] =	vst v63  }
0x93: {  	s13 =	simm.s32 $0x1900  }
0x94: {  	[tilespmem:s1], [sflag:$0x1] =	stream.indirect.gather [hbm4b:s11+s19], $0x4, s13, s19, $0xb8;
	[tilespmem:$0x119C0] =	vst v63  }
0x95: {  	_ = 	snop  }
0x96: {  	[tilespmem:s4], [sflag:$0x1] =	stream.indirect.gather [hbm4b:s11+s19], $0x4, s2, s19, $0xb8;
	[tilespmem:$0x119C0] =	vst v63  }
0x97: {  	_ = 	snop  }
0x98: {  	[tilespmem:s6], [sflag:$0x1] =	stream.indirect.gather [hbm4b:s11+s19], $0x4, s5, s19, $0xb8;
	[tilespmem:$0x119C0] =	vst v63  }
0x99: {  	_ = 	snop  }
0x9a: {  	[tilespmem:s8], [sflag:$0x1] =	stream.indirect.gather [hbm4b:s11+s19], $0x4, s7, s19, $0xb8;
	[tilespmem:$0x119C0] =	vst v63  }
0x9b: {  	_ = 	snop  }
0x9c: {  	[tilespmem:s22], [sflag:$0x1] =	stream.indirect.gather [hbm4b:s11+s19], $0x4, s21, s19, $0xb8;
	[tilespmem:$0x119C0] =	vst v63  }
0x9d: {  	_ = 	snop  }
0x9e: {  	[tilespmem:s24], [sflag:$0x1] =	stream.indirect.gather [hbm4b:s11+s19], $0x4, s23, s19, $0xb8;
	[tilespmem:$0x119C0] =	vst v63  }
0x9f: {  	_ =	swait.ge [sflag:s25], $0x200  }
0xa0: {  	[sflag:s25] =	ssyncset.done $0x0  }
0xa1: {  	[sflag:s25] =	ssyncadd.s32 $0xFFFFFE00  }
0xa2: {  	_ =	swait.ge [sflag:s25], $0x200  }
0xa3: {  	[sflag:s25] =	ssyncset.done $0x0  }
0xa4: {  	[sflag:s25] =	ssyncadd.s32 $0xFFFFFE00  }
0xa5: {  	_ =	swait.ge [sflag:s25], $0x200  }
0xa6: {  	[sflag:s25] =	ssyncset.done $0x0  }
0xa7: {  	[sflag:s25] =	ssyncadd.s32 $0xFFFFFE00  }
0xa8: {  	_ =	swait.ge [sflag:s25], $0x200  }
0xa9: {  	[sflag:s25] =	ssyncset.done $0x0  }
0xaa: {  	[sflag:s25] =	ssyncadd.s32 $0xFFFFFE00  }
0xab: {  	_ =	swait.ge [sflag:s25], $0x200  }
0xac: {  	[sflag:s25] =	ssyncset.done $0x0  }
0xad: {  	[sflag:s25] =	ssyncadd.s32 $0xFFFFFE00  }
0xae: {  	_ =	swait.ge [sflag:s25], $0x200  }
0xaf: {  	[sflag:s25] =	ssyncset.done $0x0  }
0xb0: {  	[sflag:s25] =	ssyncadd.s32 $0xFFFFFE00  }
0xb1: {  	_ =	swait.ge [sflag:s25], $0x200  }
0xb2: {  	[sflag:s25] =	ssyncset.done $0x0  }
0xb3: {  	[sflag:s25] =	ssyncadd.s32 $0xFFFFFE00  }
0xb4: {  	_ =	swait.ge [sflag:s25], $0x200  }
0xb5: {  	[sflag:s25] =	ssyncset.done $0x0  }
0xb6: {  	[sflag:s25] =	ssyncadd.s32 $0xFFFFFE00  }
0xb7: {  	_ =	swait.ge [sflag:s25], $0x200  }
0xb8: {  	[sflag:s25] =	ssyncset.done $0x0  }
0xb9: {  	[sflag:s25] =	ssyncadd.s32 $0xFFFFFE00  }
0xba: {  	_ =	swait.ge [sflag:s25], $0x200  }
0xbb: {  	[sflag:s25] =	ssyncset.done $0x0  }
0xbc: {  	[sflag:s25] =	ssyncadd.s32 $0xFFFFFE00  }
0xbd: {  	_ =	swait.ge [sflag:s25], $0x200  }
0xbe: {  	[sflag:s25] =	ssyncset.done $0x0  }
0xbf: {  	[sflag:s25] =	ssyncadd.s32 $0xFFFFFE00  }
0xc0: {  	_ =	swait.ge [sflag:s25], $0x200  }
0xc1: {  	[sflag:s25] =	ssyncset.done $0x0  }
0xc2: {  	[sflag:s25] =	ssyncadd.s32 $0xFFFFFE00  }
0xc3: {  	_ =	swait.ge [sflag:s25], $0x200  }
0xc4: {  	[sflag:s25] =	ssyncset.done $0x0  }
0xc5: {  	[sflag:s25] =	ssyncadd.s32 $0xFFFFFE00  }
0xc6: {  	_ =	swait.ge [sflag:s25], $0x200  }
0xc7: {  	[sflag:s25] =	ssyncset.done $0x0  }
0xc8: {  	[sflag:s25] =	ssyncadd.s32 $0xFFFFFE00  }
0xc9: {  	_ =	swait.ge [sflag:s25], $0x200  }
0xca: {  	[sflag:s25] =	ssyncset.done $0x0  }
0xcb: {  	[sflag:s25] =	ssyncadd.s32 $0xFFFFFE00  }
0xcc: {  	_ =	swait.ge [sflag:s25], $0x200  }
0xcd: {  	[sflag:s25] =	ssyncset.done $0x0  }
0xce: {  	[sflag:s25] =	ssyncadd.s32 $0xFFFFFE00  }
0xcf: {  	_ =	swait.ge [sflag:s25], $0x200  }
0xd0: {  	[sflag:s25] =	ssyncset.done $0x0  }
0xd1: {  	[sflag:s25] =	ssyncadd.s32 $0xFFFFFE00  }
0xd2: {  	_ =	swait.ge [sflag:s25], $0x200  }
0xd3: {  	[sflag:s25] =	ssyncset.done $0x0  }
0xd4: {  	[sflag:s25] =	ssyncadd.s32 $0xFFFFFE00  }
0xd5: {  	_ =	swait.ge [sflag:s25], $0x200  }
0xd6: {  	[sflag:s25] =	ssyncset.done $0x0  }
0xd7: {  	[sflag:s25] =	ssyncadd.s32 $0xFFFFFE00  }
0xd8: {  	_ =	swait.ge [sflag:s25], $0x200  }
0xd9: {  	[sflag:s25] =	ssyncset.done $0x0  }
0xda: {  	[sflag:s25] =	ssyncadd.s32 $0xFFFFFE00  }
0xdb: {  	_ =	swait.ge [sflag:s25], $0x200  }
0xdc: {  	[sflag:s25] =	ssyncset.done $0x0  }
0xdd: {  	[sflag:s25] =	ssyncadd.s32 $0xFFFFFE00  }
0xde: {  	_ =	swait.ge [sflag:s25], $0x200  }
0xdf: {  	[sflag:s25] =	ssyncset.done $0x0  }
0xe0: {  	[sflag:s25] =	ssyncadd.s32 $0xFFFFFE00  }
0xe1: {  	_ =	swait.ge [sflag:s25], $0x200  }
0xe2: {  	[sflag:s25] =	ssyncset.done $0x0  }
0xe3: {  	[sflag:s25] =	ssyncadd.s32 $0xFFFFFE00  }
0xe4: {  	_ =	swait.ge [sflag:s25], $0x200  }
0xe5: {  	[sflag:s25] =	ssyncset.done $0x0  }
0xe6: {  	[sflag:s25] =	ssyncadd.s32 $0xFFFFFE00  }
0xe7: {  	_ =	swait.ge [sflag:s25], $0x200  }
0xe8: {  	[sflag:s25] =	ssyncset.done $0x0  }
0xe9: {  	[sflag:s25] =	ssyncadd.s32 $0xFFFFFE00  }
0xea: {  	_ =	swait.ge [sflag:s25], $0x200  }
0xeb: {  	[sflag:s25] =	ssyncset.done $0x0  }
0xec: {  	[sflag:s25] =	ssyncadd.s32 $0xFFFFFE00  }
0xed: {  	_ =	swait.ge [sflag:s25], $0x200  }
0xee: {  	[sflag:s25] =	ssyncset.done $0x0  }
0xef: {  	[sflag:s25] =	ssyncadd.s32 $0xFFFFFE00  }
0xf0: {  	_ =	swait.ge [sflag:s25], $0x200  }
0xf1: {  	[sflag:s25] =	ssyncset.done $0x0  }
0xf2: {  	[sflag:s25] =	ssyncadd.s32 $0xFFFFFE00  }
0xf3: {  	_ =	swait.ge [sflag:s25], $0x200  }
0xf4: {  	[sflag:s25] =	ssyncset.done $0x0  }
0xf5: {  	[sflag:s25] =	ssyncadd.s32 $0xFFFFFE00  }
0xf6: {  	_ =	swait.ge [sflag:s25], $0x200  }
0xf7: {  	[sflag:s25] =	ssyncset.done $0x0  }
0xf8: {  	[sflag:s25] =	ssyncadd.s32 $0xFFFFFE00  }
0xf9: {  	_ =	swait.ge [sflag:s25], $0x200  }
0xfa: {  	[sflag:s25] =	ssyncset.done $0x0  }
0xfb: {  	[sflag:s25] =	ssyncadd.s32 $0xFFFFFE00  }
0xfc: {  	_ =	swait.ge [sflag:s25], $0x200  }
0xfd: {  	[sflag:s25] =	ssyncset.done $0x0  }
0xfe: {  	[sflag:s25] =	ssyncadd.s32 $0xFFFFFE00  }
0xff: {  	_ =	swait.ge [sflag:s25], $0x200  }
0x100: {  	[sflag:s25] =	ssyncset.done $0x0  }
0x101: {  	[sflag:s25] =	ssyncadd.s32 $0xFFFFFE00  }
0x102: {  	_ =	swait.ge [sflag:s25], $0x200  }
0x103: {  	[sflag:s25] =	ssyncset.done $0x0  }
0x104: {  	[sflag:s25] =	ssyncadd.s32 $0xFFFFFE00  }
0x105: {  	_ =	swait.ge [sflag:s25], $0x200  }
0x106: {  	[sflag:s25] =	ssyncset.done $0x0  }
0x107: {  	[sflag:s25] =	ssyncadd.s32 $0xFFFFFE00  }
0x108: {  	_ =	swait.ge [sflag:s25], $0x200  }
0x109: {  	[sflag:s25] =	ssyncset.done $0x0  }
0x10a: {  	[sflag:s25] =	ssyncadd.s32 $0xFFFFFE00  }
0x10b: {  	_ =	swait.ge [sflag:s25], $0x200  }
0x10c: {  	[sflag:s25] =	ssyncset.done $0x0  }
0x10d: {  	[sflag:s25] =	ssyncadd.s32 $0xFFFFFE00  }
0x10e: {  	_ =	swait.ge [sflag:s25], $0x200  }
0x10f: {  	[sflag:s25] =	ssyncset.done $0x0  }
0x110: {  	[sflag:s25] =	ssyncadd.s32 $0xFFFFFE00  }
0x111: {  	_ =	swait.ge [sflag:s25], $0x200  }
0x112: {  	[sflag:s25] =	ssyncset.done $0x0  }
0x113: {  	[sflag:s25] =	ssyncadd.s32 $0xFFFFFE00  }
0x114: {  	_ =	swait.ge [sflag:s25], $0x200  }
0x115: {  	[sflag:s25] =	ssyncset.done $0x0  }
0x116: {  	[sflag:s25] =	ssyncadd.s32 $0xFFFFFE00  }
0x117: {  	_ =	swait.ge [sflag:s25], $0x200  }
0x118: {  	[sflag:s25] =	ssyncset.done $0x0  }
0x119: {  	[sflag:s25] =	ssyncadd.s32 $0xFFFFFE00  }
0x11a: {  	_ =	swait.ge [sflag:s25], $0x200  }
0x11b: {  	[sflag:s25] =	ssyncset.done $0x0  }
0x11c: {  	[sflag:s25] =	ssyncadd.s32 $0xFFFFFE00  }
0x11d: {  	_ =	swait.ge [sflag:s25], $0x200  }
0x11e: {  	[sflag:s25] =	ssyncset.done $0x0  }
0x11f: {  	[sflag:s25] =	ssyncadd.s32 $0xFFFFFE00  }
0x120: {  	_ =	swait.ge [sflag:s25], $0x200  }
0x121: {  	[sflag:s25] =	ssyncset.done $0x0  }
0x122: {  	[sflag:s25] =	ssyncadd.s32 $0xFFFFFE00  }
0x123: {  	_ =	swait.ge [sflag:s25], $0x200  }
0x124: {  	[sflag:s25] =	ssyncset.done $0x0  }
0x125: {  	[sflag:s25] =	ssyncadd.s32 $0xFFFFFE00  }
0x126: {  	_ =	swait.ge [sflag:s25], $0x200  }
0x127: {  	[sflag:s25] =	ssyncset.done $0x0  }
0x128: {  	[sflag:s25] =	ssyncadd.s32 $0xFFFFFE00  }
0x129: {  	_ =	swait.ge [sflag:s25], $0x200  }
0x12a: {  	[sflag:s25] =	ssyncset.done $0x0  }
0x12b: {  	[sflag:s25] =	ssyncadd.s32 $0xFFFFFE00  }
0x12c: {  	_ =	swait.ge [sflag:s25], $0x200  }
0x12d: {  	[sflag:s25] =	ssyncset.done $0x0  }
0x12e: {  	[sflag:s25] =	ssyncadd.s32 $0xFFFFFE00  }
0x12f: {  	_ =	swait.ge [sflag:s25], $0x200  }
0x130: {  	[sflag:s25] =	ssyncset.done $0x0  }
0x131: {  	[sflag:s25] =	ssyncadd.s32 $0xFFFFFE00  }
0x132: {  	_ =	swait.ge [sflag:s25], $0x200  }
0x133: {  	[sflag:s25] =	ssyncset.done $0x0  }
0x134: {  	[sflag:s25] =	ssyncadd.s32 $0xFFFFFE00  }
0x135: {  	_ =	swait.ge [sflag:s25], $0x200  }
0x136: {  	[sflag:s25] =	ssyncset.done $0x0  }
0x137: {  	[sflag:s25] =	ssyncadd.s32 $0xFFFFFE00  }
0x138: {  	_ =	swait.ge [sflag:s25], $0x200  }
0x139: {  	[sflag:s25] =	ssyncset.done $0x0  }
0x13a: {  	[sflag:s25] =	ssyncadd.s32 $0xFFFFFE00  }
0x13b: {  	_ =	swait.ge [sflag:s25], $0x200  }
0x13c: {  	[sflag:s25] =	ssyncset.done $0x0  }
0x13d: {  	[sflag:s25] =	ssyncadd.s32 $0xFFFFFE00  }
0x13e: {  	_ =	swait.ge [sflag:s25], $0x200  }
0x13f: {  	[sflag:s25] =	ssyncset.done $0x0  }
0x140: {  	[sflag:s25] =	ssyncadd.s32 $0xFFFFFE00  }
0x141: {  	_ =	swait.ge [sflag:s25], $0x200  }
0x142: {  	[sflag:s25] =	ssyncset.done $0x0  }
0x143: {  	[sflag:s25] =	ssyncadd.s32 $0xFFFFFE00  }
0x144: {  	_ =	swait.ge [sflag:s25], $0x200  }
0x145: {  	[sflag:s25] =	ssyncset.done $0x0  }
0x146: {  	s9 =	simm.s32 $0x0;
	s13 =	simm.s32 $0x0;
	[sflag:s25] =	ssyncadd.s32 $0xFFFFFE00  }
.LBB2_3:
0x147: {  	v27 =	vor.u32 s9, v1;
	v33 =	vor.u32 s9, v9  }
0x148: {  	v32 =	vand.u32 v7, v27;
	_ =	sdelay $0x1  }
0x149: {  	v34 =	vor.u32 s9, v10;
	_ =	sdelay $0x1  }
0x14a: {  	v28 =	vor.u32 s9, v11;
	v29 =	vld.idx.msk [tilespmem:v33+s17+$0x0], $0xffff  }
0x14b: {  	v27 =	vld.idx.msk [tilespmem:v32+s17+$0x0], $0xffff;
	_ =	sdelay $0x1  }
0x14c: {  	v30 =	vld.idx.msk [tilespmem:v34+s17+$0x0], $0xffff;
	_ =	sdelay $0x1  }
0x14d: {  	v28 =	vld.idx.msk [tilespmem:v28+s17+$0x0], $0xffff  }
0x14e: {  	v35 =	vmul.f32 v29, v29;
	v31 =	vmul.f32 v27, v27;
	_ =	sdelay $0x1  }
0x14f: {  	v59 =	vmul.f32 v30, v30;
	v31 =	vadd.f32 v35, v31;
	_ =	sdelay $0x1  }
0x150: {  	v60 =	vmul.f32 v28, v28;
	v31 =	vadd.f32 v59, v31;
	_ =	sdelay $0x1  }
0x151: {  	v31 =	vadd.f32 v60, v31;
	_ =	sdelay $0x1  }
0x152: {  	v35 =	vmax.f32 v31, $1.000000000e-30  }
0x153: {  	v36 =	vshrl.u32 v35, $0x1;
	v35 =	vmul.f32 $5.000000000e-01, v35  }
0x154: {  	v36 =	vsub.s32 $0x5F3759DF, v36  }
0x155: {  	v37 =	vmul.f32 v36, v35;
	_ =	sdelay $0x1  }
0x156: {  	v37 =	vmul.f32 v36, v37;
	_ =	sdelay $0x1  }
0x157: {  	v37 =	vsub.f32 $1.500000000e+00, v37;
	_ =	sdelay $0x1  }
0x158: {  	v36 =	vmul.f32 v36, v37;
	_ =	sdelay $0x1  }
0x159: {  	v37 =	vmul.f32 v36, v35;
	_ =	sdelay $0x1  }
0x15a: {  	v37 =	vmul.f32 v37, v36;
	_ =	sdelay $0x1  }
0x15b: {  	v37 =	vsub.f32 $1.500000000e+00, v37;
	_ =	sdelay $0x1  }
0x15c: {  	v36 =	vmul.f32 v37, v36;
	_ =	sdelay $0x1  }
0x15d: {  	v35 =	vmul.f32 v36, v35;
	_ =	sdelay $0x1  }
0x15e: {  	v35 =	vmul.f32 v35, v36;
	_ =	sdelay $0x1  }
0x15f: {  	v35 =	vsub.f32 $1.500000000e+00, v35;
	_ =	sdelay $0x1  }
0x160: {  	v35 =	vmul.f32 v35, v36;
	_ =	sdelay $0x1  }
0x161: {  	v31 =	vmul.f32 v35, v31;
	_ =	sdelay $0x1  }
0x162: {  	v31 =	vadd.f32 $9.999999930e-09, v31;
	_ =	sdelay $0x1  }
0x163: {  	(erf) = vrcp.f32 v31;
	_ =	sdelay $0x1  }
0x164: {  	v62 =	vadd.s32 s13, v3  }
0x165: {  	v61 =	vadd.s32 s13, v0;
	v35 =	vand.u32 $0xFF8, v62  }
0x166: {  	v52 =	vadd.s32 s13, v5;
	v63 =	vor.u32 v4, v35;
	v31 =	vand.u32 $0xFF8, v61  }
0x167: {  	v35 =	vand.u32 $0xFF8, v52;
	v31 =	vor.u32 v2, v31  }
0x168: {  	v37 =	vor.u32 v6, v35;
	_ =	sdelay $0x1  }
0x169: {  	v59 =	vmov s3  }
0x16a: {  	v35 =	vshll.u32 v59, $0x3;
	v54 =	vld.idx.msk [tilespmem:v63+s16+$0x0], $0xffff;
	v38 =	vpop (erf)  }
0x16b: {  	v60 =	vor.u32 v8, v35;
	v39 =	vld.idx.msk [tilespmem:v31+s16+$0x0], $0xffff;
	v30 =	vmul.f32 v38, v30;
	v53 =	vmul.f32 v38, v28  }
0x16c: {  	v52 =	vor.u32 v25, v35;
	v55 =	vld.idx.msk [tilespmem:v37+s16+$0x0], $0xffff;
	v29 =	vmul.f32 v38, v29;
	v38 =	vmul.f32 v38, v27  }
0x16d: {  	v61 =	vor.u32 $0x1, v60;
	v40 =	vmul.f32 v30, v30;
	v41 =	vmul.f32 v53, v53  }
0x16e: {  	v50 =	vor.u32 $0x2, v60;
	v42 =	vmul.f32 v29, v29;
	v44 =	vmul.f32 v30, v29  }
0x16f: {  	v28 =	vand.u32 $0x7FFFFFFF, v54;
	v45 =	vmul.f32 v53, v38;
	v46 =	vmul.f32 v53, v29  }
0x170: {  	v27 =	vand.u32 $0x7FFFFFFF, v39;
	v47 =	vmul.f32 v30, v38;
	v49 =	vmul.f32 v53, v30  }
0x171: {  	v38 =	vmul.f32 v29, v38;
	v29 =	vand.u32 $0x7FFFFFFF, v55;
	v30 =	vld.idx.msk [tilespmem:v31+s18+$0x0], $0xffff;
	vm0 =	vle.f32 v27, v28  }
0x172: {  	v31 =	vld.idx.msk [tilespmem:v63+s18+$0x0], $0xffff;
	v63 =	vor.u32 v26, v35;
	v43 =	vadd.f32 v41, v40;
	v48 =	vadd.f32 v45, v44  }
0x173: {  	vm1 =	vle.f32 v27, v29;
	v41 =	vadd.f32 v41, v42;
	v56 =	vsub.f32 v46, v47  }
0x174: {  	vm0 =	vmneg vm0;
	v58 =	vsub.f32 v44, v45;
	v45 =	vadd.f32 v38, v49  }
0x175: {  	vm15 =	vle.f32 v28, v29;
	v46 =	vadd.f32 v47, v46;
	v40 =	vadd.f32 v40, v42  }
0x176: {  	v51 =	vld.idx.msk [tilespmem:v33+s15+$0x0], $0xffff;
	vm1 =	vmneg vm1;
	v62 =	vsub.f32 v49, v38;
	v43 =	vadd.f32 v43, v43  }
0x177: {  	v36 =	vld.idx.msk [tilespmem:v61+s20+$0x0], $0xffff;
	vm0 =	vmor vm0, vm1;
	v48 =	vadd.f32 v48, v48;
	v57 =	vadd.f32 v41, v41  }
0x178: {  	v47 =	vld.idx.msk [tilespmem:v32+s15+$0x0], $0xffff;
	v39 =	vadd.f32 v56, v56;
	vm1 =	vmand vm15, vm0;
	v54 =	vadd.f32 v40, v40  }
0x179: {  	v49 =	vld.idx.msk [tilespmem:v34+s15+$0x0], $0xffff;
	v40 =	vor.u32 $0x1, v63;
	v56 =	vadd.f32 v62, v62;
	v59 =	vadd.f32 v45, v45  }
0x17a: {  	v42 =	vld.idx.msk [tilespmem:v60+s20+$0x0], $0xffff;
	v62 =	vor.u32 $0x1, v52;
	v55 =	vsel vm1, v58, v46;
	v58 =	vor.u32 $0x2, v63  }
0x17b: {  	v38 =	vld.idx.msk [tilespmem:v63+s20+$0x0], $0xffff;
	v63 =	vor.u32 $0x2, v52;
	v44 =	vsub.f32 $1.000000000e+00, v57;
	v60 =	vsub.f32 $1.000000000e+00, v54  }
0x17c: {  	v41 =	vld.idx.msk [tilespmem:v50+s20+$0x0], $0xffff;
	v50 =	vmul.f32 v30, v30;
	v43 =	vsub.f32 $1.000000000e+00, v43;
	v57 =	vadd.f32 v55, v55  }
0x17d: {  	v61 =	vsel vm1, v44, v56;
	v34 =	vsel vm1, v59, v60;
	v56 =	vor.u32 v24, v35;
	v59 =	vld.idx.msk [tilespmem:v52+s20+$0x0], $0xffff  }
0x17e: {  	v53 =	vmul.f32 v31, v31;
	v32 =	vsel vm0, v57, v43;
	v40 =	vld.idx.msk [tilespmem:v40+s20+$0x0], $0xffff;
	v57 =	vor.u32 $0x1, v56  }
0x17f: {  	v33 =	vsel vm0, v61, v48;
	v54 =	vmul.f32 v32, v47;
	v43 =	vld.idx.msk [tilespmem:v62+s20+$0x0], $0xffff;
	v61 =	vor.u32 v23, v35  }
0x180: {  	v34 =	vsel vm0, v34, v39;
	v60 =	vor.u32 $0x2, v56;
	v55 =	vmul.f32 v33, v51;
	v39 =	vld.idx.msk [tilespmem:v58+s20+$0x0], $0xffff  }
0x181: {  	v42 =	vmul.f32 v32, v42;
	v58 =	vmul.f32 v34, v49;
	v44 =	vld.idx.msk [tilespmem:v63+s20+$0x0], $0xffff;
	v62 =	vor.u32 $0x1, v61  }
0x182: {  	v36 =	vmul.f32 v33, v36;
	v41 =	vmul.f32 v34, v41;
	v45 =	vadd.f32 v55, v54;
	v48 =	vld.idx.msk [tilespmem:v56+s20+$0x0], $0xffff  }
0x183: {  	v56 =	vor.u32 $0x2, v61;
	v49 =	vmul.f32 v32, v59;
	v59 =	vor.u32 v22, v35;
	v63 =	vld.idx.msk [tilespmem:v57+s20+$0x0], $0xffff  }
0x184: {  	v38 =	vmul.f32 v32, v38;
	v45 =	vadd.f32 v45, v58;
	v58 =	vld.idx.msk [tilespmem:v61+s20+$0x0], $0xffff;
	v61 =	vor.u32 $0x1, v59  }
0x185: {  	v42 =	vadd.f32 v36, v42;
	v40 =	vmul.f32 v33, v40;
	v57 =	vld.idx.msk [tilespmem:v60+s20+$0x0], $0xffff;
	v43 =	vmul.f32 v33, v43  }
0x186: {  	v39 =	vmul.f32 v34, v39;
	v60 =	vld.idx.msk [tilespmem:v62+s20+$0x0], $0xffff;
	v62 =	vor.u32 $0x2, v59;
	v36 =	vsub.f32 $0.0e+00, v45  }
0x187: {  	v44 =	vmul.f32 v34, v44;
	v40 =	vadd.f32 v40, v38;
	v43 =	vadd.f32 v43, v49  }
0x188: {  	v46 =	vld.idx.msk [tilespmem:v56+s20+$0x0], $0xffff;
	v56 =	vor.u32 v20, v35;
	v45 =	vmul.f32 v33, v63;
	v63 =	vor.u32 v21, v35  }
0x189: {  	v41 =	vadd.f32 v42, v41;
	v43 =	vadd.f32 v43, v44;
	v55 =	vld.idx.msk [tilespmem:v61+s20+$0x0], $0xffff;
	v61 =	vor.u32 $0x1, v56  }
0x18a: {  	v39 =	vadd.f32 v40, v39;
	v48 =	vmul.f32 v32, v48;
	v44 =	vor.u32 $0x1, v63  }
0x18b: {  	v38 =	vadd.f32 v36, v41;
	v52 =	vor.u32 $0x2, v63;
	v40 =	vadd.f32 v36, v43;
	v43 =	vld.idx.msk [tilespmem:v62+s20+$0x0], $0xffff  }
0x18c: {  	v42 =	vmul.f32 v34, v57;
	v39 =	vadd.f32 v36, v39;
	v45 =	vadd.f32 v45, v48;
	v48 =	vld.idx.msk [tilespmem:v59+s20+$0x0], $0xffff  }
0x18d: {  	v51 =	vmul.f32 v32, v58;
	v54 =	vmul.f32 v33, v60;
	v49 =	vld.idx.msk [tilespmem:v63+s20+$0x0], $0xffff  }
0x18e: {  	v50 =	vadd.f32 v53, v50;
	v60 =	vadd.f32 v39, v38;
	v47 =	vld.idx.msk [tilespmem:v61+s20+$0x0], $0xffff  }
0x18f: {  	v57 =	vor.u32 $0x2, v56;
	v62 =	vadd.f32 v54, v51;
	v42 =	vadd.f32 v45, v42;
	v44 =	vld.idx.msk [tilespmem:v44+s20+$0x0], $0xffff  }
0x190: {  	v54 =	vor.u32 v19, v35;
	v46 =	vmul.f32 v34, v46;
	v63 =	vadd.f32 v60, v40;
	v45 =	vld.idx.msk [tilespmem:v52+s20+$0x0], $0xffff  }
0x191: {  	v60 =	vmul.f32 v33, v55;
	v61 =	vor.u32 $0x1, v54;
	v41 =	vadd.f32 v36, v42;
	v52 =	vld.idx.msk [tilespmem:v56+s20+$0x0], $0xffff  }
0x192: {  	v37 =	vld.idx.msk [tilespmem:v37+s18+$0x0], $0xffff;
	v58 =	vadd.f32 v62, v46;
	v43 =	vmul.f32 v34, v43;
	v59 =	vmul.f32 v32, v48  }
0x193: {  	v62 =	vor.u32 $0x2, v54;
	v51 =	vadd.f32 v63, v41;
	v63 =	vor.u32 v18, v35  }
0x194: {  	v42 =	vadd.f32 v36, v58;
	v58 =	vor.u32 v17, v35;
	v46 =	vadd.f32 v60, v59  }
0x195: {  	v53 =	vld.idx.msk [tilespmem:v57+s20+$0x0], $0xffff;
	v60 =	vor.u32 $0x1, v63;
	v49 =	vmul.f32 v32, v49;
	v47 =	vmul.f32 v33, v47  }
0x196: {  	v54 =	vld.idx.msk [tilespmem:v54+s20+$0x0], $0xffff;
	v48 =	vor.u32 $0x1, v58;
	v44 =	vmul.f32 v33, v44;
	v52 =	vmul.f32 v32, v52  }
0x197: {  	v56 =	vmul.f32 v37, v37;
	v55 =	vld.idx.msk [tilespmem:v61+s20+$0x0], $0xffff;
	v43 =	vadd.f32 v46, v43  }
0x198: {  	v57 =	vor.u32 $0x2, v63;
	v49 =	vadd.f32 v44, v49;
	v47 =	vadd.f32 v47, v52;
	v52 =	vld.idx.msk [tilespmem:v63+s20+$0x0], $0xffff  }
0x199: {  	v45 =	vmul.f32 v34, v45;
	v44 =	vadd.f32 v36, v43;
	v43 =	vadd.f32 v56, v50;
	v50 =	vld.idx.msk [tilespmem:v58+s20+$0x0], $0xffff  }
0x19a: {  	v59 =	vor.u32 v16, v35;
	v46 =	vld.idx.msk [tilespmem:v60+s20+$0x0], $0xffff  }
0x19b: {  	v48 =	vld.idx.msk [tilespmem:v48+s20+$0x0], $0xffff;
	v61 =	vadd.f32 v49, v45;
	v49 =	vmul.f32 v53, v34;
	v53 =	vor.u32 $0x2, v58  }
0x19c: {  	v51 =	vadd.f32 v51, v42;
	v45 =	vld.idx.msk [tilespmem:v62+s20+$0x0], $0xffff;
	v58 =	vor.u32 v15, v35  }
0x19d: {  	v56 =	vor.u32 $0x2, v59;
	v47 =	vadd.f32 v49, v47;
	v49 =	vld.idx.msk [tilespmem:v57+s20+$0x0], $0xffff;
	v57 =	vor.u32 $0x1, v59  }
0x19e: {  	v54 =	vmul.f32 v54, v32;
	v51 =	vadd.f32 v51, v44;
	v55 =	vmul.f32 v55, v33  }
0x19f: {  	v62 =	vor.u32 $0x2, v58;
	v60 =	vadd.f32 v36, v61;
	v61 =	vor.u32 $0x1, v58;
	v59 =	vld.idx.msk [tilespmem:v59+s20+$0x0], $0xffff  }
0x1a0: {  	v54 =	vadd.f32 v55, v54;
	v52 =	vmul.f32 v52, v32;
	v50 =	vmul.f32 v50, v32;
	v53 =	vld.idx.msk [tilespmem:v53+s20+$0x0], $0xffff  }
0x1a1: {  	v51 =	vadd.f32 v51, v60;
	v47 =	vadd.f32 v36, v47;
	v46 =	vmul.f32 v46, v33;
	v58 =	vld.idx.msk [tilespmem:v58+s20+$0x0], $0xffff  }
0x1a2: {  	v48 =	vmul.f32 v48, v33;
	v45 =	vmul.f32 v45, v34;
	v55 =	vld.idx.msk [tilespmem:v57+s20+$0x0], $0xffff;
	v57 =	vor.u32 v14, v35  }
0x1a3: {  	v46 =	vadd.f32 v46, v52;
	v52 =	vld.idx.msk [tilespmem:v56+s20+$0x0], $0xffff;
	v49 =	vmul.f32 v49, v34;
	v56 =	vor.u32 $0x1, v57  }
0x1a4: {  	v45 =	vadd.f32 v45, v54;
	v54 =	vld.idx.msk [tilespmem:v61+s20+$0x0], $0xffff;
	v61 =	vor.u32 v13, v35;
	v63 =	vor.u32 $0x2, v57  }
0x1a5: {  	v51 =	vadd.f32 v51, v47;
	v48 =	vadd.f32 v48, v50;
	v50 =	vor.u32 $0x1, v61  }
0x1a6: {  	v59 =	vmul.f32 v59, v32;
	v46 =	vadd.f32 v49, v46;
	v49 =	vld.idx.msk [tilespmem:v62+s20+$0x0], $0xffff;
	v45 =	vadd.f32 v45, v36  }
0x1a7: {  	v35 =	vor.u32 v12, v35;
	v62 =	vor.u32 $0x2, v61;
	v55 =	vmul.f32 v55, v33;
	v57 =	vld.idx.msk [tilespmem:v57+s20+$0x0], $0xffff  }
0x1a8: {  	v53 =	vmul.f32 v53, v34;
	v58 =	vmul.f32 v58, v32;
	v51 =	vadd.f32 v51, v45;
	v56 =	vld.idx.msk [tilespmem:v56+s20+$0x0], $0xffff  }
0x1a9: {  	v54 =	vmul.f32 v54, v33;
	v55 =	vadd.f32 v55, v59;
	v59 =	vld.idx.msk [tilespmem:v63+s20+$0x0], $0xffff;
	v63 =	vor.u32 $0x1, v35  }
0x1aa: {  	v52 =	vmul.f32 v52, v34;
	v46 =	vadd.f32 v46, v36;
	v48 =	vadd.f32 v53, v48;
	v50 =	vld.idx.msk [tilespmem:v50+s20+$0x0], $0xffff  }
0x1ab: {  	v61 =	vld.idx.msk [tilespmem:v61+s20+$0x0], $0xffff;
	v53 =	vor.u32 $0x2, v35;
	v54 =	vadd.f32 v54, v58;
	v49 =	vmul.f32 v49, v34  }
0x1ac: {  	v51 =	vadd.f32 v51, v46;
	v48 =	vadd.f32 v48, v36;
	v35 =	vld.idx.msk [tilespmem:v35+s20+$0x0], $0xffff  }
0x1ad: {  	v52 =	vadd.f32 v52, v55;
	v55 =	vld.idx.msk [tilespmem:v62+s20+$0x0], $0xffff;
	v49 =	vadd.f32 v49, v54  }
0x1ae: {  	v51 =	vadd.f32 v51, v48;
	v62 =	vmul.f32 v57, v32;
	v56 =	vmul.f32 v56, v33;
	v57 =	vld.idx.msk [tilespmem:v63+s20+$0x0], $0xffff  }
0x1af: {  	v52 =	vadd.f32 v52, v36;
	v50 =	vmul.f32 v50, v33;
	v49 =	vadd.f32 v49, v36  }
0x1b0: {  	v53 =	vld.idx.msk [tilespmem:v53+s20+$0x0], $0xffff;
	v63 =	vmul.f32 v59, v34;
	v54 =	vadd.f32 v56, v62;
	v62 =	vmul.f32 v61, v32  }
0x1b1: {  	v35 =	vmul.f32 v35, v32;
	v51 =	vadd.f32 v52, v51;
	v61 =	vmax.f32 v43, $1.000000000e-30  }
0x1b2: {  	v55 =	vmul.f32 v55, v34;
	v54 =	vadd.f32 v63, v54;
	v50 =	vadd.f32 v50, v62  }
0x1b3: {  	v51 =	vadd.f32 v49, v51;
	v62 =	vshrl.u32 v61, $0x1;
	v63 =	vmul.f32 v57, v33  }
0x1b4: {  	v54 =	vadd.f32 v54, v36;
	v50 =	vadd.f32 v55, v50;
	v55 =	vmul.f32 $5.000000000e-01, v61  }
0x1b5: {  	v53 =	vmul.f32 v53, v34;
	v56 =	vsub.s32 $0x5F3759DF, v62;
	v35 =	vadd.f32 v63, v35  }
0x1b6: {  	v51 =	vadd.f32 v54, v51;
	v63 =	vmul.f32 v56, v55  }
0x1b7: {  	v50 =	vadd.f32 v50, v36;
	v35 =	vadd.f32 v53, v35  }
0x1b8: {  	v58 =	vmul.f32 v56, v63  }
0x1b9: {  	v57 =	vadd.f32 v50, v51;
	v35 =	vadd.f32 v35, v36  }
0x1ba: {  	v51 =	vsub.f32 $1.500000000e+00, v58  }
0x1bb: {  	v36 =	vadd.f32 v35, v57  }
0x1bc: {  	v51 =	vmul.f32 v56, v51  }
0x1bd: {  	v36 =	vmul.f32 $6.250000000e-02, v36  }
0x1be: {  	v59 =	vmul.f32 v51, v55  }
0x1bf: {  	v38 =	vsub.f32 v38, v36;
	v39 =	vsub.f32 v39, v36  }
0x1c0: {  	v61 =	vmul.f32 v59, v51  }
0x1c1: {  	v40 =	vsub.f32 v40, v36;
	v38 =	vand.u32 $0x7FFFFFFF, v38;
	v39 =	vand.u32 $0x7FFFFFFF, v39  }
0x1c2: {  	v38 =	vadd.f32 v39, v38;
	v39 =	vsub.f32 $1.500000000e+00, v61  }
0x1c3: {  	v41 =	vsub.f32 v41, v36;
	v40 =	vand.u32 $0x7FFFFFFF, v40  }
0x1c4: {  	v38 =	vadd.f32 v38, v40;
	v39 =	vmul.f32 v39, v51  }
0x1c5: {  	v63 =	vsub.f32 v42, v36;
	v62 =	vand.u32 $0x7FFFFFFF, v41  }
0x1c6: {  	v38 =	vadd.f32 v38, v62;
	v56 =	vmul.f32 v39, v55  }
0x1c7: {  	v53 =	vsub.f32 v44, v36;
	v51 =	vand.u32 $0x7FFFFFFF, v63  }
0x1c8: {  	v38 =	vadd.f32 v38, v51;
	v40 =	vmul.f32 v56, v39  }
0x1c9: {  	v57 =	vsub.f32 v60, v36;
	v41 =	vand.u32 $0x7FFFFFFF, v53  }
0x1ca: {  	v38 =	vadd.f32 v38, v41;
	v40 =	vsub.f32 $1.500000000e+00, v40  }
0x1cb: {  	v59 =	vsub.f32 v47, v36;
	v58 =	vand.u32 $0x7FFFFFFF, v57  }
0x1cc: {  	v38 =	vadd.f32 v38, v58;
	v39 =	vmul.f32 v40, v39  }
0x1cd: {  	v60 =	vand.u32 $0x7FFFFFFF, v59;
	v61 =	vsub.f32 v45, v36  }
0x1ce: {  	v38 =	vadd.f32 v38, v60;
	v39 =	vmul.f32 v39, v43  }
0x1cf: {  	v63 =	vsub.f32 v46, v36;
	v62 =	vand.u32 $0x7FFFFFFF, v61  }
0x1d0: {  	v38 =	vadd.f32 v38, v62;
	v39 =	vadd.f32 $9.999999930e-09, v39  }
0x1d1: {  	v45 =	vsub.f32 v48, v36;
	v44 =	vand.u32 $0x7FFFFFFF, v63  }
0x1d2: {  	v38 =	vadd.f32 v38, v44;
	(erf) = vrcp.f32 v39  }
0x1d3: {  	v47 =	vsub.f32 v52, v36;
	v46 =	vand.u32 $0x7FFFFFFF, v45  }
0x1d4: {  	v38 =	vadd.f32 v38, v46  }
0x1d5: {  	v49 =	vsub.f32 v49, v36;
	v48 =	vand.u32 $0x7FFFFFFF, v47  }
0x1d6: {  	v30 =	vmul.f32 v32, v30;
	v31 =	vmul.f32 v33, v31;
	v38 =	vadd.f32 v38, v48  }
0x1d7: {  	v52 =	vsub.f32 v54, v36;
	v51 =	vand.u32 $0x7FFFFFFF, v49  }
0x1d8: {  	v30 =	vadd.f32 v31, v30;
	v56 =	vmul.f32 v34, v37;
	v53 =	vadd.f32 v38, v51  }
0x1d9: {  	v54 =	vand.u32 $0x7FFFFFFF, v52;
	v55 =	vsub.f32 v50, v36  }
0x1da: {  	v30 =	vadd.f32 v30, v56;
	v32 =	vadd.f32 v53, v54  }
0x1db: {  	v57 =	vand.u32 $0x7FFFFFFF, v55;
	v58 =	vsub.f32 v35, v36;
	v60 =	vpop (erf)  }
0x1dc: {  	v59 =	vadd.f32 v32, v57;
	v30 =	vmul.f32 v30, v60  }
0x1dd: {  	p0 =	sne.s32 s13, $0x510;
	v61 =	vand.u32 $0x7FFFFFFF, v58  }
.Ltmp0:
0x1de: {  	v28 =	vmin.f32 v28, v29;
	v31 =	vadd.f32 v59, v61;
	v62 =	vand.u32 $0x7FFFFFFF, v30;
	(pc) =	sbr.rel @p0 .LBB2_3-.Ltmp0, $4  }
0x1df: {  	s0 =	sshra.s32 s9, $0x2;
	v27 =	vmin.f32 v27, v28;
	v28 =	vsub.f32 $1.000000000e+00, v62  }
0x1e0: {  	[tilespmem:s0+$0x11480] =	vst v27;
	v63 =	vmul.f32 $6.250000000e-02, v31  }
0x1e1: {  	[tilespmem:s0+$0x11800] =	vst v28  }
0x1e2: {  	s9 =	sadd.s32 $0x40, s9;
	s13 =	sadd.s32 $0x30, s13;
	s3 =	sadd.s32 $0x100, s3;
	[tilespmem:s0+$0x11640] =	vst v63  }
0x1e3: {  	s0 =	sshrl.u32 s31, $0x3;
	s3 =	rddreg [dreg:$0x6]  }
0x1e4: {  	s3 =	sadd.s32 s3, s0  }
0x1e5: {  	[hbm4b:s3+s10] =	stream.linear.scatter [tilespmem:s26], [sflag:$0x2], $0x1C0, $0x38;
	[tilespmem:$0x119C0] =	vst v63  }
0x1e6: {  	_ =	swait.ge [sflag:s14], $0x1C0  }
0x1e7: {  	[sflag:s14] =	ssyncset.done $0x0  }
0x1e8: {  	[sflag:s14] =	ssyncadd.s32 $0xFFFFFE40  }
0x1e9: {  	s13 =	rddreg [dreg:$0x7]  }
0x1ea: {  	s3 =	sadd.s32 s13, s0  }
0x1eb: {  	[hbm4b:s3+s10] =	stream.linear.scatter [tilespmem:s28], [sflag:$0x2], $0x1C0, $0x38;
	[tilespmem:$0x119C0] =	vst v63  }
0x1ec: {  	_ =	swait.ge [sflag:s14], $0x1C0  }
0x1ed: {  	[sflag:s14] =	ssyncset.done $0x0  }
0x1ee: {  	s30 =	sadd.s32 $0x1, s30;
	[sflag:s14] =	ssyncadd.s32 $0xFFFFFE40  }
0x1ef: {  	p0 =	sne.s32 s30, $0x7;
	s31 =	rddreg [dreg:$0x8]  }
.Ltmp1:
0x1f0: {  	s0 =	sadd.s32 s31, s0;
	(pc) =	sbr.rel @p0 .LBB2_2-.Ltmp1, $4  }
0x1f1: {  	[hbm4b:s0+s10] =	stream.linear.scatter [tilespmem:s29], [sflag:$0x2], $0x1C0, $0x38;
	[tilespmem:$0x119C0] =	vst v63  }
0x1f2: {  	_ =	swait.ge [sflag:s14], $0x1C0  }
0x1f3: {  	[sflag:s14] =	ssyncset.done $0x0  }
0x1f4: {  	[sflag:s14] =	ssyncadd.s32 $0xFFFFFE40  }
0x1f5: {  	s3 =	rddreg [dreg:$0xb]  }
0x1f6: {  	s0 =	rddreg [dreg:$0xa];
	s3 =	sadd.s32 $0x1, s3  }
0x1f7: {  	p0 =	sne.s32 s3, s0  }
.Ltmp2:
0x1f8: {  	_ = 	snop;
	(pc) =	sbr.rel @p0 .LBB2_1-.Ltmp2, $1  }
0x1f9: {  	_ =	sdelay $0x3  }
0x1fa: {  	_ =	sfence.sel $0x180000  }
0x1fb: {  	[bflag:$0x0] =	sbarrier.arrive $0xFFFF  }
0x1fc: {  	_ =	strace $0x90000047  }
0x1fd: {  	s0 =	stileid.u32;
	[bflag:$0x2] =	sbarrier.arrive $0xFFFF  }
0x1fe: {  	p0 =	sne.s32 s0, $0x0;
	s0 =	rddreg [dreg:$0x9]  }
0x1ff: {  	s0 =	sadd.s32 @!p0 $0x100000, s0  }
0x200: {  	[sflag:s0] =	ssyncadd.tile.s32 @!p0 $0x1;
	_ =	shalt  }
.Lfunc_end2:
_tile_overlayer_lowered:
.L_overlay_start_2:
0x201: {  	(tag) =	ssettag $0x2  }
0x202: {  	s0 =	rddreg [dreg:$0x0];
	s2 =	stileid.u32  }
0x203: {  	s1 =	rddreg [dreg:$0x1];
	p0 =	sne.s32 s2, $0x0  }
0x204: {  	s3 =	rddreg [dreg:$0x2];
	[bflag:$0x3] =	sbarrier.arrive $0xFFFF;
	s2 =	simm.s32 @!p0 $0x1C02  }
0x205: {  	[timem:s3], [sflag:s2] =	dma.local @!p0 [hbm:s0], s1  }
0x206: {  	s0 =	simm.s32 @!p0 $0x2  }
0x207: {  	_ =	swait.ge @!p0 [sflag:s0], s1  }
0x208: {  	s1 =	ssub.s32 @!p0 $0x0, s1;
	[sflag:s0] =	ssyncset.done @!p0 $0x0  }
0x209: {  	[sflag:s0] =	ssyncadd.s32 @!p0 s1  }
0x20a: {  	[bflag:$0x3] =	sbarrier.arrive $0xFFFF  }
0x20b: {  	_ =	shalt  }

</sc_bundles>
